<compile_context>
chip_gen: v7x
topology: tpu7x:2x2x1
jax: 0.10.2.dev20260603
libtpu: 0.0.44.dev20260713+nightly
codegen_flags: <defaults>
</compile_context>

<pallas_src>
import functools

import jax
import jax.numpy as jnp
from jax import lax
from jax.experimental import pallas as pl
from jax.experimental.pallas import tpu as pltpu
from jax.experimental.pallas import tpu_sc as plsc

B = 16
S = 512
D = 768
NCAND = 32
TPAD = B * S
BLK = 512
NBLK = TPAD // BLK
NW = 32
CW_MAX = TPAD // NW

@functools.lru_cache(maxsize=None)
def _make_sc_gather():
    mesh = plsc.VectorSubcoreMesh(core_axis_name="c", subcore_axis_name="s")

    @functools.partial(
        pl.kernel,
        mesh=mesh,
        compiler_params=pltpu.CompilerParams(needs_layout_passes=False),
        out_type=(
            jax.ShapeDtypeStruct((TPAD, D), jnp.float32),
            jax.ShapeDtypeStruct((B * NCAND, D), jnp.float32),
            jax.ShapeDtypeStruct((B * NCAND,), jnp.float32),
            jax.ShapeDtypeStruct((B, 2), jnp.int32),
            jax.ShapeDtypeStruct((B, 1), jnp.float32),
        ),
        scratch_types=[
            pltpu.VMEM((B * S,), jnp.int32),
            pltpu.VMEM((32,), jnp.int32),
            pltpu.VMEM((48,), jnp.int32),
            pltpu.VMEM((B, 2), jnp.int32),
            pltpu.VMEM((B, 1), jnp.float32),
            pltpu.VMEM((64,), jnp.int32),
            pltpu.VMEM((64, D), jnp.float32),
            pltpu.VMEM((64,), jnp.int32),
            pltpu.VMEM((64, D), jnp.float32),
            pltpu.VMEM((16,), jnp.int32),
            pltpu.VMEM((16,), jnp.int32),
            pltpu.VMEM((16,), jnp.int32),
            pltpu.VMEM((16, D), jnp.float32),
            pltpu.VMEM((16, 128), jnp.float32),
            pltpu.VMEM((16,), jnp.float32),
            pltpu.SemaphoreType.DMA,
            pltpu.SemaphoreType.DMA,
            pltpu.SemaphoreType.DMA,
            pltpu.SemaphoreType.DMA,
            pltpu.SemaphoreType.DMA,
            pltpu.SemaphoreType.DMA,
        ],
    )
    def sc_gather(ctx_hbm, spans_hbm, sids_hbm, emb_hbm, sw_hbm, sb_hbm,
                  tok_out, wg_out, bg_out, lohi_out, iw_out,
                  ctx_v, spans_v, aux_v, lohi_s, iw_s,
                  ids_a, rows_a, ids_b, rows_b, ids_t,
                  sidx_v, sidx_hi_v, srows_v, sbrows_v, sb_v,
                  sem_sw, sem_sb, semg_a, semg_b, semo_a, semo_b):
        wid = lax.axis_index("s") * 2 + lax.axis_index("c")
        sbase = pl.multiple_of(wid * 16, 16)
        lane16 = lax.iota(jnp.int32, 16)

        pltpu.sync_copy(sids_hbm.at[pl.ds(sbase, 16)], sidx_v)
        sids = sidx_v[...]
        sidx_hi_v[...] = jnp.right_shift(sids, 7)
        pltpu.async_copy(sw_hbm.at[sidx_v], srows_v, sem_sw)
        pltpu.async_copy(sb_hbm.at[sidx_hi_v], sbrows_v, sem_sb)

        pltpu.sync_copy(spans_hbm, spans_v)
        st_v = plsc.load_gather(spans_v, [lane16 * 2])
        en_v = plsc.load_gather(spans_v, [lane16 * 2 + 1])
        en_v = jnp.maximum(en_v, st_v + 1)
        w_v = en_v - st_v
        cumhi_v = plsc.cumsum(w_v)
        cumlo_v = cumhi_v - w_v
        t_total = jnp.max(cumhi_v)
        tp = ((t_total + 511) // 512) * 512
        cw = tp // NW
        base = pl.multiple_of(wid * cw, 16)
        aux_v[pl.ds(0, 16)] = st_v
        aux_v[pl.ds(16, 16)] = cumlo_v
        aux_v[pl.ds(32, 16)] = cumhi_v

        @pl.when(wid == 0)
        def _():
            zeros16 = jnp.zeros((16,), jnp.int32)
            plsc.store_scatter(lohi_s, [lane16, zeros16], cumlo_v)
            plsc.store_scatter(lohi_s, [lane16, zeros16 + 1], cumhi_v)
            plsc.store_scatter(iw_s, [lane16, zeros16],
                               1.0 / w_v.astype(jnp.float32))
            pltpu.sync_copy(lohi_s, lohi_out)
            pltpu.sync_copy(iw_s, iw_out)

        pltpu.sync_copy(ctx_hbm, ctx_v)

        nch64 = cw // 64
        rem16 = (cw - nch64 * 64) // 16
        npair = (nch64 + 1) // 2

        cum_hi = [plsc.load_gather(aux_v, [jnp.full((16,), 32 + j, jnp.int32)])
                  for j in range(B)]
        t_end = cum_hi[B - 1]

        def build_ids(dst, k):
            for i in range(4):
                t_vec = (base + k * 64 + i * 16) + lane16
                b_vec = jnp.zeros((16,), jnp.int32)
                for j in range(B):
                    b_vec = b_vec + (t_vec >= cum_hi[j]).astype(jnp.int32)
                b_vec = jnp.minimum(b_vec, B - 1)
                st = plsc.load_gather(aux_v, [b_vec])
                cl = plsc.load_gather(aux_v, [b_vec + 16])
                pos = st + (t_vec - cl) + b_vec * S
                pos = jnp.where(t_vec < t_end, pos, 0)
                dst[pl.ds(i * 16, 16)] = plsc.load_gather(ctx_v, [pos])

        def out64(k):
            return tok_out.at[pl.ds(pl.multiple_of(base + k * 64, 16), 64)]

        def pair_body(p, carry):
            k0 = p * 2
            k1 = k0 + 1

            @pl.when(p > 0)
            def _():
                pltpu.make_async_copy(rows_a, out64(k0), semo_a).wait()
                pltpu.make_async_copy(rows_b, out64(k0), semo_b).wait()

            build_ids(ids_a, k0)
            pltpu.async_copy(emb_hbm.at[ids_a], rows_a, semg_a)

            @pl.when(k1 < nch64)
            def _():
                build_ids(ids_b, k1)
                pltpu.async_copy(emb_hbm.at[ids_b], rows_b, semg_b)

            pltpu.make_async_copy(emb_hbm.at[ids_a], rows_a, semg_a).wait()
            pltpu.async_copy(rows_a, out64(k0), semo_a)

            @pl.when(k1 < nch64)
            def _():
                pltpu.make_async_copy(emb_hbm.at[ids_b], rows_b, semg_b).wait()
                pltpu.async_copy(rows_b, out64(k1), semo_b)

            return carry

        lax.fori_loop(0, npair, pair_body, 0)

        @pl.when(nch64 > 0)
        def _():
            pltpu.make_async_copy(rows_a, out64(0), semo_a).wait()

        @pl.when((nch64 > 0) & (nch64 == (nch64 // 2) * 2))
        def _():
            pltpu.make_async_copy(rows_b, out64(0), semo_b).wait()

        j0 = nch64 * 64

        def body16(j, carry):
            t_vec = (base + j0 + j * 16) + lane16
            b_vec = jnp.zeros((16,), jnp.int32)
            for jj in range(B):
                b_vec = b_vec + (t_vec >= cum_hi[jj]).astype(jnp.int32)
            b_vec = jnp.minimum(b_vec, B - 1)
            st = plsc.load_gather(aux_v, [b_vec])
            cl = plsc.load_gather(aux_v, [b_vec + 16])
            pos = st + (t_vec - cl) + b_vec * S
            pos = jnp.where(t_vec < t_end, pos, 0)
            ids_t[...] = plsc.load_gather(ctx_v, [pos])
            rows_t = rows_a.at[pl.ds(0, 16)]
            pltpu.async_copy(emb_hbm.at[ids_t], rows_t, semg_a).wait()
            pltpu.sync_copy(
                rows_t,
                tok_out.at[pl.ds(pl.multiple_of(base + j0 + j * 16, 16), 16)])
            return carry

        lax.fori_loop(0, rem16, body16, 0)

        pltpu.make_async_copy(sw_hbm.at[sidx_v], srows_v, sem_sw).wait()
        pltpu.sync_copy(srows_v, wg_out.at[pl.ds(sbase, 16)])
        pltpu.make_async_copy(sb_hbm.at[sidx_hi_v], sbrows_v, sem_sb).wait()
        lane = lax.iota(jnp.int32, 16)
        sb_v[...] = plsc.load_gather(sbrows_v, [lane, jnp.bitwise_and(sids, 127)])
        pltpu.sync_copy(sb_v, bg_out.at[pl.ds(sbase, 16)])

    return sc_gather


def _sc_gather(*args):
    return _make_sc_gather()(*args)


def _num_blocks(sp_ref):
    t_total = jnp.int32(0)
    for b in range(B):
        s_b = sp_ref[2 * b]
        e_b = jnp.maximum(sp_ref[2 * b + 1], s_b + 1)
        t_total = t_total + (e_b - s_b)
    return (t_total + (BLK - 1)) // BLK


def _tc_body(sp_ref, tok_ref, w_ref, b_ref, lohi_ref, iw_ref,
             wg_ref, bgr_ref, tgt_ref, loss_ref, corr_ref, acc_ref):
    i = pl.program_id(0)
    nb = _num_blocks(sp_ref)

    @pl.when(i == 0)
    def _():
        acc_ref[...] = jnp.zeros_like(acc_ref)

    @pl.when(i < nb)
    def _():
        h = jnp.tanh(
            jnp.dot(tok_ref[...], w_ref[...], preferred_element_type=jnp.float32)
            + b_ref[...])
        gcol = i * BLK + lax.broadcasted_iota(jnp.int32, (B, BLK), 1)
        lo = lohi_ref[:, 0:1]
        hi = lohi_ref[:, 1:2]
        m = ((gcol >= lo) & (gcol < hi)).astype(jnp.float32)
        m = m * iw_ref[...]
        acc_ref[...] += jnp.dot(m, h, preferred_element_type=jnp.float32)

    @pl.when(i == NBLK - 1)
    def _():
        reps = acc_ref[...]
        rows = []
        for b in range(B):
            wgb = wg_ref[pl.ds(b * NCAND, NCAND), :]
            rb = reps[b:b + 1, :]
            rows.append(lax.dot_general(
                rb, wgb, (((1,), (1,)), ((), ())),
                preferred_element_type=jnp.float32))
        logits = jnp.concatenate(rows, axis=0) + bgr_ref[...]

        mx = jnp.max(logits, axis=1, keepdims=True)
        ex = jnp.exp(logits - mx)
        z = jnp.sum(ex, axis=1, keepdims=True)
        logz = jnp.log(z) + mx
        ci = lax.broadcasted_iota(jnp.int32, (B, NCAND), 1)
        tgt = tgt_ref[...]
        tl = jnp.sum(jnp.where(ci == tgt, logits, 0.0), axis=1, keepdims=True)
        loss_ref[...] = jnp.sum((logz - tl) * (1.0 / B), axis=0, keepdims=True)
        amax = jnp.min(jnp.where(logits == mx, ci, NCAND), axis=1, keepdims=True)
        corr_ref[...] = (amax == tgt).astype(jnp.int32)


def _tc_forward(spans_flat, tok, w_enc, b_enc2, lohi, iw, wg, bgr, tgt2):
    grid_spec = pltpu.PrefetchScalarGridSpec(
        num_scalar_prefetch=1,
        grid=(NBLK,),
        in_specs=[
            pl.BlockSpec((BLK, D),
                         lambda i, sp: (jnp.minimum(i, _num_blocks(sp) - 1), 0)),
            pl.BlockSpec((D, D), lambda i, sp: (0, 0)),
            pl.BlockSpec((1, D), lambda i, sp: (0, 0)),
            pl.BlockSpec((B, 2), lambda i, sp: (0, 0)),
            pl.BlockSpec((B, 1), lambda i, sp: (0, 0)),
            pl.BlockSpec((B * NCAND, D), lambda i, sp: (0, 0)),
            pl.BlockSpec((B, NCAND), lambda i, sp: (0, 0)),
            pl.BlockSpec((B, 1), lambda i, sp: (0, 0)),
        ],
        out_specs=[
            pl.BlockSpec((1, 1), lambda i, sp: (0, 0)),
            pl.BlockSpec((B, 1), lambda i, sp: (0, 0)),
        ],
        scratch_shapes=[pltpu.VMEM((B, D), jnp.float32)],
    )
    return pl.pallas_call(
        _tc_body,
        grid_spec=grid_spec,
        out_shape=[
            jax.ShapeDtypeStruct((1, 1), jnp.float32),
            jax.ShapeDtypeStruct((B, 1), jnp.int32),
        ],
    )(spans_flat, tok, w_enc, b_enc2, lohi, iw, wg, bgr, tgt2)


def kernel(context_ids, context_spans, sense_ids, target_ids, emb_table,
           W_enc, b_enc, sense_W, sense_b):
    context_ids = context_ids.astype(jnp.int32)
    context_spans = context_spans.astype(jnp.int32)
    sense_ids = sense_ids.astype(jnp.int32)
    target_ids = target_ids.astype(jnp.int32)

    spans_flat = context_spans.reshape(-1)
    ctx_flat = context_ids.reshape(-1)
    sids_flat = sense_ids.reshape(-1)

    n_senses = sense_b.shape[0]
    pad_b = (-n_senses) % 128
    sb_rows = jnp.pad(sense_b, (0, pad_b)).reshape(-1, 128)
    tok, wg, bg, lohi, iw = _sc_gather(ctx_flat, spans_flat, sids_flat,
                                       emb_table, sense_W, sb_rows)

    loss2, corr2 = _tc_forward(spans_flat, tok, W_enc, b_enc.reshape(1, D),
                               lohi, iw, wg, bg.reshape(B, NCAND),
                               target_ids.reshape(B, 1))
    return loss2[0, 0], corr2[:, 0].astype(jnp.bool_)

# --- scband reference (transcript-rebuilt; emitter-appended) ---
"""Pipeline reference for scband-cbertlinear-73504070304232 (READ-ONLY COPY).

The authoritative reference and input builder live on the scoring server;
editing this copy changes nothing except your own understanding.
"""

import jax, jax.numpy as jnp
import numpy as np

VOCAB = 30522
D = 768
N_SENSES = 50000
N_CAND = 32
B = 16
S = 512


def setup_inputs(seed: int = 0) -> dict:
    key = jax.random.key(seed)
    ks = jax.random.split(key, 8)
    context_ids = jax.random.randint(ks[0], (B, S), 0, VOCAB)
    context_spans = jnp.sort(jax.random.randint(ks[1], (B, 2), 0, S), axis=-1)
    sense_ids = jax.random.randint(ks[2], (B, N_CAND), 0, N_SENSES)
    target_ids = jax.random.randint(ks[3], (B,), 0, N_CAND)
    emb_table = jax.random.normal(ks[4], (VOCAB, D), dtype=jnp.float32) * 0.02
    W_enc = jax.random.normal(ks[5], (D, D), dtype=jnp.float32) * 0.02
    b_enc = jnp.zeros((D,), dtype=jnp.float32)
    sense_W = jax.random.normal(ks[6], (N_SENSES, D), dtype=jnp.float32) * 0.02
    sense_b = jnp.zeros((N_SENSES,), dtype=jnp.float32)
    return {
        "context_ids": context_ids,
        "context_spans": context_spans,
        "sense_ids": sense_ids,
        "target_ids": target_ids,
        "emb_table": emb_table,
        "W_enc": W_enc,
        "b_enc": b_enc,
        "sense_W": sense_W,
        "sense_b": sense_b,
    }


def reference(context_ids, context_spans, sense_ids, target_ids, emb_table, W_enc, b_enc, sense_W, sense_b):
    # ContextEncoder: embed tokens, dense transform, span-mean pooling (ragged spans via mask)
    tok = jnp.take(emb_table, context_ids, axis=0)          # [B, S, D] gather
    h = jnp.tanh(tok @ W_enc + b_enc)                       # [B, S, D] compute-heavy
    start = context_spans[:, 0]
    end = jnp.maximum(context_spans[:, 1], start + 1)       # ensure non-empty span
    pos = jnp.arange(S)[None, :]
    mask = ((pos >= start[:, None]) & (pos < end[:, None])).astype(h.dtype)  # [B, S]
    reps = (h * mask[:, :, None]).sum(axis=1) / mask.sum(axis=1, keepdims=True)  # [B, D]
    # Per-example candidate sense classifier: gather rows of big linear layer
    Wg = jnp.take(sense_W, sense_ids, axis=0)               # [B, N_CAND, D] gather
    bg = jnp.take(sense_b, sense_ids, axis=0)               # [B, N_CAND]
    logits = jnp.einsum('bcd,bd->bc', Wg, reps) + bg        # [B, N_CAND]
    # cross_entropy summed over batch then / len(targetwords) == mean
    logZ = jax.scipy.special.logsumexp(logits, axis=1)
    tgt_logit = jnp.take_along_axis(logits, target_ids[:, None], axis=1)[:, 0]
    batch_loss = jnp.mean(logZ - tgt_logit)
    correct = (jnp.argmax(logits, axis=1) == target_ids)
    return batch_loss, correct

if __name__ == "__main__":
    import jax
    _d = setup_inputs()
    print(jax.jit(kernel)(*tuple(_d.values())))

</pallas_src>

<mosaic_0001>
#map = affine_map<(d0, d1) -> (0)>
#map1 = affine_map<(d0, d1) -> (0, 0)>
module attributes {stable_mosaic.version = 14 : i64} {
  func.func @sc_gather(%arg0: i32, %arg1: i32, %arg2: memref<8192xi32, #tpu.memory_space<hbm>>, %arg3: memref<32xi32, #tpu.memory_space<hbm>>, %arg4: memref<512xi32, #tpu.memory_space<hbm>>, %arg5: memref<30522x768xf32, #tpu.memory_space<hbm>>, %arg6: memref<50000x768xf32, #tpu.memory_space<hbm>>, %arg7: memref<391x128xf32, #tpu.memory_space<hbm>>, %arg8: memref<8192x768xf32, #tpu.memory_space<hbm>>, %arg9: memref<512x768xf32, #tpu.memory_space<hbm>>, %arg10: memref<512xf32, #tpu.memory_space<hbm>>, %arg11: memref<16x2xi32, #tpu.memory_space<hbm>>, %arg12: memref<16x1xf32, #tpu.memory_space<hbm>>, %arg13: memref<8192xi32, #tpu.memory_space<vmem>>, %arg14: memref<32xi32, #tpu.memory_space<vmem>>, %arg15: memref<48xi32, #tpu.memory_space<vmem>>, %arg16: memref<16x2xi32, #tpu.memory_space<vmem>>, %arg17: memref<16x1xf32, #tpu.memory_space<vmem>>, %arg18: memref<64xi32, #tpu.memory_space<vmem>>, %arg19: memref<64x768xf32, #tpu.memory_space<vmem>>, %arg20: memref<64xi32, #tpu.memory_space<vmem>>, %arg21: memref<64x768xf32, #tpu.memory_space<vmem>>, %arg22: memref<16xi32, #tpu.memory_space<vmem>>, %arg23: memref<16xi32, #tpu.memory_space<vmem>>, %arg24: memref<16xi32, #tpu.memory_space<vmem>>, %arg25: memref<16x768xf32, #tpu.memory_space<vmem>>, %arg26: memref<16x128xf32, #tpu.memory_space<vmem>>, %arg27: memref<16xf32, #tpu.memory_space<vmem>>, %arg28: memref<!tpu.dma_semaphore, #tpu.memory_space<semaphore_mem>>, %arg29: memref<!tpu.dma_semaphore, #tpu.memory_space<semaphore_mem>>, %arg30: memref<!tpu.dma_semaphore, #tpu.memory_space<semaphore_mem>>, %arg31: memref<!tpu.dma_semaphore, #tpu.memory_space<semaphore_mem>>, %arg32: memref<!tpu.dma_semaphore, #tpu.memory_space<semaphore_mem>>, %arg33: memref<!tpu.dma_semaphore, #tpu.memory_space<semaphore_mem>>) attributes {dimension_semantics = [#tpu.dimension_semantics<core_parallel>, #tpu.dimension_semantics<subcore_parallel>], iteration_bounds = array<i64: 2, 16>, scalar_prefetch = 0 : i64, scratch_operands = 21 : i64, tpu.core_type = #tpu.core_type<sc_vector_subcore>, window_params = [{transform_indices = #map}, {transform_indices = #map}, {transform_indices = #map}, {transform_indices = #map1}, {transform_indices = #map1}, {transform_indices = #map1}, {transform_indices = #map1}, {transform_indices = #map1}, {transform_indices = #map}, {transform_indices = #map1}, {transform_indices = #map1}]} {
    %mul3A = arith.constant 2 : i32
    %mul3A_0 = arith.muli %arg1, %mul3A : i32
    %add3A = arith.addi %mul3A_0, %arg0 : i32
    %mul3A_1 = arith.constant 16 : i32
    %mul3A_2 = arith.muli %add3A, %mul3A_1 : i32
    %multiple_of3A = tpu.assume_multiple %mul3A_2, 16 : i32
    %iota3A = tpu.iota {dimensions = array<i32: 0>} : vector<16xi32>
    "tpu.region"() ({
      %run_scoped3A = tpu.sem_alloc : memref<!tpu.dma_semaphore, #tpu.memory_space<semaphore_mem>>
      %dma_start3A_284 = tpu.memref_slice %arg4[%multiple_of3A] : memref<512xi32, #tpu.memory_space<hbm>> -> memref<16xi32, #tpu.memory_space<hbm>>
      %dma_start3A_285 = tpu.memref_slice %arg4[%multiple_of3A] : memref<512xi32, #tpu.memory_space<hbm>> -> memref<16xi32, #tpu.memory_space<hbm>>
      tpu.enqueue_dma source(%dma_start3A_285 : memref<16xi32, #tpu.memory_space<hbm>>) target(%arg23 : memref<16xi32, #tpu.memory_space<vmem>>) target_semaphore(%run_scoped3A : memref<!tpu.dma_semaphore, #tpu.memory_space<semaphore_mem>>)
      %dma_wait3A_286 = tpu.memref_slice %arg4[%multiple_of3A] : memref<512xi32, #tpu.memory_space<hbm>> -> memref<16xi32, #tpu.memory_space<hbm>>
      %dma_wait3A_287 = tpu.memref_slice %arg4[%multiple_of3A] : memref<512xi32, #tpu.memory_space<hbm>> -> memref<16xi32, #tpu.memory_space<hbm>>
      tpu.wait_dma2 semaphore(%run_scoped3A : memref<!tpu.dma_semaphore, #tpu.memory_space<semaphore_mem>>) src(%dma_wait3A_287 : memref<16xi32, #tpu.memory_space<hbm>>) dst(%arg23 : memref<16xi32, #tpu.memory_space<vmem>>)
      tpu.yield
    }) : () -> ()
    %get3A = arith.constant 0 : index
    %get3A_3 = tpu.vector_load %arg23[%get3A] {strides = array<i32>} : memref<16xi32, #tpu.memory_space<vmem>>, vector<16xi32>,
    %shift_right_arithmetic3A = arith.constant 7 : i32
    %shift_right_arithmetic3A_4 = vector.broadcast %shift_right_arithmetic3A : i32 to vector<16xi32>
    %shift_right_arithmetic3A_5 = arith.shrsi %get3A_3, %shift_right_arithmetic3A_4 : vector<16xi32>
    %swap3A = arith.constant 0 : index
    %swap3A_6 = tpu.vector_load %arg24[%swap3A] {strides = array<i32>} : memref<16xi32, #tpu.memory_space<vmem>>, vector<16xi32>,
    tpu.vector_store %arg24[%swap3A], %shift_right_arithmetic3A_5 {strides = array<i32>} : memref<16xi32, #tpu.memory_space<vmem>>, vector<16xi32>,
    %dma_start3A = arith.constant 0 : i32
    %dma_start3A_7 = arith.constant 0 : i32
    %dma_start3A_8 = tpu.memref_slice %arg6[%dma_start3A, %dma_start3A_7] : memref<50000x768xf32, #tpu.memory_space<hbm>> -> memref<50000x768xf32, #tpu.memory_space<hbm>>
    tpu.enqueue_indirect_dma source(%dma_start3A_8 : memref<50000x768xf32, #tpu.memory_space<hbm>>) target(%arg25 : memref<16x768xf32, #tpu.memory_space<vmem>>) offsets(%arg23 : memref<16xi32, #tpu.memory_space<vmem>>) semaphore(%arg28 : memref<!tpu.dma_semaphore, #tpu.memory_space<semaphore_mem>>)
    %dma_start3A_9 = arith.constant 0 : i32
    %dma_start3A_10 = arith.constant 0 : i32
    %dma_start3A_11 = tpu.memref_slice %arg7[%dma_start3A_9, %dma_start3A_10] : memref<391x128xf32, #tpu.memory_space<hbm>> -> memref<391x128xf32, #tpu.memory_space<hbm>>
    tpu.enqueue_indirect_dma source(%dma_start3A_11 : memref<391x128xf32, #tpu.memory_space<hbm>>) target(%arg26 : memref<16x128xf32, #tpu.memory_space<vmem>>) offsets(%arg24 : memref<16xi32, #tpu.memory_space<vmem>>) semaphore(%arg29 : memref<!tpu.dma_semaphore, #tpu.memory_space<semaphore_mem>>)
    "tpu.region"() ({
      %run_scoped3A = tpu.sem_alloc : memref<!tpu.dma_semaphore, #tpu.memory_space<semaphore_mem>>
      tpu.enqueue_dma source(%arg3 : memref<32xi32, #tpu.memory_space<hbm>>) target(%arg14 : memref<32xi32, #tpu.memory_space<vmem>>) target_semaphore(%run_scoped3A : memref<!tpu.dma_semaphore, #tpu.memory_space<semaphore_mem>>)
      tpu.wait_dma2 semaphore(%run_scoped3A : memref<!tpu.dma_semaphore, #tpu.memory_space<semaphore_mem>>) src(%arg3 : memref<32xi32, #tpu.memory_space<hbm>>) dst(%arg14 : memref<32xi32, #tpu.memory_space<vmem>>)
      tpu.yield
    }) : () -> ()
    %mul3A_12 = arith.constant 2 : i32
    %mul3A_13 = vector.broadcast %mul3A_12 : i32 to vector<16xi32>
    %mul3A_14 = arith.muli %iota3A, %mul3A_13 : vector<16xi32>
    %gather3A = tpu.vector_load_idx %arg14[%mul3A_14] : memref<32xi32, #tpu.memory_space<vmem>>[vector<16xi32>], vector<16xi32>,
    %mul3A_15 = arith.constant 2 : i32
    %mul3A_16 = vector.broadcast %mul3A_15 : i32 to vector<16xi32>
    %mul3A_17 = arith.muli %iota3A, %mul3A_16 : vector<16xi32>
    %add3A_18 = arith.constant 1 : i32
    %add3A_19 = vector.broadcast %add3A_18 : i32 to vector<16xi32>
    %add3A_20 = arith.addi %mul3A_17, %add3A_19 : vector<16xi32>
    %gather3A_21 = tpu.vector_load_idx %arg14[%add3A_20] : memref<32xi32, #tpu.memory_space<vmem>>[vector<16xi32>], vector<16xi32>,
    %add3A_22 = arith.constant 1 : i32
    %add3A_23 = vector.broadcast %add3A_22 : i32 to vector<16xi32>
    %add3A_24 = arith.addi %gather3A, %add3A_23 : vector<16xi32>
    %max3A = arith.maxsi %gather3A_21, %add3A_24 : vector<16xi32>
    %sub3A = arith.subi %max3A, %gather3A : vector<16xi32>
    %broadcast_in_dim3A = arith.constant true
    %broadcast_in_dim3A_25 = vector.broadcast %broadcast_in_dim3A : i1 to vector<16xi1>
    %masked_cumsum3A = tpu.scan <sum>, %sub3A masked %broadcast_in_dim3A_25 : vector<16xi32>, vector<16xi1> -> vector<16xi32>
    %sub3A_26 = arith.subi %masked_cumsum3A, %sub3A : vector<16xi32>
    %reduce_max3A = arith.constant true
    %reduce_max3A_27 = vector.broadcast %reduce_max3A : i1 to vector<16xi1>
    %reduce_max3A_28 = arith.constant -2147483648 : i32
    %reduce_max3A_29 = vector.broadcast %reduce_max3A_28 : i32 to vector<16xi32>
    %reduce_max3A_30 = arith.xori %masked_cumsum3A, %reduce_max3A_29 : vector<16xi32>
    %reduce_max3A_31 = tpu.scan <max>, %reduce_max3A_30 masked %reduce_max3A_27 : vector<16xi32>, vector<16xi1> -> vector<16xi32>
    %reduce_max3A_32 = arith.xori %reduce_max3A_31, %reduce_max3A_29 : vector<16xi32>
    %reduce_max3A_33 = vector.extract %reduce_max3A_32[15] : i32 from vector<16xi32>
    %add3A_34 = arith.constant 511 : i32
    %add3A_35 = arith.addi %reduce_max3A_33, %add3A_34 : i32
    %jit3A = arith.constant 512 : i32
    %div3A = arith.divsi %add3A_35, %jit3A : i32
    %sign3A = arith.constant 0 : i32
    %sign3A_36 = arith.cmpi sgt, %add3A_35, %sign3A : i32
    %sign3A_37 = arith.extui %sign3A_36 : i1 to i32
    %sign3A_38 = arith.constant 0 : i32
    %sign3A_39 = arith.cmpi slt, %add3A_35, %sign3A_38 : i32
    %sign3A_40 = arith.extui %sign3A_39 : i1 to i32
    %sign3A_41 = arith.subi %sign3A_37, %sign3A_40 : i32
    %sign3A_42 = arith.constant 0 : i32
    %sign3A_43 = arith.cmpi sgt, %jit3A, %sign3A_42 : i32
    %sign3A_44 = arith.extui %sign3A_43 : i1 to i32
    %sign3A_45 = arith.constant 0 : i32
    %sign3A_46 = arith.cmpi slt, %jit3A, %sign3A_45 : i32
    %sign3A_47 = arith.extui %sign3A_46 : i1 to i32
    %sign3A_48 = arith.subi %sign3A_44, %sign3A_47 : i32
    %ne3A = arith.cmpi ne, %sign3A_41, %sign3A_48 : i32
    %rem3A = arith.remsi %add3A_35, %jit3A : i32
    %ne3A_49 = arith.constant 0 : i32
    %ne3A_50 = arith.cmpi ne, %rem3A, %ne3A_49 : i32
    %and3A = arith.andi %ne3A, %ne3A_50 : i1
    %sub3A_51 = arith.constant 1 : i32
    %sub3A_52 = arith.subi %div3A, %sub3A_51 : i32
    %select_n3A = arith.select %and3A, %sub3A_52, %div3A : i32
    %mul3A_53 = arith.constant 512 : i32
    %mul3A_54 = arith.muli %select_n3A, %mul3A_53 : i32
    %jit3A_55 = arith.constant 32 : i32
    %div3A_56 = arith.divsi %mul3A_54, %jit3A_55 : i32
    %sign3A_57 = arith.constant 0 : i32
    %sign3A_58 = arith.cmpi sgt, %mul3A_54, %sign3A_57 : i32
    %sign3A_59 = arith.extui %sign3A_58 : i1 to i32
    %sign3A_60 = arith.constant 0 : i32
    %sign3A_61 = arith.cmpi slt, %mul3A_54, %sign3A_60 : i32
    %sign3A_62 = arith.extui %sign3A_61 : i1 to i32
    %sign3A_63 = arith.subi %sign3A_59, %sign3A_62 : i32
    %sign3A_64 = arith.constant 0 : i32
    %sign3A_65 = arith.cmpi sgt, %jit3A_55, %sign3A_64 : i32
    %sign3A_66 = arith.extui %sign3A_65 : i1 to i32
    %sign3A_67 = arith.constant 0 : i32
    %sign3A_68 = arith.cmpi slt, %jit3A_55, %sign3A_67 : i32
    %sign3A_69 = arith.extui %sign3A_68 : i1 to i32
    %sign3A_70 = arith.subi %sign3A_66, %sign3A_69 : i32
    %ne3A_71 = arith.cmpi ne, %sign3A_63, %sign3A_70 : i32
    %rem3A_72 = arith.remsi %mul3A_54, %jit3A_55 : i32
    %ne3A_73 = arith.constant 0 : i32
    %ne3A_74 = arith.cmpi ne, %rem3A_72, %ne3A_73 : i32
    %and3A_75 = arith.andi %ne3A_71, %ne3A_74 : i1
    %sub3A_76 = arith.constant 1 : i32
    %sub3A_77 = arith.subi %div3A_56, %sub3A_76 : i32
    %select_n3A_78 = arith.select %and3A_75, %sub3A_77, %div3A_56 : i32
    %mul3A_79 = arith.muli %add3A, %select_n3A_78 : i32
    %multiple_of3A_80 = tpu.assume_multiple %mul3A_79, 16 : i32
    %swap3A_81 = arith.constant 0 : index
    %swap3A_82 = tpu.vector_load %arg15[%swap3A_81] {strides = array<i32>} : memref<48xi32, #tpu.memory_space<vmem>>, vector<16xi32>,
    tpu.vector_store %arg15[%swap3A_81], %gather3A {strides = array<i32>} : memref<48xi32, #tpu.memory_space<vmem>>, vector<16xi32>,
    %swap3A_83 = arith.constant 16 : index
    %swap3A_84 = tpu.vector_load %arg15[%swap3A_83] {strides = array<i32>} : memref<48xi32, #tpu.memory_space<vmem>>, vector<16xi32>,
    tpu.vector_store %arg15[%swap3A_83], %sub3A_26 {strides = array<i32>} : memref<48xi32, #tpu.memory_space<vmem>>, vector<16xi32>,
    %swap3A_85 = arith.constant 32 : index
    %swap3A_86 = tpu.vector_load %arg15[%swap3A_85] {strides = array<i32>} : memref<48xi32, #tpu.memory_space<vmem>>, vector<16xi32>,
    tpu.vector_store %arg15[%swap3A_85], %masked_cumsum3A {strides = array<i32>} : memref<48xi32, #tpu.memory_space<vmem>>, vector<16xi32>,
    %eq3A = arith.constant 0 : i32
    %eq3A_87 = arith.cmpi eq, %add3A, %eq3A : i32
    %convert_element_type3A = arith.extui %eq3A_87 : i1 to i32
    %cond3A = arith.constant 0 : i32
    %cond3A_88 = arith.cmpi ne, %convert_element_type3A, %cond3A : i32
    scf.if %cond3A_88 {
      %broadcast_in_dim3A_284 = arith.constant 0 : i32
      %broadcast_in_dim3A_285 = vector.broadcast %broadcast_in_dim3A_284 : i32 to vector<16xi32>
      tpu.vector_store_idx %arg16[%iota3A, %broadcast_in_dim3A_285], %sub3A_26 : memref<16x2xi32, #tpu.memory_space<vmem>>[vector<16xi32>, vector<16xi32>], vector<16xi32>,
      %add3A_286 = arith.constant 1 : i32
      %add3A_287 = vector.broadcast %add3A_286 : i32 to vector<16xi32>
      %add3A_288 = arith.addi %broadcast_in_dim3A_285, %add3A_287 : vector<16xi32>
      tpu.vector_store_idx %arg16[%iota3A, %add3A_288], %masked_cumsum3A : memref<16x2xi32, #tpu.memory_space<vmem>>[vector<16xi32>, vector<16xi32>], vector<16xi32>,
      %convert_element_type3A_289 = arith.sitofp %sub3A : vector<16xi32> to vector<16xf32>
      %div3A_290 = arith.constant 1.000000e+00 : f32
      %div3A_291 = vector.broadcast %div3A_290 : f32 to vector<16xf32>
      %div3A_292 = arith.divf %div3A_291, %convert_element_type3A_289 : vector<16xf32>
      tpu.vector_store_idx %arg17[%iota3A, %broadcast_in_dim3A_285], %div3A_292 : memref<16x1xf32, #tpu.memory_space<vmem>>[vector<16xi32>, vector<16xi32>], vector<16xf32>,
      "tpu.region"() ({
        %run_scoped3A = tpu.sem_alloc : memref<!tpu.dma_semaphore, #tpu.memory_space<semaphore_mem>>
        tpu.enqueue_dma source(%arg16 : memref<16x2xi32, #tpu.memory_space<vmem>>) target(%arg11 : memref<16x2xi32, #tpu.memory_space<hbm>>) target_semaphore(%run_scoped3A : memref<!tpu.dma_semaphore, #tpu.memory_space<semaphore_mem>>)
        tpu.wait_dma2 semaphore(%run_scoped3A : memref<!tpu.dma_semaphore, #tpu.memory_space<semaphore_mem>>) src(%arg16 : memref<16x2xi32, #tpu.memory_space<vmem>>) dst(%arg11 : memref<16x2xi32, #tpu.memory_space<hbm>>)
        tpu.yield
      }) : () -> ()
      "tpu.region"() ({
        %run_scoped3A = tpu.sem_alloc : memref<!tpu.dma_semaphore, #tpu.memory_space<semaphore_mem>>
        tpu.enqueue_dma source(%arg17 : memref<16x1xf32, #tpu.memory_space<vmem>>) target(%arg12 : memref<16x1xf32, #tpu.memory_space<hbm>>) target_semaphore(%run_scoped3A : memref<!tpu.dma_semaphore, #tpu.memory_space<semaphore_mem>>)
        tpu.wait_dma2 semaphore(%run_scoped3A : memref<!tpu.dma_semaphore, #tpu.memory_space<semaphore_mem>>) src(%arg17 : memref<16x1xf32, #tpu.memory_space<vmem>>) dst(%arg12 : memref<16x1xf32, #tpu.memory_space<hbm>>)
        tpu.yield
      }) : () -> ()
    } else {
    }
    "tpu.region"() ({
      %run_scoped3A = tpu.sem_alloc : memref<!tpu.dma_semaphore, #tpu.memory_space<semaphore_mem>>
      tpu.enqueue_dma source(%arg2 : memref<8192xi32, #tpu.memory_space<hbm>>) target(%arg13 : memref<8192xi32, #tpu.memory_space<vmem>>) target_semaphore(%run_scoped3A : memref<!tpu.dma_semaphore, #tpu.memory_space<semaphore_mem>>)
      tpu.wait_dma2 semaphore(%run_scoped3A : memref<!tpu.dma_semaphore, #tpu.memory_space<semaphore_mem>>) src(%arg2 : memref<8192xi32, #tpu.memory_space<hbm>>) dst(%arg13 : memref<8192xi32, #tpu.memory_space<vmem>>)
      tpu.yield
    }) : () -> ()
    %jit3A_89 = arith.constant 64 : i32
    %div3A_90 = arith.divsi %select_n3A_78, %jit3A_89 : i32
    %sign3A_91 = arith.constant 0 : i32
    %sign3A_92 = arith.cmpi sgt, %select_n3A_78, %sign3A_91 : i32
    %sign3A_93 = arith.extui %sign3A_92 : i1 to i32
    %sign3A_94 = arith.constant 0 : i32
    %sign3A_95 = arith.cmpi slt, %select_n3A_78, %sign3A_94 : i32
    %sign3A_96 = arith.extui %sign3A_95 : i1 to i32
    %sign3A_97 = arith.subi %sign3A_93, %sign3A_96 : i32
    %sign3A_98 = arith.constant 0 : i32
    %sign3A_99 = arith.cmpi sgt, %jit3A_89, %sign3A_98 : i32
    %sign3A_100 = arith.extui %sign3A_99 : i1 to i32
    %sign3A_101 = arith.constant 0 : i32
    %sign3A_102 = arith.cmpi slt, %jit3A_89, %sign3A_101 : i32
    %sign3A_103 = arith.extui %sign3A_102 : i1 to i32
    %sign3A_104 = arith.subi %sign3A_100, %sign3A_103 : i32
    %ne3A_105 = arith.cmpi ne, %sign3A_97, %sign3A_104 : i32
    %rem3A_106 = arith.remsi %select_n3A_78, %jit3A_89 : i32
    %ne3A_107 = arith.constant 0 : i32
    %ne3A_108 = arith.cmpi ne, %rem3A_106, %ne3A_107 : i32
    %and3A_109 = arith.andi %ne3A_105, %ne3A_108 : i1
    %sub3A_110 = arith.constant 1 : i32
    %sub3A_111 = arith.subi %div3A_90, %sub3A_110 : i32
    %select_n3A_112 = arith.select %and3A_109, %sub3A_111, %div3A_90 : i32
    %mul3A_113 = arith.constant 64 : i32
    %mul3A_114 = arith.muli %select_n3A_112, %mul3A_113 : i32
    %sub3A_115 = arith.subi %select_n3A_78, %mul3A_114 : i32
    %jit3A_116 = arith.constant 16 : i32
    %div3A_117 = arith.divsi %sub3A_115, %jit3A_116 : i32
    %sign3A_118 = arith.constant 0 : i32
    %sign3A_119 = arith.cmpi sgt, %sub3A_115, %sign3A_118 : i32
    %sign3A_120 = arith.extui %sign3A_119 : i1 to i32
    %sign3A_121 = arith.constant 0 : i32
    %sign3A_122 = arith.cmpi slt, %sub3A_115, %sign3A_121 : i32
    %sign3A_123 = arith.extui %sign3A_122 : i1 to i32
    %sign3A_124 = arith.subi %sign3A_120, %sign3A_123 : i32
    %sign3A_125 = arith.constant 0 : i32
    %sign3A_126 = arith.cmpi sgt, %jit3A_116, %sign3A_125 : i32
    %sign3A_127 = arith.extui %sign3A_126 : i1 to i32
    %sign3A_128 = arith.constant 0 : i32
    %sign3A_129 = arith.cmpi slt, %jit3A_116, %sign3A_128 : i32
    %sign3A_130 = arith.extui %sign3A_129 : i1 to i32
    %sign3A_131 = arith.subi %sign3A_127, %sign3A_130 : i32
    %ne3A_132 = arith.cmpi ne, %sign3A_124, %sign3A_131 : i32
    %rem3A_133 = arith.remsi %sub3A_115, %jit3A_116 : i32
    %ne3A_134 = arith.constant 0 : i32
    %ne3A_135 = arith.cmpi ne, %rem3A_133, %ne3A_134 : i32
    %and3A_136 = arith.andi %ne3A_132, %ne3A_135 : i1
    %sub3A_137 = arith.constant 1 : i32
    %sub3A_138 = arith.subi %div3A_117, %sub3A_137 : i32
    %select_n3A_139 = arith.select %and3A_136, %sub3A_138, %div3A_117 : i32
    %add3A_140 = arith.constant 1 : i32
    %add3A_141 = arith.addi %select_n3A_112, %add3A_140 : i32
    %jit3A_142 = arith.constant 2 : i32
    %div3A_143 = arith.divsi %add3A_141, %jit3A_142 : i32
    %sign3A_144 = arith.constant 0 : i32
    %sign3A_145 = arith.cmpi sgt, %add3A_141, %sign3A_144 : i32
    %sign3A_146 = arith.extui %sign3A_145 : i1 to i32
    %sign3A_147 = arith.constant 0 : i32
    %sign3A_148 = arith.cmpi slt, %add3A_141, %sign3A_147 : i32
    %sign3A_149 = arith.extui %sign3A_148 : i1 to i32
    %sign3A_150 = arith.subi %sign3A_146, %sign3A_149 : i32
    %sign3A_151 = arith.constant 0 : i32
    %sign3A_152 = arith.cmpi sgt, %jit3A_142, %sign3A_151 : i32
    %sign3A_153 = arith.extui %sign3A_152 : i1 to i32
    %sign3A_154 = arith.constant 0 : i32
    %sign3A_155 = arith.cmpi slt, %jit3A_142, %sign3A_154 : i32
    %sign3A_156 = arith.extui %sign3A_155 : i1 to i32
    %sign3A_157 = arith.subi %sign3A_153, %sign3A_156 : i32
    %ne3A_158 = arith.cmpi ne, %sign3A_150, %sign3A_157 : i32
    %rem3A_159 = arith.remsi %add3A_141, %jit3A_142 : i32
    %ne3A_160 = arith.constant 0 : i32
    %ne3A_161 = arith.cmpi ne, %rem3A_159, %ne3A_160 : i32
    %and3A_162 = arith.andi %ne3A_158, %ne3A_161 : i1
    %sub3A_163 = arith.constant 1 : i32
    %sub3A_164 = arith.subi %div3A_143, %sub3A_163 : i32
    %select_n3A_165 = arith.select %and3A_162, %sub3A_164, %div3A_143 : i32
    %broadcast_in_dim3A_166 = arith.constant 32 : i32
    %broadcast_in_dim3A_167 = vector.broadcast %broadcast_in_dim3A_166 : i32 to vector<16xi32>
    %gather3A_168 = tpu.vector_load_idx %arg15[%broadcast_in_dim3A_167] : memref<48xi32, #tpu.memory_space<vmem>>[vector<16xi32>], vector<16xi32>,
    %broadcast_in_dim3A_169 = arith.constant 33 : i32
    %broadcast_in_dim3A_170 = vector.broadcast %broadcast_in_dim3A_169 : i32 to vector<16xi32>
    %gather3A_171 = tpu.vector_load_idx %arg15[%broadcast_in_dim3A_170] : memref<48xi32, #tpu.memory_space<vmem>>[vector<16xi32>], vector<16xi32>,
    %broadcast_in_dim3A_172 = arith.constant 34 : i32
    %broadcast_in_dim3A_173 = vector.broadcast %broadcast_in_dim3A_172 : i32 to vector<16xi32>
    %gather3A_174 = tpu.vector_load_idx %arg15[%broadcast_in_dim3A_173] : memref<48xi32, #tpu.memory_space<vmem>>[vector<16xi32>], vector<16xi32>,
    %broadcast_in_dim3A_175 = arith.constant 35 : i32
    %broadcast_in_dim3A_176 = vector.broadcast %broadcast_in_dim3A_175 : i32 to vector<16xi32>
    %gather3A_177 = tpu.vector_load_idx %arg15[%broadcast_in_dim3A_176] : memref<48xi32, #tpu.memory_space<vmem>>[vector<16xi32>], vector<16xi32>,
    %broadcast_in_dim3A_178 = arith.constant 36 : i32
    %broadcast_in_dim3A_179 = vector.broadcast %broadcast_in_dim3A_178 : i32 to vector<16xi32>
    %gather3A_180 = tpu.vector_load_idx %arg15[%broadcast_in_dim3A_179] : memref<48xi32, #tpu.memory_space<vmem>>[vector<16xi32>], vector<16xi32>,
    %broadcast_in_dim3A_181 = arith.constant 37 : i32
    %broadcast_in_dim3A_182 = vector.broadcast %broadcast_in_dim3A_181 : i32 to vector<16xi32>
    %gather3A_183 = tpu.vector_load_idx %arg15[%broadcast_in_dim3A_182] : memref<48xi32, #tpu.memory_space<vmem>>[vector<16xi32>], vector<16xi32>,
    %broadcast_in_dim3A_184 = arith.constant 38 : i32
    %broadcast_in_dim3A_185 = vector.broadcast %broadcast_in_dim3A_184 : i32 to vector<16xi32>
    %gather3A_186 = tpu.vector_load_idx %arg15[%broadcast_in_dim3A_185] : memref<48xi32, #tpu.memory_space<vmem>>[vector<16xi32>], vector<16xi32>,
    %broadcast_in_dim3A_187 = arith.constant 39 : i32
    %broadcast_in_dim3A_188 = vector.broadcast %broadcast_in_dim3A_187 : i32 to vector<16xi32>
    %gather3A_189 = tpu.vector_load_idx %arg15[%broadcast_in_dim3A_188] : memref<48xi32, #tpu.memory_space<vmem>>[vector<16xi32>], vector<16xi32>,
    %broadcast_in_dim3A_190 = arith.constant 40 : i32
    %broadcast_in_dim3A_191 = vector.broadcast %broadcast_in_dim3A_190 : i32 to vector<16xi32>
    %gather3A_192 = tpu.vector_load_idx %arg15[%broadcast_in_dim3A_191] : memref<48xi32, #tpu.memory_space<vmem>>[vector<16xi32>], vector<16xi32>,
    %broadcast_in_dim3A_193 = arith.constant 41 : i32
    %broadcast_in_dim3A_194 = vector.broadcast %broadcast_in_dim3A_193 : i32 to vector<16xi32>
    %gather3A_195 = tpu.vector_load_idx %arg15[%broadcast_in_dim3A_194] : memref<48xi32, #tpu.memory_space<vmem>>[vector<16xi32>], vector<16xi32>,
    %broadcast_in_dim3A_196 = arith.constant 42 : i32
    %broadcast_in_dim3A_197 = vector.broadcast %broadcast_in_dim3A_196 : i32 to vector<16xi32>
    %gather3A_198 = tpu.vector_load_idx %arg15[%broadcast_in_dim3A_197] : memref<48xi32, #tpu.memory_space<vmem>>[vector<16xi32>], vector<16xi32>,
    %broadcast_in_dim3A_199 = arith.constant 43 : i32
    %broadcast_in_dim3A_200 = vector.broadcast %broadcast_in_dim3A_199 : i32 to vector<16xi32>
    %gather3A_201 = tpu.vector_load_idx %arg15[%broadcast_in_dim3A_200] : memref<48xi32, #tpu.memory_space<vmem>>[vector<16xi32>], vector<16xi32>,
    %broadcast_in_dim3A_202 = arith.constant 44 : i32
    %broadcast_in_dim3A_203 = vector.broadcast %broadcast_in_dim3A_202 : i32 to vector<16xi32>
    %gather3A_204 = tpu.vector_load_idx %arg15[%broadcast_in_dim3A_203] : memref<48xi32, #tpu.memory_space<vmem>>[vector<16xi32>], vector<16xi32>,
    %broadcast_in_dim3A_205 = arith.constant 45 : i32
    %broadcast_in_dim3A_206 = vector.broadcast %broadcast_in_dim3A_205 : i32 to vector<16xi32>
    %gather3A_207 = tpu.vector_load_idx %arg15[%broadcast_in_dim3A_206] : memref<48xi32, #tpu.memory_space<vmem>>[vector<16xi32>], vector<16xi32>,
    %broadcast_in_dim3A_208 = arith.constant 46 : i32
    %broadcast_in_dim3A_209 = vector.broadcast %broadcast_in_dim3A_208 : i32 to vector<16xi32>
    %gather3A_210 = tpu.vector_load_idx %arg15[%broadcast_in_dim3A_209] : memref<48xi32, #tpu.memory_space<vmem>>[vector<16xi32>], vector<16xi32>,
    %broadcast_in_dim3A_211 = arith.constant 47 : i32
    %broadcast_in_dim3A_212 = vector.broadcast %broadcast_in_dim3A_211 : i32 to vector<16xi32>
    %gather3A_213 = tpu.vector_load_idx %arg15[%broadcast_in_dim3A_212] : memref<48xi32, #tpu.memory_space<vmem>>[vector<16xi32>], vector<16xi32>,
    %while3A = arith.constant 0 : i32
    %while3A_214 = arith.constant 0 : i32
    %while3A_215 = arith.subi %select_n3A_165, %while3A_214 : i32
    %while3A_216 = arith.addi %while3A_214, %while3A_215 : i32
    %while3A_217 = arith.constant 1 : i32
    %while3A_218 = arith.divsi %while3A_215, %while3A_217 : i32
    %while3A_219 = arith.muli %while3A_218, %while3A_217 : i32
    %while3A_220 = arith.addi %while3A_214, %while3A_219 : i32
    %while3A_221 = arith.constant 1 : i32
    scf.for %while3A_284 = %while3A_214 to %while3A_220 step %while3A_221  : i32 {
      %mul3A_285 = arith.constant 2 : i32
      %mul3A_286 = arith.muli %while3A_284, %mul3A_285 : i32
      %add3A_287 = arith.constant 1 : i32
      %add3A_288 = arith.addi %mul3A_286, %add3A_287 : i32
      %gt3A_289 = arith.constant 0 : i32
      %gt3A_290 = arith.cmpi sgt, %while3A_284, %gt3A_289 : i32
      %convert_element_type3A_291 = arith.extui %gt3A_290 : i1 to i32
      %cond3A_292 = arith.constant 0 : i32
      %cond3A_293 = arith.cmpi ne, %convert_element_type3A_291, %cond3A_292 : i32
      scf.if %cond3A_293 {
        %mul3A_625 = arith.constant 64 : i32
        %mul3A_626 = arith.muli %mul3A_286, %mul3A_625 : i32
        %add3A_627 = arith.addi %multiple_of3A_80, %mul3A_626 : i32
        %multiple_of3A_628 = tpu.assume_multiple %add3A_627, 16 : i32
        %dma_wait3A_629 = arith.constant 0 : i32
        %dma_wait3A_630 = tpu.memref_slice %arg8[%multiple_of3A_628, %dma_wait3A_629] : memref<8192x768xf32, #tpu.memory_space<hbm>> -> memref<64x768xf32, #tpu.memory_space<hbm>>
        %dma_wait3A_631 = arith.constant 0 : i32
        %dma_wait3A_632 = tpu.memref_slice %arg8[%multiple_of3A_628, %dma_wait3A_631] : memref<8192x768xf32, #tpu.memory_space<hbm>> -> memref<64x768xf32, #tpu.memory_space<hbm>>
        tpu.wait_dma2 semaphore(%arg32 : memref<!tpu.dma_semaphore, #tpu.memory_space<semaphore_mem>>) src(%arg19 : memref<64x768xf32, #tpu.memory_space<vmem>>) dst(%dma_wait3A_632 : memref<64x768xf32, #tpu.memory_space<hbm>>)
        %mul3A_633 = arith.constant 64 : i32
        %mul3A_634 = arith.muli %mul3A_286, %mul3A_633 : i32
        %add3A_635 = arith.addi %multiple_of3A_80, %mul3A_634 : i32
        %multiple_of3A_636 = tpu.assume_multiple %add3A_635, 16 : i32
        %dma_wait3A_637 = arith.constant 0 : i32
        %dma_wait3A_638 = tpu.memref_slice %arg8[%multiple_of3A_636, %dma_wait3A_637] : memref<8192x768xf32, #tpu.memory_space<hbm>> -> memref<64x768xf32, #tpu.memory_space<hbm>>
        %dma_wait3A_639 = arith.constant 0 : i32
        %dma_wait3A_640 = tpu.memref_slice %arg8[%multiple_of3A_636, %dma_wait3A_639] : memref<8192x768xf32, #tpu.memory_space<hbm>> -> memref<64x768xf32, #tpu.memory_space<hbm>>
        tpu.wait_dma2 semaphore(%arg33 : memref<!tpu.dma_semaphore, #tpu.memory_space<semaphore_mem>>) src(%arg21 : memref<64x768xf32, #tpu.memory_space<vmem>>) dst(%dma_wait3A_640 : memref<64x768xf32, #tpu.memory_space<hbm>>)
      } else {
      }
      %mul3A_294 = arith.constant 64 : i32
      %mul3A_295 = arith.muli %mul3A_286, %mul3A_294 : i32
      %add3A_296 = arith.addi %multiple_of3A_80, %mul3A_295 : i32
      %add3A_297 = arith.constant 0 : i32
      %add3A_298 = arith.addi %add3A_296, %add3A_297 : i32
      %add3A_299 = vector.broadcast %add3A_298 : i32 to vector<16xi32>
      %add3A_300 = arith.addi %add3A_299, %iota3A : vector<16xi32>
      %broadcast_in_dim3A_301 = arith.constant 0 : i32
      %broadcast_in_dim3A_302 = vector.broadcast %broadcast_in_dim3A_301 : i32 to vector<16xi32>
      %ge3A = arith.cmpi sge, %add3A_300, %gather3A_168 : vector<16xi32>
      %convert_element_type3A_303 = arith.extui %ge3A : vector<16xi1> to vector<16xi32>
      %add3A_304 = arith.addi %broadcast_in_dim3A_302, %convert_element_type3A_303 : vector<16xi32>
      %ge3A_305 = arith.cmpi sge, %add3A_300, %gather3A_171 : vector<16xi32>
      %convert_element_type3A_306 = arith.extui %ge3A_305 : vector<16xi1> to vector<16xi32>
      %add3A_307 = arith.addi %add3A_304, %convert_element_type3A_306 : vector<16xi32>
      %ge3A_308 = arith.cmpi sge, %add3A_300, %gather3A_174 : vector<16xi32>
      %convert_element_type3A_309 = arith.extui %ge3A_308 : vector<16xi1> to vector<16xi32>
      %add3A_310 = arith.addi %add3A_307, %convert_element_type3A_309 : vector<16xi32>
      %ge3A_311 = arith.cmpi sge, %add3A_300, %gather3A_177 : vector<16xi32>
      %convert_element_type3A_312 = arith.extui %ge3A_311 : vector<16xi1> to vector<16xi32>
      %add3A_313 = arith.addi %add3A_310, %convert_element_type3A_312 : vector<16xi32>
      %ge3A_314 = arith.cmpi sge, %add3A_300, %gather3A_180 : vector<16xi32>
      %convert_element_type3A_315 = arith.extui %ge3A_314 : vector<16xi1> to vector<16xi32>
      %add3A_316 = arith.addi %add3A_313, %convert_element_type3A_315 : vector<16xi32>
      %ge3A_317 = arith.cmpi sge, %add3A_300, %gather3A_183 : vector<16xi32>
      %convert_element_type3A_318 = arith.extui %ge3A_317 : vector<16xi1> to vector<16xi32>
      %add3A_319 = arith.addi %add3A_316, %convert_element_type3A_318 : vector<16xi32>
      %ge3A_320 = arith.cmpi sge, %add3A_300, %gather3A_186 : vector<16xi32>
      %convert_element_type3A_321 = arith.extui %ge3A_320 : vector<16xi1> to vector<16xi32>
      %add3A_322 = arith.addi %add3A_319, %convert_element_type3A_321 : vector<16xi32>
      %ge3A_323 = arith.cmpi sge, %add3A_300, %gather3A_189 : vector<16xi32>
      %convert_element_type3A_324 = arith.extui %ge3A_323 : vector<16xi1> to vector<16xi32>
      %add3A_325 = arith.addi %add3A_322, %convert_element_type3A_324 : vector<16xi32>
      %ge3A_326 = arith.cmpi sge, %add3A_300, %gather3A_192 : vector<16xi32>
      %convert_element_type3A_327 = arith.extui %ge3A_326 : vector<16xi1> to vector<16xi32>
      %add3A_328 = arith.addi %add3A_325, %convert_element_type3A_327 : vector<16xi32>
      %ge3A_329 = arith.cmpi sge, %add3A_300, %gather3A_195 : vector<16xi32>
      %convert_element_type3A_330 = arith.extui %ge3A_329 : vector<16xi1> to vector<16xi32>
      %add3A_331 = arith.addi %add3A_328, %convert_element_type3A_330 : vector<16xi32>
      %ge3A_332 = arith.cmpi sge, %add3A_300, %gather3A_198 : vector<16xi32>
      %convert_element_type3A_333 = arith.extui %ge3A_332 : vector<16xi1> to vector<16xi32>
      %add3A_334 = arith.addi %add3A_331, %convert_element_type3A_333 : vector<16xi32>
      %ge3A_335 = arith.cmpi sge, %add3A_300, %gather3A_201 : vector<16xi32>
      %convert_element_type3A_336 = arith.extui %ge3A_335 : vector<16xi1> to vector<16xi32>
      %add3A_337 = arith.addi %add3A_334, %convert_element_type3A_336 : vector<16xi32>
      %ge3A_338 = arith.cmpi sge, %add3A_300, %gather3A_204 : vector<16xi32>
      %convert_element_type3A_339 = arith.extui %ge3A_338 : vector<16xi1> to vector<16xi32>
      %add3A_340 = arith.addi %add3A_337, %convert_element_type3A_339 : vector<16xi32>
      %ge3A_341 = arith.cmpi sge, %add3A_300, %gather3A_207 : vector<16xi32>
      %convert_element_type3A_342 = arith.extui %ge3A_341 : vector<16xi1> to vector<16xi32>
      %add3A_343 = arith.addi %add3A_340, %convert_element_type3A_342 : vector<16xi32>
      %ge3A_344 = arith.cmpi sge, %add3A_300, %gather3A_210 : vector<16xi32>
      %convert_element_type3A_345 = arith.extui %ge3A_344 : vector<16xi1> to vector<16xi32>
      %add3A_346 = arith.addi %add3A_343, %convert_element_type3A_345 : vector<16xi32>
      %ge3A_347 = arith.cmpi sge, %add3A_300, %gather3A_213 : vector<16xi32>
      %convert_element_type3A_348 = arith.extui %ge3A_347 : vector<16xi1> to vector<16xi32>
      %add3A_349 = arith.addi %add3A_346, %convert_element_type3A_348 : vector<16xi32>
      %min3A = arith.constant 15 : i32
      %min3A_350 = vector.broadcast %min3A : i32 to vector<16xi32>
      %min3A_351 = arith.minsi %add3A_349, %min3A_350 : vector<16xi32>
      %gather3A_352 = tpu.vector_load_idx %arg15[%min3A_351] : memref<48xi32, #tpu.memory_space<vmem>>[vector<16xi32>], vector<16xi32>,
      %add3A_353 = arith.constant 16 : i32
      %add3A_354 = vector.broadcast %add3A_353 : i32 to vector<16xi32>
      %add3A_355 = arith.addi %min3A_351, %add3A_354 : vector<16xi32>
      %gather3A_356 = tpu.vector_load_idx %arg15[%add3A_355] : memref<48xi32, #tpu.memory_space<vmem>>[vector<16xi32>], vector<16xi32>,
      %sub3A_357 = arith.subi %add3A_300, %gather3A_356 : vector<16xi32>
      %add3A_358 = arith.addi %gather3A_352, %sub3A_357 : vector<16xi32>
      %mul3A_359 = arith.constant 512 : i32
      %mul3A_360 = vector.broadcast %mul3A_359 : i32 to vector<16xi32>
      %mul3A_361 = arith.muli %min3A_351, %mul3A_360 : vector<16xi32>
      %add3A_362 = arith.addi %add3A_358, %mul3A_361 : vector<16xi32>
      %lt3A = arith.cmpi slt, %add3A_300, %gather3A_213 : vector<16xi32>
      %jit3A_363 = arith.constant 0 : i32
      %broadcast_in_dim3A_364 = vector.broadcast %jit3A_363 : i32 to vector<16xi32>
      %select_n3A_365 = arith.select %lt3A, %add3A_362, %broadcast_in_dim3A_364 : vector<16xi1>, vector<16xi32>
      %gather3A_366 = tpu.vector_load_idx %arg13[%select_n3A_365] : memref<8192xi32, #tpu.memory_space<vmem>>[vector<16xi32>], vector<16xi32>,
      %swap3A_367 = arith.constant 0 : index
      %swap3A_368 = tpu.vector_load %arg18[%swap3A_367] {strides = array<i32>} : memref<64xi32, #tpu.memory_space<vmem>>, vector<16xi32>,
      tpu.vector_store %arg18[%swap3A_367], %gather3A_366 {strides = array<i32>} : memref<64xi32, #tpu.memory_space<vmem>>, vector<16xi32>,
      %mul3A_369 = arith.constant 64 : i32
      %mul3A_370 = arith.muli %mul3A_286, %mul3A_369 : i32
      %add3A_371 = arith.addi %multiple_of3A_80, %mul3A_370 : i32
      %add3A_372 = arith.constant 16 : i32
      %add3A_373 = arith.addi %add3A_371, %add3A_372 : i32
      %add3A_374 = vector.broadcast %add3A_373 : i32 to vector<16xi32>
      %add3A_375 = arith.addi %add3A_374, %iota3A : vector<16xi32>
      %broadcast_in_dim3A_376 = arith.constant 0 : i32
      %broadcast_in_dim3A_377 = vector.broadcast %broadcast_in_dim3A_376 : i32 to vector<16xi32>
      %ge3A_378 = arith.cmpi sge, %add3A_375, %gather3A_168 : vector<16xi32>
      %convert_element_type3A_379 = arith.extui %ge3A_378 : vector<16xi1> to vector<16xi32>
      %add3A_380 = arith.addi %broadcast_in_dim3A_377, %convert_element_type3A_379 : vector<16xi32>
      %ge3A_381 = arith.cmpi sge, %add3A_375, %gather3A_171 : vector<16xi32>
      %convert_element_type3A_382 = arith.extui %ge3A_381 : vector<16xi1> to vector<16xi32>
      %add3A_383 = arith.addi %add3A_380, %convert_element_type3A_382 : vector<16xi32>
      %ge3A_384 = arith.cmpi sge, %add3A_375, %gather3A_174 : vector<16xi32>
      %convert_element_type3A_385 = arith.extui %ge3A_384 : vector<16xi1> to vector<16xi32>
      %add3A_386 = arith.addi %add3A_383, %convert_element_type3A_385 : vector<16xi32>
      %ge3A_387 = arith.cmpi sge, %add3A_375, %gather3A_177 : vector<16xi32>
      %convert_element_type3A_388 = arith.extui %ge3A_387 : vector<16xi1> to vector<16xi32>
      %add3A_389 = arith.addi %add3A_386, %convert_element_type3A_388 : vector<16xi32>
      %ge3A_390 = arith.cmpi sge, %add3A_375, %gather3A_180 : vector<16xi32>
      %convert_element_type3A_391 = arith.extui %ge3A_390 : vector<16xi1> to vector<16xi32>
      %add3A_392 = arith.addi %add3A_389, %convert_element_type3A_391 : vector<16xi32>
      %ge3A_393 = arith.cmpi sge, %add3A_375, %gather3A_183 : vector<16xi32>
      %convert_element_type3A_394 = arith.extui %ge3A_393 : vector<16xi1> to vector<16xi32>
      %add3A_395 = arith.addi %add3A_392, %convert_element_type3A_394 : vector<16xi32>
      %ge3A_396 = arith.cmpi sge, %add3A_375, %gather3A_186 : vector<16xi32>
      %convert_element_type3A_397 = arith.extui %ge3A_396 : vector<16xi1> to vector<16xi32>
      %add3A_398 = arith.addi %add3A_395, %convert_element_type3A_397 : vector<16xi32>
      %ge3A_399 = arith.cmpi sge, %add3A_375, %gather3A_189 : vector<16xi32>
      %convert_element_type3A_400 = arith.extui %ge3A_399 : vector<16xi1> to vector<16xi32>
      %add3A_401 = arith.addi %add3A_398, %convert_element_type3A_400 : vector<16xi32>
      %ge3A_402 = arith.cmpi sge, %add3A_375, %gather3A_192 : vector<16xi32>
      %convert_element_type3A_403 = arith.extui %ge3A_402 : vector<16xi1> to vector<16xi32>
      %add3A_404 = arith.addi %add3A_401, %convert_element_type3A_403 : vector<16xi32>
      %ge3A_405 = arith.cmpi sge, %add3A_375, %gather3A_195 : vector<16xi32>
      %convert_element_type3A_406 = arith.extui %ge3A_405 : vector<16xi1> to vector<16xi32>
      %add3A_407 = arith.addi %add3A_404, %convert_element_type3A_406 : vector<16xi32>
      %ge3A_408 = arith.cmpi sge, %add3A_375, %gather3A_198 : vector<16xi32>
      %convert_element_type3A_409 = arith.extui %ge3A_408 : vector<16xi1> to vector<16xi32>
      %add3A_410 = arith.addi %add3A_407, %convert_element_type3A_409 : vector<16xi32>
      %ge3A_411 = arith.cmpi sge, %add3A_375, %gather3A_201 : vector<16xi32>
      %convert_element_type3A_412 = arith.extui %ge3A_411 : vector<16xi1> to vector<16xi32>
      %add3A_413 = arith.addi %add3A_410, %convert_element_type3A_412 : vector<16xi32>
      %ge3A_414 = arith.cmpi sge, %add3A_375, %gather3A_204 : vector<16xi32>
      %convert_element_type3A_415 = arith.extui %ge3A_414 : vector<16xi1> to vector<16xi32>
      %add3A_416 = arith.addi %add3A_413, %convert_element_type3A_415 : vector<16xi32>
      %ge3A_417 = arith.cmpi sge, %add3A_375, %gather3A_207 : vector<16xi32>
      %convert_element_type3A_418 = arith.extui %ge3A_417 : vector<16xi1> to vector<16xi32>
      %add3A_419 = arith.addi %add3A_416, %convert_element_type3A_418 : vector<16xi32>
      %ge3A_420 = arith.cmpi sge, %add3A_375, %gather3A_210 : vector<16xi32>
      %convert_element_type3A_421 = arith.extui %ge3A_420 : vector<16xi1> to vector<16xi32>
      %add3A_422 = arith.addi %add3A_419, %convert_element_type3A_421 : vector<16xi32>
      %ge3A_423 = arith.cmpi sge, %add3A_375, %gather3A_213 : vector<16xi32>
      %convert_element_type3A_424 = arith.extui %ge3A_423 : vector<16xi1> to vector<16xi32>
      %add3A_425 = arith.addi %add3A_422, %convert_element_type3A_424 : vector<16xi32>
      %min3A_426 = arith.constant 15 : i32
      %min3A_427 = vector.broadcast %min3A_426 : i32 to vector<16xi32>
      %min3A_428 = arith.minsi %add3A_425, %min3A_427 : vector<16xi32>
      %gather3A_429 = tpu.vector_load_idx %arg15[%min3A_428] : memref<48xi32, #tpu.memory_space<vmem>>[vector<16xi32>], vector<16xi32>,
      %add3A_430 = arith.constant 16 : i32
      %add3A_431 = vector.broadcast %add3A_430 : i32 to vector<16xi32>
      %add3A_432 = arith.addi %min3A_428, %add3A_431 : vector<16xi32>
      %gather3A_433 = tpu.vector_load_idx %arg15[%add3A_432] : memref<48xi32, #tpu.memory_space<vmem>>[vector<16xi32>], vector<16xi32>,
      %sub3A_434 = arith.subi %add3A_375, %gather3A_433 : vector<16xi32>
      %add3A_435 = arith.addi %gather3A_429, %sub3A_434 : vector<16xi32>
      %mul3A_436 = arith.constant 512 : i32
      %mul3A_437 = vector.broadcast %mul3A_436 : i32 to vector<16xi32>
      %mul3A_438 = arith.muli %min3A_428, %mul3A_437 : vector<16xi32>
      %add3A_439 = arith.addi %add3A_435, %mul3A_438 : vector<16xi32>
      %lt3A_440 = arith.cmpi slt, %add3A_375, %gather3A_213 : vector<16xi32>
      %jit3A_441 = arith.constant 0 : i32
      %broadcast_in_dim3A_442 = vector.broadcast %jit3A_441 : i32 to vector<16xi32>
      %select_n3A_443 = arith.select %lt3A_440, %add3A_439, %broadcast_in_dim3A_442 : vector<16xi1>, vector<16xi32>
      %gather3A_444 = tpu.vector_load_idx %arg13[%select_n3A_443] : memref<8192xi32, #tpu.memory_space<vmem>>[vector<16xi32>], vector<16xi32>,
      %swap3A_445 = arith.constant 16 : index
      %swap3A_446 = tpu.vector_load %arg18[%swap3A_445] {strides = array<i32>} : memref<64xi32, #tpu.memory_space<vmem>>, vector<16xi32>,
      tpu.vector_store %arg18[%swap3A_445], %gather3A_444 {strides = array<i32>} : memref<64xi32, #tpu.memory_space<vmem>>, vector<16xi32>,
      %mul3A_447 = arith.constant 64 : i32
      %mul3A_448 = arith.muli %mul3A_286, %mul3A_447 : i32
      %add3A_449 = arith.addi %multiple_of3A_80, %mul3A_448 : i32
      %add3A_450 = arith.constant 32 : i32
      %add3A_451 = arith.addi %add3A_449, %add3A_450 : i32
      %add3A_452 = vector.broadcast %add3A_451 : i32 to vector<16xi32>
      %add3A_453 = arith.addi %add3A_452, %iota3A : vector<16xi32>
      %broadcast_in_dim3A_454 = arith.constant 0 : i32
      %broadcast_in_dim3A_455 = vector.broadcast %broadcast_in_dim3A_454 : i32 to vector<16xi32>
      %ge3A_456 = arith.cmpi sge, %add3A_453, %gather3A_168 : vector<16xi32>
      %convert_element_type3A_457 = arith.extui %ge3A_456 : vector<16xi1> to vector<16xi32>
      %add3A_458 = arith.addi %broadcast_in_dim3A_455, %convert_element_type3A_457 : vector<16xi32>
      %ge3A_459 = arith.cmpi sge, %add3A_453, %gather3A_171 : vector<16xi32>
      %convert_element_type3A_460 = arith.extui %ge3A_459 : vector<16xi1> to vector<16xi32>
      %add3A_461 = arith.addi %add3A_458, %convert_element_type3A_460 : vector<16xi32>
      %ge3A_462 = arith.cmpi sge, %add3A_453, %gather3A_174 : vector<16xi32>
      %convert_element_type3A_463 = arith.extui %ge3A_462 : vector<16xi1> to vector<16xi32>
      %add3A_464 = arith.addi %add3A_461, %convert_element_type3A_463 : vector<16xi32>
      %ge3A_465 = arith.cmpi sge, %add3A_453, %gather3A_177 : vector<16xi32>
      %convert_element_type3A_466 = arith.extui %ge3A_465 : vector<16xi1> to vector<16xi32>
      %add3A_467 = arith.addi %add3A_464, %convert_element_type3A_466 : vector<16xi32>
      %ge3A_468 = arith.cmpi sge, %add3A_453, %gather3A_180 : vector<16xi32>
      %convert_element_type3A_469 = arith.extui %ge3A_468 : vector<16xi1> to vector<16xi32>
      %add3A_470 = arith.addi %add3A_467, %convert_element_type3A_469 : vector<16xi32>
      %ge3A_471 = arith.cmpi sge, %add3A_453, %gather3A_183 : vector<16xi32>
      %convert_element_type3A_472 = arith.extui %ge3A_471 : vector<16xi1> to vector<16xi32>
      %add3A_473 = arith.addi %add3A_470, %convert_element_type3A_472 : vector<16xi32>
      %ge3A_474 = arith.cmpi sge, %add3A_453, %gather3A_186 : vector<16xi32>
      %convert_element_type3A_475 = arith.extui %ge3A_474 : vector<16xi1> to vector<16xi32>
      %add3A_476 = arith.addi %add3A_473, %convert_element_type3A_475 : vector<16xi32>
      %ge3A_477 = arith.cmpi sge, %add3A_453, %gather3A_189 : vector<16xi32>
      %convert_element_type3A_478 = arith.extui %ge3A_477 : vector<16xi1> to vector<16xi32>
      %add3A_479 = arith.addi %add3A_476, %convert_element_type3A_478 : vector<16xi32>
      %ge3A_480 = arith.cmpi sge, %add3A_453, %gather3A_192 : vector<16xi32>
      %convert_element_type3A_481 = arith.extui %ge3A_480 : vector<16xi1> to vector<16xi32>
      %add3A_482 = arith.addi %add3A_479, %convert_element_type3A_481 : vector<16xi32>
      %ge3A_483 = arith.cmpi sge, %add3A_453, %gather3A_195 : vector<16xi32>
      %convert_element_type3A_484 = arith.extui %ge3A_483 : vector<16xi1> to vector<16xi32>
      %add3A_485 = arith.addi %add3A_482, %convert_element_type3A_484 : vector<16xi32>
      %ge3A_486 = arith.cmpi sge, %add3A_453, %gather3A_198 : vector<16xi32>
      %convert_element_type3A_487 = arith.extui %ge3A_486 : vector<16xi1> to vector<16xi32>
      %add3A_488 = arith.addi %add3A_485, %convert_element_type3A_487 : vector<16xi32>
      %ge3A_489 = arith.cmpi sge, %add3A_453, %gather3A_201 : vector<16xi32>
      %convert_element_type3A_490 = arith.extui %ge3A_489 : vector<16xi1> to vector<16xi32>
      %add3A_491 = arith.addi %add3A_488, %convert_element_type3A_490 : vector<16xi32>
      %ge3A_492 = arith.cmpi sge, %add3A_453, %gather3A_204 : vector<16xi32>
      %convert_element_type3A_493 = arith.extui %ge3A_492 : vector<16xi1> to vector<16xi32>
      %add3A_494 = arith.addi %add3A_491, %convert_element_type3A_493 : vector<16xi32>
      %ge3A_495 = arith.cmpi sge, %add3A_453, %gather3A_207 : vector<16xi32>
      %convert_element_type3A_496 = arith.extui %ge3A_495 : vector<16xi1> to vector<16xi32>
      %add3A_497 = arith.addi %add3A_494, %convert_element_type3A_496 : vector<16xi32>
      %ge3A_498 = arith.cmpi sge, %add3A_453, %gather3A_210 : vector<16xi32>
      %convert_element_type3A_499 = arith.extui %ge3A_498 : vector<16xi1> to vector<16xi32>
      %add3A_500 = arith.addi %add3A_497, %convert_element_type3A_499 : vector<16xi32>
      %ge3A_501 = arith.cmpi sge, %add3A_453, %gather3A_213 : vector<16xi32>
      %convert_element_type3A_502 = arith.extui %ge3A_501 : vector<16xi1> to vector<16xi32>
      %add3A_503 = arith.addi %add3A_500, %convert_element_type3A_502 : vector<16xi32>
      %min3A_504 = arith.constant 15 : i32
      %min3A_505 = vector.broadcast %min3A_504 : i32 to vector<16xi32>
      %min3A_506 = arith.minsi %add3A_503, %min3A_505 : vector<16xi32>
      %gather3A_507 = tpu.vector_load_idx %arg15[%min3A_506] : memref<48xi32, #tpu.memory_space<vmem>>[vector<16xi32>], vector<16xi32>,
      %add3A_508 = arith.constant 16 : i32
      %add3A_509 = vector.broadcast %add3A_508 : i32 to vector<16xi32>
      %add3A_510 = arith.addi %min3A_506, %add3A_509 : vector<16xi32>
      %gather3A_511 = tpu.vector_load_idx %arg15[%add3A_510] : memref<48xi32, #tpu.memory_space<vmem>>[vector<16xi32>], vector<16xi32>,
      %sub3A_512 = arith.subi %add3A_453, %gather3A_511 : vector<16xi32>
      %add3A_513 = arith.addi %gather3A_507, %sub3A_512 : vector<16xi32>
      %mul3A_514 = arith.constant 512 : i32
      %mul3A_515 = vector.broadcast %mul3A_514 : i32 to vector<16xi32>
      %mul3A_516 = arith.muli %min3A_506, %mul3A_515 : vector<16xi32>
      %add3A_517 = arith.addi %add3A_513, %mul3A_516 : vector<16xi32>
      %lt3A_518 = arith.cmpi slt, %add3A_453, %gather3A_213 : vector<16xi32>
      %jit3A_519 = arith.constant 0 : i32
      %broadcast_in_dim3A_520 = vector.broadcast %jit3A_519 : i32 to vector<16xi32>
      %select_n3A_521 = arith.select %lt3A_518, %add3A_517, %broadcast_in_dim3A_520 : vector<16xi1>, vector<16xi32>
      %gather3A_522 = tpu.vector_load_idx %arg13[%select_n3A_521] : memref<8192xi32, #tpu.memory_space<vmem>>[vector<16xi32>], vector<16xi32>,
      %swap3A_523 = arith.constant 32 : index
      %swap3A_524 = tpu.vector_load %arg18[%swap3A_523] {strides = array<i32>} : memref<64xi32, #tpu.memory_space<vmem>>, vector<16xi32>,
      tpu.vector_store %arg18[%swap3A_523], %gather3A_522 {strides = array<i32>} : memref<64xi32, #tpu.memory_space<vmem>>, vector<16xi32>,
      %mul3A_525 = arith.constant 64 : i32
      %mul3A_526 = arith.muli %mul3A_286, %mul3A_525 : i32
      %add3A_527 = arith.addi %multiple_of3A_80, %mul3A_526 : i32
      %add3A_528 = arith.constant 48 : i32
      %add3A_529 = arith.addi %add3A_527, %add3A_528 : i32
      %add3A_530 = vector.broadcast %add3A_529 : i32 to vector<16xi32>
      %add3A_531 = arith.addi %add3A_530, %iota3A : vector<16xi32>
      %broadcast_in_dim3A_532 = arith.constant 0 : i32
      %broadcast_in_dim3A_533 = vector.broadcast %broadcast_in_dim3A_532 : i32 to vector<16xi32>
      %ge3A_534 = arith.cmpi sge, %add3A_531, %gather3A_168 : vector<16xi32>
      %convert_element_type3A_535 = arith.extui %ge3A_534 : vector<16xi1> to vector<16xi32>
      %add3A_536 = arith.addi %broadcast_in_dim3A_533, %convert_element_type3A_535 : vector<16xi32>
      %ge3A_537 = arith.cmpi sge, %add3A_531, %gather3A_171 : vector<16xi32>
      %convert_element_type3A_538 = arith.extui %ge3A_537 : vector<16xi1> to vector<16xi32>
      %add3A_539 = arith.addi %add3A_536, %convert_element_type3A_538 : vector<16xi32>
      %ge3A_540 = arith.cmpi sge, %add3A_531, %gather3A_174 : vector<16xi32>
      %convert_element_type3A_541 = arith.extui %ge3A_540 : vector<16xi1> to vector<16xi32>
      %add3A_542 = arith.addi %add3A_539, %convert_element_type3A_541 : vector<16xi32>
      %ge3A_543 = arith.cmpi sge, %add3A_531, %gather3A_177 : vector<16xi32>
      %convert_element_type3A_544 = arith.extui %ge3A_543 : vector<16xi1> to vector<16xi32>
      %add3A_545 = arith.addi %add3A_542, %convert_element_type3A_544 : vector<16xi32>
      %ge3A_546 = arith.cmpi sge, %add3A_531, %gather3A_180 : vector<16xi32>
      %convert_element_type3A_547 = arith.extui %ge3A_546 : vector<16xi1> to vector<16xi32>
      %add3A_548 = arith.addi %add3A_545, %convert_element_type3A_547 : vector<16xi32>
      %ge3A_549 = arith.cmpi sge, %add3A_531, %gather3A_183 : vector<16xi32>
      %convert_element_type3A_550 = arith.extui %ge3A_549 : vector<16xi1> to vector<16xi32>
      %add3A_551 = arith.addi %add3A_548, %convert_element_type3A_550 : vector<16xi32>
      %ge3A_552 = arith.cmpi sge, %add3A_531, %gather3A_186 : vector<16xi32>
      %convert_element_type3A_553 = arith.extui %ge3A_552 : vector<16xi1> to vector<16xi32>
      %add3A_554 = arith.addi %add3A_551, %convert_element_type3A_553 : vector<16xi32>
      %ge3A_555 = arith.cmpi sge, %add3A_531, %gather3A_189 : vector<16xi32>
      %convert_element_type3A_556 = arith.extui %ge3A_555 : vector<16xi1> to vector<16xi32>
      %add3A_557 = arith.addi %add3A_554, %convert_element_type3A_556 : vector<16xi32>
      %ge3A_558 = arith.cmpi sge, %add3A_531, %gather3A_192 : vector<16xi32>
      %convert_element_type3A_559 = arith.extui %ge3A_558 : vector<16xi1> to vector<16xi32>
      %add3A_560 = arith.addi %add3A_557, %convert_element_type3A_559 : vector<16xi32>
      %ge3A_561 = arith.cmpi sge, %add3A_531, %gather3A_195 : vector<16xi32>
      %convert_element_type3A_562 = arith.extui %ge3A_561 : vector<16xi1> to vector<16xi32>
      %add3A_563 = arith.addi %add3A_560, %convert_element_type3A_562 : vector<16xi32>
      %ge3A_564 = arith.cmpi sge, %add3A_531, %gather3A_198 : vector<16xi32>
      %convert_element_type3A_565 = arith.extui %ge3A_564 : vector<16xi1> to vector<16xi32>
      %add3A_566 = arith.addi %add3A_563, %convert_element_type3A_565 : vector<16xi32>
      %ge3A_567 = arith.cmpi sge, %add3A_531, %gather3A_201 : vector<16xi32>
      %convert_element_type3A_568 = arith.extui %ge3A_567 : vector<16xi1> to vector<16xi32>
      %add3A_569 = arith.addi %add3A_566, %convert_element_type3A_568 : vector<16xi32>
      %ge3A_570 = arith.cmpi sge, %add3A_531, %gather3A_204 : vector<16xi32>
      %convert_element_type3A_571 = arith.extui %ge3A_570 : vector<16xi1> to vector<16xi32>
      %add3A_572 = arith.addi %add3A_569, %convert_element_type3A_571 : vector<16xi32>
      %ge3A_573 = arith.cmpi sge, %add3A_531, %gather3A_207 : vector<16xi32>
      %convert_element_type3A_574 = arith.extui %ge3A_573 : vector<16xi1> to vector<16xi32>
      %add3A_575 = arith.addi %add3A_572, %convert_element_type3A_574 : vector<16xi32>
      %ge3A_576 = arith.cmpi sge, %add3A_531, %gather3A_210 : vector<16xi32>
      %convert_element_type3A_577 = arith.extui %ge3A_576 : vector<16xi1> to vector<16xi32>
      %add3A_578 = arith.addi %add3A_575, %convert_element_type3A_577 : vector<16xi32>
      %ge3A_579 = arith.cmpi sge, %add3A_531, %gather3A_213 : vector<16xi32>
      %convert_element_type3A_580 = arith.extui %ge3A_579 : vector<16xi1> to vector<16xi32>
      %add3A_581 = arith.addi %add3A_578, %convert_element_type3A_580 : vector<16xi32>
      %min3A_582 = arith.constant 15 : i32
      %min3A_583 = vector.broadcast %min3A_582 : i32 to vector<16xi32>
      %min3A_584 = arith.minsi %add3A_581, %min3A_583 : vector<16xi32>
      %gather3A_585 = tpu.vector_load_idx %arg15[%min3A_584] : memref<48xi32, #tpu.memory_space<vmem>>[vector<16xi32>], vector<16xi32>,
      %add3A_586 = arith.constant 16 : i32
      %add3A_587 = vector.broadcast %add3A_586 : i32 to vector<16xi32>
      %add3A_588 = arith.addi %min3A_584, %add3A_587 : vector<16xi32>
      %gather3A_589 = tpu.vector_load_idx %arg15[%add3A_588] : memref<48xi32, #tpu.memory_space<vmem>>[vector<16xi32>], vector<16xi32>,
      %sub3A_590 = arith.subi %add3A_531, %gather3A_589 : vector<16xi32>
      %add3A_591 = arith.addi %gather3A_585, %sub3A_590 : vector<16xi32>
      %mul3A_592 = arith.constant 512 : i32
      %mul3A_593 = vector.broadcast %mul3A_592 : i32 to vector<16xi32>
      %mul3A_594 = arith.muli %min3A_584, %mul3A_593 : vector<16xi32>
      %add3A_595 = arith.addi %add3A_591, %mul3A_594 : vector<16xi32>
      %lt3A_596 = arith.cmpi slt, %add3A_531, %gather3A_213 : vector<16xi32>
      %jit3A_597 = arith.constant 0 : i32
      %broadcast_in_dim3A_598 = vector.broadcast %jit3A_597 : i32 to vector<16xi32>
      %select_n3A_599 = arith.select %lt3A_596, %add3A_595, %broadcast_in_dim3A_598 : vector<16xi1>, vector<16xi32>
      %gather3A_600 = tpu.vector_load_idx %arg13[%select_n3A_599] : memref<8192xi32, #tpu.memory_space<vmem>>[vector<16xi32>], vector<16xi32>,
      %swap3A_601 = arith.constant 48 : index
      %swap3A_602 = tpu.vector_load %arg18[%swap3A_601] {strides = array<i32>} : memref<64xi32, #tpu.memory_space<vmem>>, vector<16xi32>,
      tpu.vector_store %arg18[%swap3A_601], %gather3A_600 {strides = array<i32>} : memref<64xi32, #tpu.memory_space<vmem>>, vector<16xi32>,
      %dma_start3A_603 = arith.constant 0 : i32
      %dma_start3A_604 = arith.constant 0 : i32
      %dma_start3A_605 = tpu.memref_slice %arg5[%dma_start3A_603, %dma_start3A_604] : memref<30522x768xf32, #tpu.memory_space<hbm>> -> memref<30522x768xf32, #tpu.memory_space<hbm>>
      tpu.enqueue_indirect_dma source(%dma_start3A_605 : memref<30522x768xf32, #tpu.memory_space<hbm>>) target(%arg19 : memref<64x768xf32, #tpu.memory_space<vmem>>) offsets(%arg18 : memref<64xi32, #tpu.memory_space<vmem>>) semaphore(%arg30 : memref<!tpu.dma_semaphore, #tpu.memory_space<semaphore_mem>>)
      %lt3A_606 = arith.cmpi slt, %add3A_288, %select_n3A_112 : i32
      %convert_element_type3A_607 = arith.extui %lt3A_606 : i1 to i32
      %cond3A_608 = arith.constant 0 : i32
      %cond3A_609 = arith.cmpi ne, %convert_element_type3A_607, %cond3A_608 : i32
      scf.if %cond3A_609 {
        %mul3A_625 = arith.constant 64 : i32
        %mul3A_626 = arith.muli %add3A_288, %mul3A_625 : i32
        %add3A_627 = arith.addi %multiple_of3A_80, %mul3A_626 : i32
        %add3A_628 = arith.constant 0 : i32
        %add3A_629 = arith.addi %add3A_627, %add3A_628 : i32
        %add3A_630 = vector.broadcast %add3A_629 : i32 to vector<16xi32>
        %add3A_631 = arith.addi %add3A_630, %iota3A : vector<16xi32>
        %broadcast_in_dim3A_632 = arith.constant 0 : i32
        %broadcast_in_dim3A_633 = vector.broadcast %broadcast_in_dim3A_632 : i32 to vector<16xi32>
        %ge3A_634 = arith.cmpi sge, %add3A_631, %gather3A_168 : vector<16xi32>
        %convert_element_type3A_635 = arith.extui %ge3A_634 : vector<16xi1> to vector<16xi32>
        %add3A_636 = arith.addi %broadcast_in_dim3A_633, %convert_element_type3A_635 : vector<16xi32>
        %ge3A_637 = arith.cmpi sge, %add3A_631, %gather3A_171 : vector<16xi32>
        %convert_element_type3A_638 = arith.extui %ge3A_637 : vector<16xi1> to vector<16xi32>
        %add3A_639 = arith.addi %add3A_636, %convert_element_type3A_638 : vector<16xi32>
        %ge3A_640 = arith.cmpi sge, %add3A_631, %gather3A_174 : vector<16xi32>
        %convert_element_type3A_641 = arith.extui %ge3A_640 : vector<16xi1> to vector<16xi32>
        %add3A_642 = arith.addi %add3A_639, %convert_element_type3A_641 : vector<16xi32>
        %ge3A_643 = arith.cmpi sge, %add3A_631, %gather3A_177 : vector<16xi32>
        %convert_element_type3A_644 = arith.extui %ge3A_643 : vector<16xi1> to vector<16xi32>
        %add3A_645 = arith.addi %add3A_642, %convert_element_type3A_644 : vector<16xi32>
        %ge3A_646 = arith.cmpi sge, %add3A_631, %gather3A_180 : vector<16xi32>
        %convert_element_type3A_647 = arith.extui %ge3A_646 : vector<16xi1> to vector<16xi32>
        %add3A_648 = arith.addi %add3A_645, %convert_element_type3A_647 : vector<16xi32>
        %ge3A_649 = arith.cmpi sge, %add3A_631, %gather3A_183 : vector<16xi32>
        %convert_element_type3A_650 = arith.extui %ge3A_649 : vector<16xi1> to vector<16xi32>
        %add3A_651 = arith.addi %add3A_648, %convert_element_type3A_650 : vector<16xi32>
        %ge3A_652 = arith.cmpi sge, %add3A_631, %gather3A_186 : vector<16xi32>
        %convert_element_type3A_653 = arith.extui %ge3A_652 : vector<16xi1> to vector<16xi32>
        %add3A_654 = arith.addi %add3A_651, %convert_element_type3A_653 : vector<16xi32>
        %ge3A_655 = arith.cmpi sge, %add3A_631, %gather3A_189 : vector<16xi32>
        %convert_element_type3A_656 = arith.extui %ge3A_655 : vector<16xi1> to vector<16xi32>
        %add3A_657 = arith.addi %add3A_654, %convert_element_type3A_656 : vector<16xi32>
        %ge3A_658 = arith.cmpi sge, %add3A_631, %gather3A_192 : vector<16xi32>
        %convert_element_type3A_659 = arith.extui %ge3A_658 : vector<16xi1> to vector<16xi32>
        %add3A_660 = arith.addi %add3A_657, %convert_element_type3A_659 : vector<16xi32>
        %ge3A_661 = arith.cmpi sge, %add3A_631, %gather3A_195 : vector<16xi32>
        %convert_element_type3A_662 = arith.extui %ge3A_661 : vector<16xi1> to vector<16xi32>
        %add3A_663 = arith.addi %add3A_660, %convert_element_type3A_662 : vector<16xi32>
        %ge3A_664 = arith.cmpi sge, %add3A_631, %gather3A_198 : vector<16xi32>
        %convert_element_type3A_665 = arith.extui %ge3A_664 : vector<16xi1> to vector<16xi32>
        %add3A_666 = arith.addi %add3A_663, %convert_element_type3A_665 : vector<16xi32>
        %ge3A_667 = arith.cmpi sge, %add3A_631, %gather3A_201 : vector<16xi32>
        %convert_element_type3A_668 = arith.extui %ge3A_667 : vector<16xi1> to vector<16xi32>
        %add3A_669 = arith.addi %add3A_666, %convert_element_type3A_668 : vector<16xi32>
        %ge3A_670 = arith.cmpi sge, %add3A_631, %gather3A_204 : vector<16xi32>
        %convert_element_type3A_671 = arith.extui %ge3A_670 : vector<16xi1> to vector<16xi32>
        %add3A_672 = arith.addi %add3A_669, %convert_element_type3A_671 : vector<16xi32>
        %ge3A_673 = arith.cmpi sge, %add3A_631, %gather3A_207 : vector<16xi32>
        %convert_element_type3A_674 = arith.extui %ge3A_673 : vector<16xi1> to vector<16xi32>
        %add3A_675 = arith.addi %add3A_672, %convert_element_type3A_674 : vector<16xi32>
        %ge3A_676 = arith.cmpi sge, %add3A_631, %gather3A_210 : vector<16xi32>
        %convert_element_type3A_677 = arith.extui %ge3A_676 : vector<16xi1> to vector<16xi32>
        %add3A_678 = arith.addi %add3A_675, %convert_element_type3A_677 : vector<16xi32>
        %ge3A_679 = arith.cmpi sge, %add3A_631, %gather3A_213 : vector<16xi32>
        %convert_element_type3A_680 = arith.extui %ge3A_679 : vector<16xi1> to vector<16xi32>
        %add3A_681 = arith.addi %add3A_678, %convert_element_type3A_680 : vector<16xi32>
        %min3A_682 = arith.constant 15 : i32
        %min3A_683 = vector.broadcast %min3A_682 : i32 to vector<16xi32>
        %min3A_684 = arith.minsi %add3A_681, %min3A_683 : vector<16xi32>
        %gather3A_685 = tpu.vector_load_idx %arg15[%min3A_684] : memref<48xi32, #tpu.memory_space<vmem>>[vector<16xi32>], vector<16xi32>,
        %add3A_686 = arith.constant 16 : i32
        %add3A_687 = vector.broadcast %add3A_686 : i32 to vector<16xi32>
        %add3A_688 = arith.addi %min3A_684, %add3A_687 : vector<16xi32>
        %gather3A_689 = tpu.vector_load_idx %arg15[%add3A_688] : memref<48xi32, #tpu.memory_space<vmem>>[vector<16xi32>], vector<16xi32>,
        %sub3A_690 = arith.subi %add3A_631, %gather3A_689 : vector<16xi32>
        %add3A_691 = arith.addi %gather3A_685, %sub3A_690 : vector<16xi32>
        %mul3A_692 = arith.constant 512 : i32
        %mul3A_693 = vector.broadcast %mul3A_692 : i32 to vector<16xi32>
        %mul3A_694 = arith.muli %min3A_684, %mul3A_693 : vector<16xi32>
        %add3A_695 = arith.addi %add3A_691, %mul3A_694 : vector<16xi32>
        %lt3A_696 = arith.cmpi slt, %add3A_631, %gather3A_213 : vector<16xi32>
        %jit3A_697 = arith.constant 0 : i32
        %broadcast_in_dim3A_698 = vector.broadcast %jit3A_697 : i32 to vector<16xi32>
        %select_n3A_699 = arith.select %lt3A_696, %add3A_695, %broadcast_in_dim3A_698 : vector<16xi1>, vector<16xi32>
        %gather3A_700 = tpu.vector_load_idx %arg13[%select_n3A_699] : memref<8192xi32, #tpu.memory_space<vmem>>[vector<16xi32>], vector<16xi32>,
        %swap3A_701 = arith.constant 0 : index
        %swap3A_702 = tpu.vector_load %arg20[%swap3A_701] {strides = array<i32>} : memref<64xi32, #tpu.memory_space<vmem>>, vector<16xi32>,
        tpu.vector_store %arg20[%swap3A_701], %gather3A_700 {strides = array<i32>} : memref<64xi32, #tpu.memory_space<vmem>>, vector<16xi32>,
        %mul3A_703 = arith.constant 64 : i32
        %mul3A_704 = arith.muli %add3A_288, %mul3A_703 : i32
        %add3A_705 = arith.addi %multiple_of3A_80, %mul3A_704 : i32
        %add3A_706 = arith.constant 16 : i32
        %add3A_707 = arith.addi %add3A_705, %add3A_706 : i32
        %add3A_708 = vector.broadcast %add3A_707 : i32 to vector<16xi32>
        %add3A_709 = arith.addi %add3A_708, %iota3A : vector<16xi32>
        %broadcast_in_dim3A_710 = arith.constant 0 : i32
        %broadcast_in_dim3A_711 = vector.broadcast %broadcast_in_dim3A_710 : i32 to vector<16xi32>
        %ge3A_712 = arith.cmpi sge, %add3A_709, %gather3A_168 : vector<16xi32>
        %convert_element_type3A_713 = arith.extui %ge3A_712 : vector<16xi1> to vector<16xi32>
        %add3A_714 = arith.addi %broadcast_in_dim3A_711, %convert_element_type3A_713 : vector<16xi32>
        %ge3A_715 = arith.cmpi sge, %add3A_709, %gather3A_171 : vector<16xi32>
        %convert_element_type3A_716 = arith.extui %ge3A_715 : vector<16xi1> to vector<16xi32>
        %add3A_717 = arith.addi %add3A_714, %convert_element_type3A_716 : vector<16xi32>
        %ge3A_718 = arith.cmpi sge, %add3A_709, %gather3A_174 : vector<16xi32>
        %convert_element_type3A_719 = arith.extui %ge3A_718 : vector<16xi1> to vector<16xi32>
        %add3A_720 = arith.addi %add3A_717, %convert_element_type3A_719 : vector<16xi32>
        %ge3A_721 = arith.cmpi sge, %add3A_709, %gather3A_177 : vector<16xi32>
        %convert_element_type3A_722 = arith.extui %ge3A_721 : vector<16xi1> to vector<16xi32>
        %add3A_723 = arith.addi %add3A_720, %convert_element_type3A_722 : vector<16xi32>
        %ge3A_724 = arith.cmpi sge, %add3A_709, %gather3A_180 : vector<16xi32>
        %convert_element_type3A_725 = arith.extui %ge3A_724 : vector<16xi1> to vector<16xi32>
        %add3A_726 = arith.addi %add3A_723, %convert_element_type3A_725 : vector<16xi32>
        %ge3A_727 = arith.cmpi sge, %add3A_709, %gather3A_183 : vector<16xi32>
        %convert_element_type3A_728 = arith.extui %ge3A_727 : vector<16xi1> to vector<16xi32>
        %add3A_729 = arith.addi %add3A_726, %convert_element_type3A_728 : vector<16xi32>
        %ge3A_730 = arith.cmpi sge, %add3A_709, %gather3A_186 : vector<16xi32>
        %convert_element_type3A_731 = arith.extui %ge3A_730 : vector<16xi1> to vector<16xi32>
        %add3A_732 = arith.addi %add3A_729, %convert_element_type3A_731 : vector<16xi32>
        %ge3A_733 = arith.cmpi sge, %add3A_709, %gather3A_189 : vector<16xi32>
        %convert_element_type3A_734 = arith.extui %ge3A_733 : vector<16xi1> to vector<16xi32>
        %add3A_735 = arith.addi %add3A_732, %convert_element_type3A_734 : vector<16xi32>
        %ge3A_736 = arith.cmpi sge, %add3A_709, %gather3A_192 : vector<16xi32>
        %convert_element_type3A_737 = arith.extui %ge3A_736 : vector<16xi1> to vector<16xi32>
        %add3A_738 = arith.addi %add3A_735, %convert_element_type3A_737 : vector<16xi32>
        %ge3A_739 = arith.cmpi sge, %add3A_709, %gather3A_195 : vector<16xi32>
        %convert_element_type3A_740 = arith.extui %ge3A_739 : vector<16xi1> to vector<16xi32>
        %add3A_741 = arith.addi %add3A_738, %convert_element_type3A_740 : vector<16xi32>
        %ge3A_742 = arith.cmpi sge, %add3A_709, %gather3A_198 : vector<16xi32>
        %convert_element_type3A_743 = arith.extui %ge3A_742 : vector<16xi1> to vector<16xi32>
        %add3A_744 = arith.addi %add3A_741, %convert_element_type3A_743 : vector<16xi32>
        %ge3A_745 = arith.cmpi sge, %add3A_709, %gather3A_201 : vector<16xi32>
        %convert_element_type3A_746 = arith.extui %ge3A_745 : vector<16xi1> to vector<16xi32>
        %add3A_747 = arith.addi %add3A_744, %convert_element_type3A_746 : vector<16xi32>
        %ge3A_748 = arith.cmpi sge, %add3A_709, %gather3A_204 : vector<16xi32>
        %convert_element_type3A_749 = arith.extui %ge3A_748 : vector<16xi1> to vector<16xi32>
        %add3A_750 = arith.addi %add3A_747, %convert_element_type3A_749 : vector<16xi32>
        %ge3A_751 = arith.cmpi sge, %add3A_709, %gather3A_207 : vector<16xi32>
        %convert_element_type3A_752 = arith.extui %ge3A_751 : vector<16xi1> to vector<16xi32>
        %add3A_753 = arith.addi %add3A_750, %convert_element_type3A_752 : vector<16xi32>
        %ge3A_754 = arith.cmpi sge, %add3A_709, %gather3A_210 : vector<16xi32>
        %convert_element_type3A_755 = arith.extui %ge3A_754 : vector<16xi1> to vector<16xi32>
        %add3A_756 = arith.addi %add3A_753, %convert_element_type3A_755 : vector<16xi32>
        %ge3A_757 = arith.cmpi sge, %add3A_709, %gather3A_213 : vector<16xi32>
        %convert_element_type3A_758 = arith.extui %ge3A_757 : vector<16xi1> to vector<16xi32>
        %add3A_759 = arith.addi %add3A_756, %convert_element_type3A_758 : vector<16xi32>
        %min3A_760 = arith.constant 15 : i32
        %min3A_761 = vector.broadcast %min3A_760 : i32 to vector<16xi32>
        %min3A_762 = arith.minsi %add3A_759, %min3A_761 : vector<16xi32>
        %gather3A_763 = tpu.vector_load_idx %arg15[%min3A_762] : memref<48xi32, #tpu.memory_space<vmem>>[vector<16xi32>], vector<16xi32>,
        %add3A_764 = arith.constant 16 : i32
        %add3A_765 = vector.broadcast %add3A_764 : i32 to vector<16xi32>
        %add3A_766 = arith.addi %min3A_762, %add3A_765 : vector<16xi32>
        %gather3A_767 = tpu.vector_load_idx %arg15[%add3A_766] : memref<48xi32, #tpu.memory_space<vmem>>[vector<16xi32>], vector<16xi32>,
        %sub3A_768 = arith.subi %add3A_709, %gather3A_767 : vector<16xi32>
        %add3A_769 = arith.addi %gather3A_763, %sub3A_768 : vector<16xi32>
        %mul3A_770 = arith.constant 512 : i32
        %mul3A_771 = vector.broadcast %mul3A_770 : i32 to vector<16xi32>
        %mul3A_772 = arith.muli %min3A_762, %mul3A_771 : vector<16xi32>
        %add3A_773 = arith.addi %add3A_769, %mul3A_772 : vector<16xi32>
        %lt3A_774 = arith.cmpi slt, %add3A_709, %gather3A_213 : vector<16xi32>
        %jit3A_775 = arith.constant 0 : i32
        %broadcast_in_dim3A_776 = vector.broadcast %jit3A_775 : i32 to vector<16xi32>
        %select_n3A_777 = arith.select %lt3A_774, %add3A_773, %broadcast_in_dim3A_776 : vector<16xi1>, vector<16xi32>
        %gather3A_778 = tpu.vector_load_idx %arg13[%select_n3A_777] : memref<8192xi32, #tpu.memory_space<vmem>>[vector<16xi32>], vector<16xi32>,
        %swap3A_779 = arith.constant 16 : index
        %swap3A_780 = tpu.vector_load %arg20[%swap3A_779] {strides = array<i32>} : memref<64xi32, #tpu.memory_space<vmem>>, vector<16xi32>,
        tpu.vector_store %arg20[%swap3A_779], %gather3A_778 {strides = array<i32>} : memref<64xi32, #tpu.memory_space<vmem>>, vector<16xi32>,
        %mul3A_781 = arith.constant 64 : i32
        %mul3A_782 = arith.muli %add3A_288, %mul3A_781 : i32
        %add3A_783 = arith.addi %multiple_of3A_80, %mul3A_782 : i32
        %add3A_784 = arith.constant 32 : i32
        %add3A_785 = arith.addi %add3A_783, %add3A_784 : i32
        %add3A_786 = vector.broadcast %add3A_785 : i32 to vector<16xi32>
        %add3A_787 = arith.addi %add3A_786, %iota3A : vector<16xi32>
        %broadcast_in_dim3A_788 = arith.constant 0 : i32
        %broadcast_in_dim3A_789 = vector.broadcast %broadcast_in_dim3A_788 : i32 to vector<16xi32>
        %ge3A_790 = arith.cmpi sge, %add3A_787, %gather3A_168 : vector<16xi32>
        %convert_element_type3A_791 = arith.extui %ge3A_790 : vector<16xi1> to vector<16xi32>
        %add3A_792 = arith.addi %broadcast_in_dim3A_789, %convert_element_type3A_791 : vector<16xi32>
        %ge3A_793 = arith.cmpi sge, %add3A_787, %gather3A_171 : vector<16xi32>
        %convert_element_type3A_794 = arith.extui %ge3A_793 : vector<16xi1> to vector<16xi32>
        %add3A_795 = arith.addi %add3A_792, %convert_element_type3A_794 : vector<16xi32>
        %ge3A_796 = arith.cmpi sge, %add3A_787, %gather3A_174 : vector<16xi32>
        %convert_element_type3A_797 = arith.extui %ge3A_796 : vector<16xi1> to vector<16xi32>
        %add3A_798 = arith.addi %add3A_795, %convert_element_type3A_797 : vector<16xi32>
        %ge3A_799 = arith.cmpi sge, %add3A_787, %gather3A_177 : vector<16xi32>
        %convert_element_type3A_800 = arith.extui %ge3A_799 : vector<16xi1> to vector<16xi32>
        %add3A_801 = arith.addi %add3A_798, %convert_element_type3A_800 : vector<16xi32>
        %ge3A_802 = arith.cmpi sge, %add3A_787, %gather3A_180 : vector<16xi32>
        %convert_element_type3A_803 = arith.extui %ge3A_802 : vector<16xi1> to vector<16xi32>
        %add3A_804 = arith.addi %add3A_801, %convert_element_type3A_803 : vector<16xi32>
        %ge3A_805 = arith.cmpi sge, %add3A_787, %gather3A_183 : vector<16xi32>
        %convert_element_type3A_806 = arith.extui %ge3A_805 : vector<16xi1> to vector<16xi32>
        %add3A_807 = arith.addi %add3A_804, %convert_element_type3A_806 : vector<16xi32>
        %ge3A_808 = arith.cmpi sge, %add3A_787, %gather3A_186 : vector<16xi32>
        %convert_element_type3A_809 = arith.extui %ge3A_808 : vector<16xi1> to vector<16xi32>
        %add3A_810 = arith.addi %add3A_807, %convert_element_type3A_809 : vector<16xi32>
        %ge3A_811 = arith.cmpi sge, %add3A_787, %gather3A_189 : vector<16xi32>
        %convert_element_type3A_812 = arith.extui %ge3A_811 : vector<16xi1> to vector<16xi32>
        %add3A_813 = arith.addi %add3A_810, %convert_element_type3A_812 : vector<16xi32>
        %ge3A_814 = arith.cmpi sge, %add3A_787, %gather3A_192 : vector<16xi32>
        %convert_element_type3A_815 = arith.extui %ge3A_814 : vector<16xi1> to vector<16xi32>
        %add3A_816 = arith.addi %add3A_813, %convert_element_type3A_815 : vector<16xi32>
        %ge3A_817 = arith.cmpi sge, %add3A_787, %gather3A_195 : vector<16xi32>
        %convert_element_type3A_818 = arith.extui %ge3A_817 : vector<16xi1> to vector<16xi32>
        %add3A_819 = arith.addi %add3A_816, %convert_element_type3A_818 : vector<16xi32>
        %ge3A_820 = arith.cmpi sge, %add3A_787, %gather3A_198 : vector<16xi32>
        %convert_element_type3A_821 = arith.extui %ge3A_820 : vector<16xi1> to vector<16xi32>
        %add3A_822 = arith.addi %add3A_819, %convert_element_type3A_821 : vector<16xi32>
        %ge3A_823 = arith.cmpi sge, %add3A_787, %gather3A_201 : vector<16xi32>
        %convert_element_type3A_824 = arith.extui %ge3A_823 : vector<16xi1> to vector<16xi32>
        %add3A_825 = arith.addi %add3A_822, %convert_element_type3A_824 : vector<16xi32>
        %ge3A_826 = arith.cmpi sge, %add3A_787, %gather3A_204 : vector<16xi32>
        %convert_element_type3A_827 = arith.extui %ge3A_826 : vector<16xi1> to vector<16xi32>
        %add3A_828 = arith.addi %add3A_825, %convert_element_type3A_827 : vector<16xi32>
        %ge3A_829 = arith.cmpi sge, %add3A_787, %gather3A_207 : vector<16xi32>
        %convert_element_type3A_830 = arith.extui %ge3A_829 : vector<16xi1> to vector<16xi32>
        %add3A_831 = arith.addi %add3A_828, %convert_element_type3A_830 : vector<16xi32>
        %ge3A_832 = arith.cmpi sge, %add3A_787, %gather3A_210 : vector<16xi32>
        %convert_element_type3A_833 = arith.extui %ge3A_832 : vector<16xi1> to vector<16xi32>
        %add3A_834 = arith.addi %add3A_831, %convert_element_type3A_833 : vector<16xi32>
        %ge3A_835 = arith.cmpi sge, %add3A_787, %gather3A_213 : vector<16xi32>
        %convert_element_type3A_836 = arith.extui %ge3A_835 : vector<16xi1> to vector<16xi32>
        %add3A_837 = arith.addi %add3A_834, %convert_element_type3A_836 : vector<16xi32>
        %min3A_838 = arith.constant 15 : i32
        %min3A_839 = vector.broadcast %min3A_838 : i32 to vector<16xi32>
        %min3A_840 = arith.minsi %add3A_837, %min3A_839 : vector<16xi32>
        %gather3A_841 = tpu.vector_load_idx %arg15[%min3A_840] : memref<48xi32, #tpu.memory_space<vmem>>[vector<16xi32>], vector<16xi32>,
        %add3A_842 = arith.constant 16 : i32
        %add3A_843 = vector.broadcast %add3A_842 : i32 to vector<16xi32>
        %add3A_844 = arith.addi %min3A_840, %add3A_843 : vector<16xi32>
        %gather3A_845 = tpu.vector_load_idx %arg15[%add3A_844] : memref<48xi32, #tpu.memory_space<vmem>>[vector<16xi32>], vector<16xi32>,
        %sub3A_846 = arith.subi %add3A_787, %gather3A_845 : vector<16xi32>
        %add3A_847 = arith.addi %gather3A_841, %sub3A_846 : vector<16xi32>
        %mul3A_848 = arith.constant 512 : i32
        %mul3A_849 = vector.broadcast %mul3A_848 : i32 to vector<16xi32>
        %mul3A_850 = arith.muli %min3A_840, %mul3A_849 : vector<16xi32>
        %add3A_851 = arith.addi %add3A_847, %mul3A_850 : vector<16xi32>
        %lt3A_852 = arith.cmpi slt, %add3A_787, %gather3A_213 : vector<16xi32>
        %jit3A_853 = arith.constant 0 : i32
        %broadcast_in_dim3A_854 = vector.broadcast %jit3A_853 : i32 to vector<16xi32>
        %select_n3A_855 = arith.select %lt3A_852, %add3A_851, %broadcast_in_dim3A_854 : vector<16xi1>, vector<16xi32>
        %gather3A_856 = tpu.vector_load_idx %arg13[%select_n3A_855] : memref<8192xi32, #tpu.memory_space<vmem>>[vector<16xi32>], vector<16xi32>,
        %swap3A_857 = arith.constant 32 : index
        %swap3A_858 = tpu.vector_load %arg20[%swap3A_857] {strides = array<i32>} : memref<64xi32, #tpu.memory_space<vmem>>, vector<16xi32>,
        tpu.vector_store %arg20[%swap3A_857], %gather3A_856 {strides = array<i32>} : memref<64xi32, #tpu.memory_space<vmem>>, vector<16xi32>,
        %mul3A_859 = arith.constant 64 : i32
        %mul3A_860 = arith.muli %add3A_288, %mul3A_859 : i32
        %add3A_861 = arith.addi %multiple_of3A_80, %mul3A_860 : i32
        %add3A_862 = arith.constant 48 : i32
        %add3A_863 = arith.addi %add3A_861, %add3A_862 : i32
        %add3A_864 = vector.broadcast %add3A_863 : i32 to vector<16xi32>
        %add3A_865 = arith.addi %add3A_864, %iota3A : vector<16xi32>
        %broadcast_in_dim3A_866 = arith.constant 0 : i32
        %broadcast_in_dim3A_867 = vector.broadcast %broadcast_in_dim3A_866 : i32 to vector<16xi32>
        %ge3A_868 = arith.cmpi sge, %add3A_865, %gather3A_168 : vector<16xi32>
        %convert_element_type3A_869 = arith.extui %ge3A_868 : vector<16xi1> to vector<16xi32>
        %add3A_870 = arith.addi %broadcast_in_dim3A_867, %convert_element_type3A_869 : vector<16xi32>
        %ge3A_871 = arith.cmpi sge, %add3A_865, %gather3A_171 : vector<16xi32>
        %convert_element_type3A_872 = arith.extui %ge3A_871 : vector<16xi1> to vector<16xi32>
        %add3A_873 = arith.addi %add3A_870, %convert_element_type3A_872 : vector<16xi32>
        %ge3A_874 = arith.cmpi sge, %add3A_865, %gather3A_174 : vector<16xi32>
        %convert_element_type3A_875 = arith.extui %ge3A_874 : vector<16xi1> to vector<16xi32>
        %add3A_876 = arith.addi %add3A_873, %convert_element_type3A_875 : vector<16xi32>
        %ge3A_877 = arith.cmpi sge, %add3A_865, %gather3A_177 : vector<16xi32>
        %convert_element_type3A_878 = arith.extui %ge3A_877 : vector<16xi1> to vector<16xi32>
        %add3A_879 = arith.addi %add3A_876, %convert_element_type3A_878 : vector<16xi32>
        %ge3A_880 = arith.cmpi sge, %add3A_865, %gather3A_180 : vector<16xi32>
        %convert_element_type3A_881 = arith.extui %ge3A_880 : vector<16xi1> to vector<16xi32>
        %add3A_882 = arith.addi %add3A_879, %convert_element_type3A_881 : vector<16xi32>
        %ge3A_883 = arith.cmpi sge, %add3A_865, %gather3A_183 : vector<16xi32>
        %convert_element_type3A_884 = arith.extui %ge3A_883 : vector<16xi1> to vector<16xi32>
        %add3A_885 = arith.addi %add3A_882, %convert_element_type3A_884 : vector<16xi32>
        %ge3A_886 = arith.cmpi sge, %add3A_865, %gather3A_186 : vector<16xi32>
        %convert_element_type3A_887 = arith.extui %ge3A_886 : vector<16xi1> to vector<16xi32>
        %add3A_888 = arith.addi %add3A_885, %convert_element_type3A_887 : vector<16xi32>
        %ge3A_889 = arith.cmpi sge, %add3A_865, %gather3A_189 : vector<16xi32>
        %convert_element_type3A_890 = arith.extui %ge3A_889 : vector<16xi1> to vector<16xi32>
        %add3A_891 = arith.addi %add3A_888, %convert_element_type3A_890 : vector<16xi32>
        %ge3A_892 = arith.cmpi sge, %add3A_865, %gather3A_192 : vector<16xi32>
        %convert_element_type3A_893 = arith.extui %ge3A_892 : vector<16xi1> to vector<16xi32>
        %add3A_894 = arith.addi %add3A_891, %convert_element_type3A_893 : vector<16xi32>
        %ge3A_895 = arith.cmpi sge, %add3A_865, %gather3A_195 : vector<16xi32>
        %convert_element_type3A_896 = arith.extui %ge3A_895 : vector<16xi1> to vector<16xi32>
        %add3A_897 = arith.addi %add3A_894, %convert_element_type3A_896 : vector<16xi32>
        %ge3A_898 = arith.cmpi sge, %add3A_865, %gather3A_198 : vector<16xi32>
        %convert_element_type3A_899 = arith.extui %ge3A_898 : vector<16xi1> to vector<16xi32>
        %add3A_900 = arith.addi %add3A_897, %convert_element_type3A_899 : vector<16xi32>
        %ge3A_901 = arith.cmpi sge, %add3A_865, %gather3A_201 : vector<16xi32>
        %convert_element_type3A_902 = arith.extui %ge3A_901 : vector<16xi1> to vector<16xi32>
        %add3A_903 = arith.addi %add3A_900, %convert_element_type3A_902 : vector<16xi32>
        %ge3A_904 = arith.cmpi sge, %add3A_865, %gather3A_204 : vector<16xi32>
        %convert_element_type3A_905 = arith.extui %ge3A_904 : vector<16xi1> to vector<16xi32>
        %add3A_906 = arith.addi %add3A_903, %convert_element_type3A_905 : vector<16xi32>
        %ge3A_907 = arith.cmpi sge, %add3A_865, %gather3A_207 : vector<16xi32>
        %convert_element_type3A_908 = arith.extui %ge3A_907 : vector<16xi1> to vector<16xi32>
        %add3A_909 = arith.addi %add3A_906, %convert_element_type3A_908 : vector<16xi32>
        %ge3A_910 = arith.cmpi sge, %add3A_865, %gather3A_210 : vector<16xi32>
        %convert_element_type3A_911 = arith.extui %ge3A_910 : vector<16xi1> to vector<16xi32>
        %add3A_912 = arith.addi %add3A_909, %convert_element_type3A_911 : vector<16xi32>
        %ge3A_913 = arith.cmpi sge, %add3A_865, %gather3A_213 : vector<16xi32>
        %convert_element_type3A_914 = arith.extui %ge3A_913 : vector<16xi1> to vector<16xi32>
        %add3A_915 = arith.addi %add3A_912, %convert_element_type3A_914 : vector<16xi32>
        %min3A_916 = arith.constant 15 : i32
        %min3A_917 = vector.broadcast %min3A_916 : i32 to vector<16xi32>
        %min3A_918 = arith.minsi %add3A_915, %min3A_917 : vector<16xi32>
        %gather3A_919 = tpu.vector_load_idx %arg15[%min3A_918] : memref<48xi32, #tpu.memory_space<vmem>>[vector<16xi32>], vector<16xi32>,
        %add3A_920 = arith.constant 16 : i32
        %add3A_921 = vector.broadcast %add3A_920 : i32 to vector<16xi32>
        %add3A_922 = arith.addi %min3A_918, %add3A_921 : vector<16xi32>
        %gather3A_923 = tpu.vector_load_idx %arg15[%add3A_922] : memref<48xi32, #tpu.memory_space<vmem>>[vector<16xi32>], vector<16xi32>,
        %sub3A_924 = arith.subi %add3A_865, %gather3A_923 : vector<16xi32>
        %add3A_925 = arith.addi %gather3A_919, %sub3A_924 : vector<16xi32>
        %mul3A_926 = arith.constant 512 : i32
        %mul3A_927 = vector.broadcast %mul3A_926 : i32 to vector<16xi32>
        %mul3A_928 = arith.muli %min3A_918, %mul3A_927 : vector<16xi32>
        %add3A_929 = arith.addi %add3A_925, %mul3A_928 : vector<16xi32>
        %lt3A_930 = arith.cmpi slt, %add3A_865, %gather3A_213 : vector<16xi32>
        %jit3A_931 = arith.constant 0 : i32
        %broadcast_in_dim3A_932 = vector.broadcast %jit3A_931 : i32 to vector<16xi32>
        %select_n3A_933 = arith.select %lt3A_930, %add3A_929, %broadcast_in_dim3A_932 : vector<16xi1>, vector<16xi32>
        %gather3A_934 = tpu.vector_load_idx %arg13[%select_n3A_933] : memref<8192xi32, #tpu.memory_space<vmem>>[vector<16xi32>], vector<16xi32>,
        %swap3A_935 = arith.constant 48 : index
        %swap3A_936 = tpu.vector_load %arg20[%swap3A_935] {strides = array<i32>} : memref<64xi32, #tpu.memory_space<vmem>>, vector<16xi32>,
        tpu.vector_store %arg20[%swap3A_935], %gather3A_934 {strides = array<i32>} : memref<64xi32, #tpu.memory_space<vmem>>, vector<16xi32>,
        %dma_start3A_937 = arith.constant 0 : i32
        %dma_start3A_938 = arith.constant 0 : i32
        %dma_start3A_939 = tpu.memref_slice %arg5[%dma_start3A_937, %dma_start3A_938] : memref<30522x768xf32, #tpu.memory_space<hbm>> -> memref<30522x768xf32, #tpu.memory_space<hbm>>
        tpu.enqueue_indirect_dma source(%dma_start3A_939 : memref<30522x768xf32, #tpu.memory_space<hbm>>) target(%arg21 : memref<64x768xf32, #tpu.memory_space<vmem>>) offsets(%arg20 : memref<64xi32, #tpu.memory_space<vmem>>) semaphore(%arg31 : memref<!tpu.dma_semaphore, #tpu.memory_space<semaphore_mem>>)
      } else {
      }
      %dma_wait3A_610 = arith.constant 0 : i32
      %dma_wait3A_611 = arith.constant 0 : i32
      %dma_wait3A_612 = tpu.memref_slice %arg5[%dma_wait3A_610, %dma_wait3A_611] : memref<30522x768xf32, #tpu.memory_space<hbm>> -> memref<30522x768xf32, #tpu.memory_space<hbm>>
      tpu.wait_indirect_dma semaphore(%arg30 : memref<!tpu.dma_semaphore, #tpu.memory_space<semaphore_mem>>) src(%dma_wait3A_612 : memref<30522x768xf32, #tpu.memory_space<hbm>>) dst(%arg19 : memref<64x768xf32, #tpu.memory_space<vmem>>)
      %mul3A_613 = arith.constant 64 : i32
      %mul3A_614 = arith.muli %mul3A_286, %mul3A_613 : i32
      %add3A_615 = arith.addi %multiple_of3A_80, %mul3A_614 : i32
      %multiple_of3A_616 = tpu.assume_multiple %add3A_615, 16 : i32
      %dma_start3A_617 = arith.constant 0 : i32
      %dma_start3A_618 = tpu.memref_slice %arg8[%multiple_of3A_616, %dma_start3A_617] : memref<8192x768xf32, #tpu.memory_space<hbm>> -> memref<64x768xf32, #tpu.memory_space<hbm>>
      %dma_start3A_619 = arith.constant 0 : i32
      %dma_start3A_620 = tpu.memref_slice %arg8[%multiple_of3A_616, %dma_start3A_619] : memref<8192x768xf32, #tpu.memory_space<hbm>> -> memref<64x768xf32, #tpu.memory_space<hbm>>
      tpu.enqueue_dma source(%arg19 : memref<64x768xf32, #tpu.memory_space<vmem>>) target(%dma_start3A_620 : memref<64x768xf32, #tpu.memory_space<hbm>>) target_semaphore(%arg32 : memref<!tpu.dma_semaphore, #tpu.memory_space<semaphore_mem>>)
      %lt3A_621 = arith.cmpi slt, %add3A_288, %select_n3A_112 : i32
      %convert_element_type3A_622 = arith.extui %lt3A_621 : i1 to i32
      %cond3A_623 = arith.constant 0 : i32
      %cond3A_624 = arith.cmpi ne, %convert_element_type3A_622, %cond3A_623 : i32
      scf.if %cond3A_624 {
        %dma_wait3A_625 = arith.constant 0 : i32
        %dma_wait3A_626 = arith.constant 0 : i32
        %dma_wait3A_627 = tpu.memref_slice %arg5[%dma_wait3A_625, %dma_wait3A_626] : memref<30522x768xf32, #tpu.memory_space<hbm>> -> memref<30522x768xf32, #tpu.memory_space<hbm>>
        tpu.wait_indirect_dma semaphore(%arg31 : memref<!tpu.dma_semaphore, #tpu.memory_space<semaphore_mem>>) src(%dma_wait3A_627 : memref<30522x768xf32, #tpu.memory_space<hbm>>) dst(%arg21 : memref<64x768xf32, #tpu.memory_space<vmem>>)
        %mul3A_628 = arith.constant 64 : i32
        %mul3A_629 = arith.muli %add3A_288, %mul3A_628 : i32
        %add3A_630 = arith.addi %multiple_of3A_80, %mul3A_629 : i32
        %multiple_of3A_631 = tpu.assume_multiple %add3A_630, 16 : i32
        %dma_start3A_632 = arith.constant 0 : i32
        %dma_start3A_633 = tpu.memref_slice %arg8[%multiple_of3A_631, %dma_start3A_632] : memref<8192x768xf32, #tpu.memory_space<hbm>> -> memref<64x768xf32, #tpu.memory_space<hbm>>
        %dma_start3A_634 = arith.constant 0 : i32
        %dma_start3A_635 = tpu.memref_slice %arg8[%multiple_of3A_631, %dma_start3A_634] : memref<8192x768xf32, #tpu.memory_space<hbm>> -> memref<64x768xf32, #tpu.memory_space<hbm>>
        tpu.enqueue_dma source(%arg21 : memref<64x768xf32, #tpu.memory_space<vmem>>) target(%dma_start3A_635 : memref<64x768xf32, #tpu.memory_space<hbm>>) target_semaphore(%arg33 : memref<!tpu.dma_semaphore, #tpu.memory_space<semaphore_mem>>)
      } else {
      }
    }
    %while3A_222 = arith.constant 1 : i32
    scf.for %while3A_284 = %while3A_220 to %while3A_216 step %while3A_222  : i32 {
      %mul3A_285 = arith.constant 2 : i32
      %mul3A_286 = arith.muli %while3A_284, %mul3A_285 : i32
      %add3A_287 = arith.constant 1 : i32
      %add3A_288 = arith.addi %mul3A_286, %add3A_287 : i32
      %gt3A_289 = arith.constant 0 : i32
      %gt3A_290 = arith.cmpi sgt, %while3A_284, %gt3A_289 : i32
      %convert_element_type3A_291 = arith.extui %gt3A_290 : i1 to i32
      %cond3A_292 = arith.constant 0 : i32
      %cond3A_293 = arith.cmpi ne, %convert_element_type3A_291, %cond3A_292 : i32
      scf.if %cond3A_293 {
        %mul3A_625 = arith.constant 64 : i32
        %mul3A_626 = arith.muli %mul3A_286, %mul3A_625 : i32
        %add3A_627 = arith.addi %multiple_of3A_80, %mul3A_626 : i32
        %multiple_of3A_628 = tpu.assume_multiple %add3A_627, 16 : i32
        %dma_wait3A_629 = arith.constant 0 : i32
        %dma_wait3A_630 = tpu.memref_slice %arg8[%multiple_of3A_628, %dma_wait3A_629] : memref<8192x768xf32, #tpu.memory_space<hbm>> -> memref<64x768xf32, #tpu.memory_space<hbm>>
        %dma_wait3A_631 = arith.constant 0 : i32
        %dma_wait3A_632 = tpu.memref_slice %arg8[%multiple_of3A_628, %dma_wait3A_631] : memref<8192x768xf32, #tpu.memory_space<hbm>> -> memref<64x768xf32, #tpu.memory_space<hbm>>
        tpu.wait_dma2 semaphore(%arg32 : memref<!tpu.dma_semaphore, #tpu.memory_space<semaphore_mem>>) src(%arg19 : memref<64x768xf32, #tpu.memory_space<vmem>>) dst(%dma_wait3A_632 : memref<64x768xf32, #tpu.memory_space<hbm>>)
        %mul3A_633 = arith.constant 64 : i32
        %mul3A_634 = arith.muli %mul3A_286, %mul3A_633 : i32
        %add3A_635 = arith.addi %multiple_of3A_80, %mul3A_634 : i32
        %multiple_of3A_636 = tpu.assume_multiple %add3A_635, 16 : i32
        %dma_wait3A_637 = arith.constant 0 : i32
        %dma_wait3A_638 = tpu.memref_slice %arg8[%multiple_of3A_636, %dma_wait3A_637] : memref<8192x768xf32, #tpu.memory_space<hbm>> -> memref<64x768xf32, #tpu.memory_space<hbm>>
        %dma_wait3A_639 = arith.constant 0 : i32
        %dma_wait3A_640 = tpu.memref_slice %arg8[%multiple_of3A_636, %dma_wait3A_639] : memref<8192x768xf32, #tpu.memory_space<hbm>> -> memref<64x768xf32, #tpu.memory_space<hbm>>
        tpu.wait_dma2 semaphore(%arg33 : memref<!tpu.dma_semaphore, #tpu.memory_space<semaphore_mem>>) src(%arg21 : memref<64x768xf32, #tpu.memory_space<vmem>>) dst(%dma_wait3A_640 : memref<64x768xf32, #tpu.memory_space<hbm>>)
      } else {
      }
      %mul3A_294 = arith.constant 64 : i32
      %mul3A_295 = arith.muli %mul3A_286, %mul3A_294 : i32
      %add3A_296 = arith.addi %multiple_of3A_80, %mul3A_295 : i32
      %add3A_297 = arith.constant 0 : i32
      %add3A_298 = arith.addi %add3A_296, %add3A_297 : i32
      %add3A_299 = vector.broadcast %add3A_298 : i32 to vector<16xi32>
      %add3A_300 = arith.addi %add3A_299, %iota3A : vector<16xi32>
      %broadcast_in_dim3A_301 = arith.constant 0 : i32
      %broadcast_in_dim3A_302 = vector.broadcast %broadcast_in_dim3A_301 : i32 to vector<16xi32>
      %ge3A = arith.cmpi sge, %add3A_300, %gather3A_168 : vector<16xi32>
      %convert_element_type3A_303 = arith.extui %ge3A : vector<16xi1> to vector<16xi32>
      %add3A_304 = arith.addi %broadcast_in_dim3A_302, %convert_element_type3A_303 : vector<16xi32>
      %ge3A_305 = arith.cmpi sge, %add3A_300, %gather3A_171 : vector<16xi32>
      %convert_element_type3A_306 = arith.extui %ge3A_305 : vector<16xi1> to vector<16xi32>
      %add3A_307 = arith.addi %add3A_304, %convert_element_type3A_306 : vector<16xi32>
      %ge3A_308 = arith.cmpi sge, %add3A_300, %gather3A_174 : vector<16xi32>
      %convert_element_type3A_309 = arith.extui %ge3A_308 : vector<16xi1> to vector<16xi32>
      %add3A_310 = arith.addi %add3A_307, %convert_element_type3A_309 : vector<16xi32>
      %ge3A_311 = arith.cmpi sge, %add3A_300, %gather3A_177 : vector<16xi32>
      %convert_element_type3A_312 = arith.extui %ge3A_311 : vector<16xi1> to vector<16xi32>
      %add3A_313 = arith.addi %add3A_310, %convert_element_type3A_312 : vector<16xi32>
      %ge3A_314 = arith.cmpi sge, %add3A_300, %gather3A_180 : vector<16xi32>
      %convert_element_type3A_315 = arith.extui %ge3A_314 : vector<16xi1> to vector<16xi32>
      %add3A_316 = arith.addi %add3A_313, %convert_element_type3A_315 : vector<16xi32>
      %ge3A_317 = arith.cmpi sge, %add3A_300, %gather3A_183 : vector<16xi32>
      %convert_element_type3A_318 = arith.extui %ge3A_317 : vector<16xi1> to vector<16xi32>
      %add3A_319 = arith.addi %add3A_316, %convert_element_type3A_318 : vector<16xi32>
      %ge3A_320 = arith.cmpi sge, %add3A_300, %gather3A_186 : vector<16xi32>
      %convert_element_type3A_321 = arith.extui %ge3A_320 : vector<16xi1> to vector<16xi32>
      %add3A_322 = arith.addi %add3A_319, %convert_element_type3A_321 : vector<16xi32>
      %ge3A_323 = arith.cmpi sge, %add3A_300, %gather3A_189 : vector<16xi32>
      %convert_element_type3A_324 = arith.extui %ge3A_323 : vector<16xi1> to vector<16xi32>
      %add3A_325 = arith.addi %add3A_322, %convert_element_type3A_324 : vector<16xi32>
      %ge3A_326 = arith.cmpi sge, %add3A_300, %gather3A_192 : vector<16xi32>
      %convert_element_type3A_327 = arith.extui %ge3A_326 : vector<16xi1> to vector<16xi32>
      %add3A_328 = arith.addi %add3A_325, %convert_element_type3A_327 : vector<16xi32>
      %ge3A_329 = arith.cmpi sge, %add3A_300, %gather3A_195 : vector<16xi32>
      %convert_element_type3A_330 = arith.extui %ge3A_329 : vector<16xi1> to vector<16xi32>
      %add3A_331 = arith.addi %add3A_328, %convert_element_type3A_330 : vector<16xi32>
      %ge3A_332 = arith.cmpi sge, %add3A_300, %gather3A_198 : vector<16xi32>
      %convert_element_type3A_333 = arith.extui %ge3A_332 : vector<16xi1> to vector<16xi32>
      %add3A_334 = arith.addi %add3A_331, %convert_element_type3A_333 : vector<16xi32>
      %ge3A_335 = arith.cmpi sge, %add3A_300, %gather3A_201 : vector<16xi32>
      %convert_element_type3A_336 = arith.extui %ge3A_335 : vector<16xi1> to vector<16xi32>
      %add3A_337 = arith.addi %add3A_334, %convert_element_type3A_336 : vector<16xi32>
      %ge3A_338 = arith.cmpi sge, %add3A_300, %gather3A_204 : vector<16xi32>
      %convert_element_type3A_339 = arith.extui %ge3A_338 : vector<16xi1> to vector<16xi32>
      %add3A_340 = arith.addi %add3A_337, %convert_element_type3A_339 : vector<16xi32>
      %ge3A_341 = arith.cmpi sge, %add3A_300, %gather3A_207 : vector<16xi32>
      %convert_element_type3A_342 = arith.extui %ge3A_341 : vector<16xi1> to vector<16xi32>
      %add3A_343 = arith.addi %add3A_340, %convert_element_type3A_342 : vector<16xi32>
      %ge3A_344 = arith.cmpi sge, %add3A_300, %gather3A_210 : vector<16xi32>
      %convert_element_type3A_345 = arith.extui %ge3A_344 : vector<16xi1> to vector<16xi32>
      %add3A_346 = arith.addi %add3A_343, %convert_element_type3A_345 : vector<16xi32>
      %ge3A_347 = arith.cmpi sge, %add3A_300, %gather3A_213 : vector<16xi32>
      %convert_element_type3A_348 = arith.extui %ge3A_347 : vector<16xi1> to vector<16xi32>
      %add3A_349 = arith.addi %add3A_346, %convert_element_type3A_348 : vector<16xi32>
      %min3A = arith.constant 15 : i32
      %min3A_350 = vector.broadcast %min3A : i32 to vector<16xi32>
      %min3A_351 = arith.minsi %add3A_349, %min3A_350 : vector<16xi32>
      %gather3A_352 = tpu.vector_load_idx %arg15[%min3A_351] : memref<48xi32, #tpu.memory_space<vmem>>[vector<16xi32>], vector<16xi32>,
      %add3A_353 = arith.constant 16 : i32
      %add3A_354 = vector.broadcast %add3A_353 : i32 to vector<16xi32>
      %add3A_355 = arith.addi %min3A_351, %add3A_354 : vector<16xi32>
      %gather3A_356 = tpu.vector_load_idx %arg15[%add3A_355] : memref<48xi32, #tpu.memory_space<vmem>>[vector<16xi32>], vector<16xi32>,
      %sub3A_357 = arith.subi %add3A_300, %gather3A_356 : vector<16xi32>
      %add3A_358 = arith.addi %gather3A_352, %sub3A_357 : vector<16xi32>
      %mul3A_359 = arith.constant 512 : i32
      %mul3A_360 = vector.broadcast %mul3A_359 : i32 to vector<16xi32>
      %mul3A_361 = arith.muli %min3A_351, %mul3A_360 : vector<16xi32>
      %add3A_362 = arith.addi %add3A_358, %mul3A_361 : vector<16xi32>
      %lt3A = arith.cmpi slt, %add3A_300, %gather3A_213 : vector<16xi32>
      %jit3A_363 = arith.constant 0 : i32
      %broadcast_in_dim3A_364 = vector.broadcast %jit3A_363 : i32 to vector<16xi32>
      %select_n3A_365 = arith.select %lt3A, %add3A_362, %broadcast_in_dim3A_364 : vector<16xi1>, vector<16xi32>
      %gather3A_366 = tpu.vector_load_idx %arg13[%select_n3A_365] : memref<8192xi32, #tpu.memory_space<vmem>>[vector<16xi32>], vector<16xi32>,
      %swap3A_367 = arith.constant 0 : index
      %swap3A_368 = tpu.vector_load %arg18[%swap3A_367] {strides = array<i32>} : memref<64xi32, #tpu.memory_space<vmem>>, vector<16xi32>,
      tpu.vector_store %arg18[%swap3A_367], %gather3A_366 {strides = array<i32>} : memref<64xi32, #tpu.memory_space<vmem>>, vector<16xi32>,
      %mul3A_369 = arith.constant 64 : i32
      %mul3A_370 = arith.muli %mul3A_286, %mul3A_369 : i32
      %add3A_371 = arith.addi %multiple_of3A_80, %mul3A_370 : i32
      %add3A_372 = arith.constant 16 : i32
      %add3A_373 = arith.addi %add3A_371, %add3A_372 : i32
      %add3A_374 = vector.broadcast %add3A_373 : i32 to vector<16xi32>
      %add3A_375 = arith.addi %add3A_374, %iota3A : vector<16xi32>
      %broadcast_in_dim3A_376 = arith.constant 0 : i32
      %broadcast_in_dim3A_377 = vector.broadcast %broadcast_in_dim3A_376 : i32 to vector<16xi32>
      %ge3A_378 = arith.cmpi sge, %add3A_375, %gather3A_168 : vector<16xi32>
      %convert_element_type3A_379 = arith.extui %ge3A_378 : vector<16xi1> to vector<16xi32>
      %add3A_380 = arith.addi %broadcast_in_dim3A_377, %convert_element_type3A_379 : vector<16xi32>
      %ge3A_381 = arith.cmpi sge, %add3A_375, %gather3A_171 : vector<16xi32>
      %convert_element_type3A_382 = arith.extui %ge3A_381 : vector<16xi1> to vector<16xi32>
      %add3A_383 = arith.addi %add3A_380, %convert_element_type3A_382 : vector<16xi32>
      %ge3A_384 = arith.cmpi sge, %add3A_375, %gather3A_174 : vector<16xi32>
      %convert_element_type3A_385 = arith.extui %ge3A_384 : vector<16xi1> to vector<16xi32>
      %add3A_386 = arith.addi %add3A_383, %convert_element_type3A_385 : vector<16xi32>
      %ge3A_387 = arith.cmpi sge, %add3A_375, %gather3A_177 : vector<16xi32>
      %convert_element_type3A_388 = arith.extui %ge3A_387 : vector<16xi1> to vector<16xi32>
      %add3A_389 = arith.addi %add3A_386, %convert_element_type3A_388 : vector<16xi32>
      %ge3A_390 = arith.cmpi sge, %add3A_375, %gather3A_180 : vector<16xi32>
      %convert_element_type3A_391 = arith.extui %ge3A_390 : vector<16xi1> to vector<16xi32>
      %add3A_392 = arith.addi %add3A_389, %convert_element_type3A_391 : vector<16xi32>
      %ge3A_393 = arith.cmpi sge, %add3A_375, %gather3A_183 : vector<16xi32>
      %convert_element_type3A_394 = arith.extui %ge3A_393 : vector<16xi1> to vector<16xi32>
      %add3A_395 = arith.addi %add3A_392, %convert_element_type3A_394 : vector<16xi32>
      %ge3A_396 = arith.cmpi sge, %add3A_375, %gather3A_186 : vector<16xi32>
      %convert_element_type3A_397 = arith.extui %ge3A_396 : vector<16xi1> to vector<16xi32>
      %add3A_398 = arith.addi %add3A_395, %convert_element_type3A_397 : vector<16xi32>
      %ge3A_399 = arith.cmpi sge, %add3A_375, %gather3A_189 : vector<16xi32>
      %convert_element_type3A_400 = arith.extui %ge3A_399 : vector<16xi1> to vector<16xi32>
      %add3A_401 = arith.addi %add3A_398, %convert_element_type3A_400 : vector<16xi32>
      %ge3A_402 = arith.cmpi sge, %add3A_375, %gather3A_192 : vector<16xi32>
      %convert_element_type3A_403 = arith.extui %ge3A_402 : vector<16xi1> to vector<16xi32>
      %add3A_404 = arith.addi %add3A_401, %convert_element_type3A_403 : vector<16xi32>
      %ge3A_405 = arith.cmpi sge, %add3A_375, %gather3A_195 : vector<16xi32>
      %convert_element_type3A_406 = arith.extui %ge3A_405 : vector<16xi1> to vector<16xi32>
      %add3A_407 = arith.addi %add3A_404, %convert_element_type3A_406 : vector<16xi32>
      %ge3A_408 = arith.cmpi sge, %add3A_375, %gather3A_198 : vector<16xi32>
      %convert_element_type3A_409 = arith.extui %ge3A_408 : vector<16xi1> to vector<16xi32>
      %add3A_410 = arith.addi %add3A_407, %convert_element_type3A_409 : vector<16xi32>
      %ge3A_411 = arith.cmpi sge, %add3A_375, %gather3A_201 : vector<16xi32>
      %convert_element_type3A_412 = arith.extui %ge3A_411 : vector<16xi1> to vector<16xi32>
      %add3A_413 = arith.addi %add3A_410, %convert_element_type3A_412 : vector<16xi32>
      %ge3A_414 = arith.cmpi sge, %add3A_375, %gather3A_204 : vector<16xi32>
      %convert_element_type3A_415 = arith.extui %ge3A_414 : vector<16xi1> to vector<16xi32>
      %add3A_416 = arith.addi %add3A_413, %convert_element_type3A_415 : vector<16xi32>
      %ge3A_417 = arith.cmpi sge, %add3A_375, %gather3A_207 : vector<16xi32>
      %convert_element_type3A_418 = arith.extui %ge3A_417 : vector<16xi1> to vector<16xi32>
      %add3A_419 = arith.addi %add3A_416, %convert_element_type3A_418 : vector<16xi32>
      %ge3A_420 = arith.cmpi sge, %add3A_375, %gather3A_210 : vector<16xi32>
      %convert_element_type3A_421 = arith.extui %ge3A_420 : vector<16xi1> to vector<16xi32>
      %add3A_422 = arith.addi %add3A_419, %convert_element_type3A_421 : vector<16xi32>
      %ge3A_423 = arith.cmpi sge, %add3A_375, %gather3A_213 : vector<16xi32>
      %convert_element_type3A_424 = arith.extui %ge3A_423 : vector<16xi1> to vector<16xi32>
      %add3A_425 = arith.addi %add3A_422, %convert_element_type3A_424 : vector<16xi32>
      %min3A_426 = arith.constant 15 : i32
      %min3A_427 = vector.broadcast %min3A_426 : i32 to vector<16xi32>
      %min3A_428 = arith.minsi %add3A_425, %min3A_427 : vector<16xi32>
      %gather3A_429 = tpu.vector_load_idx %arg15[%min3A_428] : memref<48xi32, #tpu.memory_space<vmem>>[vector<16xi32>], vector<16xi32>,
      %add3A_430 = arith.constant 16 : i32
      %add3A_431 = vector.broadcast %add3A_430 : i32 to vector<16xi32>
      %add3A_432 = arith.addi %min3A_428, %add3A_431 : vector<16xi32>
      %gather3A_433 = tpu.vector_load_idx %arg15[%add3A_432] : memref<48xi32, #tpu.memory_space<vmem>>[vector<16xi32>], vector<16xi32>,
      %sub3A_434 = arith.subi %add3A_375, %gather3A_433 : vector<16xi32>
      %add3A_435 = arith.addi %gather3A_429, %sub3A_434 : vector<16xi32>
      %mul3A_436 = arith.constant 512 : i32
      %mul3A_437 = vector.broadcast %mul3A_436 : i32 to vector<16xi32>
      %mul3A_438 = arith.muli %min3A_428, %mul3A_437 : vector<16xi32>
      %add3A_439 = arith.addi %add3A_435, %mul3A_438 : vector<16xi32>
      %lt3A_440 = arith.cmpi slt, %add3A_375, %gather3A_213 : vector<16xi32>
      %jit3A_441 = arith.constant 0 : i32
      %broadcast_in_dim3A_442 = vector.broadcast %jit3A_441 : i32 to vector<16xi32>
      %select_n3A_443 = arith.select %lt3A_440, %add3A_439, %broadcast_in_dim3A_442 : vector<16xi1>, vector<16xi32>
      %gather3A_444 = tpu.vector_load_idx %arg13[%select_n3A_443] : memref<8192xi32, #tpu.memory_space<vmem>>[vector<16xi32>], vector<16xi32>,
      %swap3A_445 = arith.constant 16 : index
      %swap3A_446 = tpu.vector_load %arg18[%swap3A_445] {strides = array<i32>} : memref<64xi32, #tpu.memory_space<vmem>>, vector<16xi32>,
      tpu.vector_store %arg18[%swap3A_445], %gather3A_444 {strides = array<i32>} : memref<64xi32, #tpu.memory_space<vmem>>, vector<16xi32>,
      %mul3A_447 = arith.constant 64 : i32
      %mul3A_448 = arith.muli %mul3A_286, %mul3A_447 : i32
      %add3A_449 = arith.addi %multiple_of3A_80, %mul3A_448 : i32
      %add3A_450 = arith.constant 32 : i32
      %add3A_451 = arith.addi %add3A_449, %add3A_450 : i32
      %add3A_452 = vector.broadcast %add3A_451 : i32 to vector<16xi32>
      %add3A_453 = arith.addi %add3A_452, %iota3A : vector<16xi32>
      %broadcast_in_dim3A_454 = arith.constant 0 : i32
      %broadcast_in_dim3A_455 = vector.broadcast %broadcast_in_dim3A_454 : i32 to vector<16xi32>
      %ge3A_456 = arith.cmpi sge, %add3A_453, %gather3A_168 : vector<16xi32>
      %convert_element_type3A_457 = arith.extui %ge3A_456 : vector<16xi1> to vector<16xi32>
      %add3A_458 = arith.addi %broadcast_in_dim3A_455, %convert_element_type3A_457 : vector<16xi32>
      %ge3A_459 = arith.cmpi sge, %add3A_453, %gather3A_171 : vector<16xi32>
      %convert_element_type3A_460 = arith.extui %ge3A_459 : vector<16xi1> to vector<16xi32>
      %add3A_461 = arith.addi %add3A_458, %convert_element_type3A_460 : vector<16xi32>
      %ge3A_462 = arith.cmpi sge, %add3A_453, %gather3A_174 : vector<16xi32>
      %convert_element_type3A_463 = arith.extui %ge3A_462 : vector<16xi1> to vector<16xi32>
      %add3A_464 = arith.addi %add3A_461, %convert_element_type3A_463 : vector<16xi32>
      %ge3A_465 = arith.cmpi sge, %add3A_453, %gather3A_177 : vector<16xi32>
      %convert_element_type3A_466 = arith.extui %ge3A_465 : vector<16xi1> to vector<16xi32>
      %add3A_467 = arith.addi %add3A_464, %convert_element_type3A_466 : vector<16xi32>
      %ge3A_468 = arith.cmpi sge, %add3A_453, %gather3A_180 : vector<16xi32>
      %convert_element_type3A_469 = arith.extui %ge3A_468 : vector<16xi1> to vector<16xi32>
      %add3A_470 = arith.addi %add3A_467, %convert_element_type3A_469 : vector<16xi32>
      %ge3A_471 = arith.cmpi sge, %add3A_453, %gather3A_183 : vector<16xi32>
      %convert_element_type3A_472 = arith.extui %ge3A_471 : vector<16xi1> to vector<16xi32>
      %add3A_473 = arith.addi %add3A_470, %convert_element_type3A_472 : vector<16xi32>
      %ge3A_474 = arith.cmpi sge, %add3A_453, %gather3A_186 : vector<16xi32>
      %convert_element_type3A_475 = arith.extui %ge3A_474 : vector<16xi1> to vector<16xi32>
      %add3A_476 = arith.addi %add3A_473, %convert_element_type3A_475 : vector<16xi32>
      %ge3A_477 = arith.cmpi sge, %add3A_453, %gather3A_189 : vector<16xi32>
      %convert_element_type3A_478 = arith.extui %ge3A_477 : vector<16xi1> to vector<16xi32>
      %add3A_479 = arith.addi %add3A_476, %convert_element_type3A_478 : vector<16xi32>
      %ge3A_480 = arith.cmpi sge, %add3A_453, %gather3A_192 : vector<16xi32>
      %convert_element_type3A_481 = arith.extui %ge3A_480 : vector<16xi1> to vector<16xi32>
      %add3A_482 = arith.addi %add3A_479, %convert_element_type3A_481 : vector<16xi32>
      %ge3A_483 = arith.cmpi sge, %add3A_453, %gather3A_195 : vector<16xi32>
      %convert_element_type3A_484 = arith.extui %ge3A_483 : vector<16xi1> to vector<16xi32>
      %add3A_485 = arith.addi %add3A_482, %convert_element_type3A_484 : vector<16xi32>
      %ge3A_486 = arith.cmpi sge, %add3A_453, %gather3A_198 : vector<16xi32>
      %convert_element_type3A_487 = arith.extui %ge3A_486 : vector<16xi1> to vector<16xi32>
      %add3A_488 = arith.addi %add3A_485, %convert_element_type3A_487 : vector<16xi32>
      %ge3A_489 = arith.cmpi sge, %add3A_453, %gather3A_201 : vector<16xi32>
      %convert_element_type3A_490 = arith.extui %ge3A_489 : vector<16xi1> to vector<16xi32>
      %add3A_491 = arith.addi %add3A_488, %convert_element_type3A_490 : vector<16xi32>
      %ge3A_492 = arith.cmpi sge, %add3A_453, %gather3A_204 : vector<16xi32>
      %convert_element_type3A_493 = arith.extui %ge3A_492 : vector<16xi1> to vector<16xi32>
      %add3A_494 = arith.addi %add3A_491, %convert_element_type3A_493 : vector<16xi32>
      %ge3A_495 = arith.cmpi sge, %add3A_453, %gather3A_207 : vector<16xi32>
      %convert_element_type3A_496 = arith.extui %ge3A_495 : vector<16xi1> to vector<16xi32>
      %add3A_497 = arith.addi %add3A_494, %convert_element_type3A_496 : vector<16xi32>
      %ge3A_498 = arith.cmpi sge, %add3A_453, %gather3A_210 : vector<16xi32>
      %convert_element_type3A_499 = arith.extui %ge3A_498 : vector<16xi1> to vector<16xi32>
      %add3A_500 = arith.addi %add3A_497, %convert_element_type3A_499 : vector<16xi32>
      %ge3A_501 = arith.cmpi sge, %add3A_453, %gather3A_213 : vector<16xi32>
      %convert_element_type3A_502 = arith.extui %ge3A_501 : vector<16xi1> to vector<16xi32>
      %add3A_503 = arith.addi %add3A_500, %convert_element_type3A_502 : vector<16xi32>
      %min3A_504 = arith.constant 15 : i32
      %min3A_505 = vector.broadcast %min3A_504 : i32 to vector<16xi32>
      %min3A_506 = arith.minsi %add3A_503, %min3A_505 : vector<16xi32>
      %gather3A_507 = tpu.vector_load_idx %arg15[%min3A_506] : memref<48xi32, #tpu.memory_space<vmem>>[vector<16xi32>], vector<16xi32>,
      %add3A_508 = arith.constant 16 : i32
      %add3A_509 = vector.broadcast %add3A_508 : i32 to vector<16xi32>
      %add3A_510 = arith.addi %min3A_506, %add3A_509 : vector<16xi32>
      %gather3A_511 = tpu.vector_load_idx %arg15[%add3A_510] : memref<48xi32, #tpu.memory_space<vmem>>[vector<16xi32>], vector<16xi32>,
      %sub3A_512 = arith.subi %add3A_453, %gather3A_511 : vector<16xi32>
      %add3A_513 = arith.addi %gather3A_507, %sub3A_512 : vector<16xi32>
      %mul3A_514 = arith.constant 512 : i32
      %mul3A_515 = vector.broadcast %mul3A_514 : i32 to vector<16xi32>
      %mul3A_516 = arith.muli %min3A_506, %mul3A_515 : vector<16xi32>
      %add3A_517 = arith.addi %add3A_513, %mul3A_516 : vector<16xi32>
      %lt3A_518 = arith.cmpi slt, %add3A_453, %gather3A_213 : vector<16xi32>
      %jit3A_519 = arith.constant 0 : i32
      %broadcast_in_dim3A_520 = vector.broadcast %jit3A_519 : i32 to vector<16xi32>
      %select_n3A_521 = arith.select %lt3A_518, %add3A_517, %broadcast_in_dim3A_520 : vector<16xi1>, vector<16xi32>
      %gather3A_522 = tpu.vector_load_idx %arg13[%select_n3A_521] : memref<8192xi32, #tpu.memory_space<vmem>>[vector<16xi32>], vector<16xi32>,
      %swap3A_523 = arith.constant 32 : index
      %swap3A_524 = tpu.vector_load %arg18[%swap3A_523] {strides = array<i32>} : memref<64xi32, #tpu.memory_space<vmem>>, vector<16xi32>,
      tpu.vector_store %arg18[%swap3A_523], %gather3A_522 {strides = array<i32>} : memref<64xi32, #tpu.memory_space<vmem>>, vector<16xi32>,
      %mul3A_525 = arith.constant 64 : i32
      %mul3A_526 = arith.muli %mul3A_286, %mul3A_525 : i32
      %add3A_527 = arith.addi %multiple_of3A_80, %mul3A_526 : i32
      %add3A_528 = arith.constant 48 : i32
      %add3A_529 = arith.addi %add3A_527, %add3A_528 : i32
      %add3A_530 = vector.broadcast %add3A_529 : i32 to vector<16xi32>
      %add3A_531 = arith.addi %add3A_530, %iota3A : vector<16xi32>
      %broadcast_in_dim3A_532 = arith.constant 0 : i32
      %broadcast_in_dim3A_533 = vector.broadcast %broadcast_in_dim3A_532 : i32 to vector<16xi32>
      %ge3A_534 = arith.cmpi sge, %add3A_531, %gather3A_168 : vector<16xi32>
      %convert_element_type3A_535 = arith.extui %ge3A_534 : vector<16xi1> to vector<16xi32>
      %add3A_536 = arith.addi %broadcast_in_dim3A_533, %convert_element_type3A_535 : vector<16xi32>
      %ge3A_537 = arith.cmpi sge, %add3A_531, %gather3A_171 : vector<16xi32>
      %convert_element_type3A_538 = arith.extui %ge3A_537 : vector<16xi1> to vector<16xi32>
      %add3A_539 = arith.addi %add3A_536, %convert_element_type3A_538 : vector<16xi32>
      %ge3A_540 = arith.cmpi sge, %add3A_531, %gather3A_174 : vector<16xi32>
      %convert_element_type3A_541 = arith.extui %ge3A_540 : vector<16xi1> to vector<16xi32>
      %add3A_542 = arith.addi %add3A_539, %convert_element_type3A_541 : vector<16xi32>
      %ge3A_543 = arith.cmpi sge, %add3A_531, %gather3A_177 : vector<16xi32>
      %convert_element_type3A_544 = arith.extui %ge3A_543 : vector<16xi1> to vector<16xi32>
      %add3A_545 = arith.addi %add3A_542, %convert_element_type3A_544 : vector<16xi32>
      %ge3A_546 = arith.cmpi sge, %add3A_531, %gather3A_180 : vector<16xi32>
      %convert_element_type3A_547 = arith.extui %ge3A_546 : vector<16xi1> to vector<16xi32>
      %add3A_548 = arith.addi %add3A_545, %convert_element_type3A_547 : vector<16xi32>
      %ge3A_549 = arith.cmpi sge, %add3A_531, %gather3A_183 : vector<16xi32>
      %convert_element_type3A_550 = arith.extui %ge3A_549 : vector<16xi1> to vector<16xi32>
      %add3A_551 = arith.addi %add3A_548, %convert_element_type3A_550 : vector<16xi32>
      %ge3A_552 = arith.cmpi sge, %add3A_531, %gather3A_186 : vector<16xi32>
      %convert_element_type3A_553 = arith.extui %ge3A_552 : vector<16xi1> to vector<16xi32>
      %add3A_554 = arith.addi %add3A_551, %convert_element_type3A_553 : vector<16xi32>
      %ge3A_555 = arith.cmpi sge, %add3A_531, %gather3A_189 : vector<16xi32>
      %convert_element_type3A_556 = arith.extui %ge3A_555 : vector<16xi1> to vector<16xi32>
      %add3A_557 = arith.addi %add3A_554, %convert_element_type3A_556 : vector<16xi32>
      %ge3A_558 = arith.cmpi sge, %add3A_531, %gather3A_192 : vector<16xi32>
      %convert_element_type3A_559 = arith.extui %ge3A_558 : vector<16xi1> to vector<16xi32>
      %add3A_560 = arith.addi %add3A_557, %convert_element_type3A_559 : vector<16xi32>
      %ge3A_561 = arith.cmpi sge, %add3A_531, %gather3A_195 : vector<16xi32>
      %convert_element_type3A_562 = arith.extui %ge3A_561 : vector<16xi1> to vector<16xi32>
      %add3A_563 = arith.addi %add3A_560, %convert_element_type3A_562 : vector<16xi32>
      %ge3A_564 = arith.cmpi sge, %add3A_531, %gather3A_198 : vector<16xi32>
      %convert_element_type3A_565 = arith.extui %ge3A_564 : vector<16xi1> to vector<16xi32>
      %add3A_566 = arith.addi %add3A_563, %convert_element_type3A_565 : vector<16xi32>
      %ge3A_567 = arith.cmpi sge, %add3A_531, %gather3A_201 : vector<16xi32>
      %convert_element_type3A_568 = arith.extui %ge3A_567 : vector<16xi1> to vector<16xi32>
      %add3A_569 = arith.addi %add3A_566, %convert_element_type3A_568 : vector<16xi32>
      %ge3A_570 = arith.cmpi sge, %add3A_531, %gather3A_204 : vector<16xi32>
      %convert_element_type3A_571 = arith.extui %ge3A_570 : vector<16xi1> to vector<16xi32>
      %add3A_572 = arith.addi %add3A_569, %convert_element_type3A_571 : vector<16xi32>
      %ge3A_573 = arith.cmpi sge, %add3A_531, %gather3A_207 : vector<16xi32>
      %convert_element_type3A_574 = arith.extui %ge3A_573 : vector<16xi1> to vector<16xi32>
      %add3A_575 = arith.addi %add3A_572, %convert_element_type3A_574 : vector<16xi32>
      %ge3A_576 = arith.cmpi sge, %add3A_531, %gather3A_210 : vector<16xi32>
      %convert_element_type3A_577 = arith.extui %ge3A_576 : vector<16xi1> to vector<16xi32>
      %add3A_578 = arith.addi %add3A_575, %convert_element_type3A_577 : vector<16xi32>
      %ge3A_579 = arith.cmpi sge, %add3A_531, %gather3A_213 : vector<16xi32>
      %convert_element_type3A_580 = arith.extui %ge3A_579 : vector<16xi1> to vector<16xi32>
      %add3A_581 = arith.addi %add3A_578, %convert_element_type3A_580 : vector<16xi32>
      %min3A_582 = arith.constant 15 : i32
      %min3A_583 = vector.broadcast %min3A_582 : i32 to vector<16xi32>
      %min3A_584 = arith.minsi %add3A_581, %min3A_583 : vector<16xi32>
      %gather3A_585 = tpu.vector_load_idx %arg15[%min3A_584] : memref<48xi32, #tpu.memory_space<vmem>>[vector<16xi32>], vector<16xi32>,
      %add3A_586 = arith.constant 16 : i32
      %add3A_587 = vector.broadcast %add3A_586 : i32 to vector<16xi32>
      %add3A_588 = arith.addi %min3A_584, %add3A_587 : vector<16xi32>
      %gather3A_589 = tpu.vector_load_idx %arg15[%add3A_588] : memref<48xi32, #tpu.memory_space<vmem>>[vector<16xi32>], vector<16xi32>,
      %sub3A_590 = arith.subi %add3A_531, %gather3A_589 : vector<16xi32>
      %add3A_591 = arith.addi %gather3A_585, %sub3A_590 : vector<16xi32>
      %mul3A_592 = arith.constant 512 : i32
      %mul3A_593 = vector.broadcast %mul3A_592 : i32 to vector<16xi32>
      %mul3A_594 = arith.muli %min3A_584, %mul3A_593 : vector<16xi32>
      %add3A_595 = arith.addi %add3A_591, %mul3A_594 : vector<16xi32>
      %lt3A_596 = arith.cmpi slt, %add3A_531, %gather3A_213 : vector<16xi32>
      %jit3A_597 = arith.constant 0 : i32
      %broadcast_in_dim3A_598 = vector.broadcast %jit3A_597 : i32 to vector<16xi32>
      %select_n3A_599 = arith.select %lt3A_596, %add3A_595, %broadcast_in_dim3A_598 : vector<16xi1>, vector<16xi32>
      %gather3A_600 = tpu.vector_load_idx %arg13[%select_n3A_599] : memref<8192xi32, #tpu.memory_space<vmem>>[vector<16xi32>], vector<16xi32>,
      %swap3A_601 = arith.constant 48 : index
      %swap3A_602 = tpu.vector_load %arg18[%swap3A_601] {strides = array<i32>} : memref<64xi32, #tpu.memory_space<vmem>>, vector<16xi32>,
      tpu.vector_store %arg18[%swap3A_601], %gather3A_600 {strides = array<i32>} : memref<64xi32, #tpu.memory_space<vmem>>, vector<16xi32>,
      %dma_start3A_603 = arith.constant 0 : i32
      %dma_start3A_604 = arith.constant 0 : i32
      %dma_start3A_605 = tpu.memref_slice %arg5[%dma_start3A_603, %dma_start3A_604] : memref<30522x768xf32, #tpu.memory_space<hbm>> -> memref<30522x768xf32, #tpu.memory_space<hbm>>
      tpu.enqueue_indirect_dma source(%dma_start3A_605 : memref<30522x768xf32, #tpu.memory_space<hbm>>) target(%arg19 : memref<64x768xf32, #tpu.memory_space<vmem>>) offsets(%arg18 : memref<64xi32, #tpu.memory_space<vmem>>) semaphore(%arg30 : memref<!tpu.dma_semaphore, #tpu.memory_space<semaphore_mem>>)
      %lt3A_606 = arith.cmpi slt, %add3A_288, %select_n3A_112 : i32
      %convert_element_type3A_607 = arith.extui %lt3A_606 : i1 to i32
      %cond3A_608 = arith.constant 0 : i32
      %cond3A_609 = arith.cmpi ne, %convert_element_type3A_607, %cond3A_608 : i32
      scf.if %cond3A_609 {
        %mul3A_625 = arith.constant 64 : i32
        %mul3A_626 = arith.muli %add3A_288, %mul3A_625 : i32
        %add3A_627 = arith.addi %multiple_of3A_80, %mul3A_626 : i32
        %add3A_628 = arith.constant 0 : i32
        %add3A_629 = arith.addi %add3A_627, %add3A_628 : i32
        %add3A_630 = vector.broadcast %add3A_629 : i32 to vector<16xi32>
        %add3A_631 = arith.addi %add3A_630, %iota3A : vector<16xi32>
        %broadcast_in_dim3A_632 = arith.constant 0 : i32
        %broadcast_in_dim3A_633 = vector.broadcast %broadcast_in_dim3A_632 : i32 to vector<16xi32>
        %ge3A_634 = arith.cmpi sge, %add3A_631, %gather3A_168 : vector<16xi32>
        %convert_element_type3A_635 = arith.extui %ge3A_634 : vector<16xi1> to vector<16xi32>
        %add3A_636 = arith.addi %broadcast_in_dim3A_633, %convert_element_type3A_635 : vector<16xi32>
        %ge3A_637 = arith.cmpi sge, %add3A_631, %gather3A_171 : vector<16xi32>
        %convert_element_type3A_638 = arith.extui %ge3A_637 : vector<16xi1> to vector<16xi32>
        %add3A_639 = arith.addi %add3A_636, %convert_element_type3A_638 : vector<16xi32>
        %ge3A_640 = arith.cmpi sge, %add3A_631, %gather3A_174 : vector<16xi32>
        %convert_element_type3A_641 = arith.extui %ge3A_640 : vector<16xi1> to vector<16xi32>
        %add3A_642 = arith.addi %add3A_639, %convert_element_type3A_641 : vector<16xi32>
        %ge3A_643 = arith.cmpi sge, %add3A_631, %gather3A_177 : vector<16xi32>
        %convert_element_type3A_644 = arith.extui %ge3A_643 : vector<16xi1> to vector<16xi32>
        %add3A_645 = arith.addi %add3A_642, %convert_element_type3A_644 : vector<16xi32>
        %ge3A_646 = arith.cmpi sge, %add3A_631, %gather3A_180 : vector<16xi32>
        %convert_element_type3A_647 = arith.extui %ge3A_646 : vector<16xi1> to vector<16xi32>
        %add3A_648 = arith.addi %add3A_645, %convert_element_type3A_647 : vector<16xi32>
        %ge3A_649 = arith.cmpi sge, %add3A_631, %gather3A_183 : vector<16xi32>
        %convert_element_type3A_650 = arith.extui %ge3A_649 : vector<16xi1> to vector<16xi32>
        %add3A_651 = arith.addi %add3A_648, %convert_element_type3A_650 : vector<16xi32>
        %ge3A_652 = arith.cmpi sge, %add3A_631, %gather3A_186 : vector<16xi32>
        %convert_element_type3A_653 = arith.extui %ge3A_652 : vector<16xi1> to vector<16xi32>
        %add3A_654 = arith.addi %add3A_651, %convert_element_type3A_653 : vector<16xi32>
        %ge3A_655 = arith.cmpi sge, %add3A_631, %gather3A_189 : vector<16xi32>
        %convert_element_type3A_656 = arith.extui %ge3A_655 : vector<16xi1> to vector<16xi32>
        %add3A_657 = arith.addi %add3A_654, %convert_element_type3A_656 : vector<16xi32>
        %ge3A_658 = arith.cmpi sge, %add3A_631, %gather3A_192 : vector<16xi32>
        %convert_element_type3A_659 = arith.extui %ge3A_658 : vector<16xi1> to vector<16xi32>
        %add3A_660 = arith.addi %add3A_657, %convert_element_type3A_659 : vector<16xi32>
        %ge3A_661 = arith.cmpi sge, %add3A_631, %gather3A_195 : vector<16xi32>
        %convert_element_type3A_662 = arith.extui %ge3A_661 : vector<16xi1> to vector<16xi32>
        %add3A_663 = arith.addi %add3A_660, %convert_element_type3A_662 : vector<16xi32>
        %ge3A_664 = arith.cmpi sge, %add3A_631, %gather3A_198 : vector<16xi32>
        %convert_element_type3A_665 = arith.extui %ge3A_664 : vector<16xi1> to vector<16xi32>
        %add3A_666 = arith.addi %add3A_663, %convert_element_type3A_665 : vector<16xi32>
        %ge3A_667 = arith.cmpi sge, %add3A_631, %gather3A_201 : vector<16xi32>
        %convert_element_type3A_668 = arith.extui %ge3A_667 : vector<16xi1> to vector<16xi32>
        %add3A_669 = arith.addi %add3A_666, %convert_element_type3A_668 : vector<16xi32>
        %ge3A_670 = arith.cmpi sge, %add3A_631, %gather3A_204 : vector<16xi32>
        %convert_element_type3A_671 = arith.extui %ge3A_670 : vector<16xi1> to vector<16xi32>
        %add3A_672 = arith.addi %add3A_669, %convert_element_type3A_671 : vector<16xi32>
        %ge3A_673 = arith.cmpi sge, %add3A_631, %gather3A_207 : vector<16xi32>
        %convert_element_type3A_674 = arith.extui %ge3A_673 : vector<16xi1> to vector<16xi32>
        %add3A_675 = arith.addi %add3A_672, %convert_element_type3A_674 : vector<16xi32>
        %ge3A_676 = arith.cmpi sge, %add3A_631, %gather3A_210 : vector<16xi32>
        %convert_element_type3A_677 = arith.extui %ge3A_676 : vector<16xi1> to vector<16xi32>
        %add3A_678 = arith.addi %add3A_675, %convert_element_type3A_677 : vector<16xi32>
        %ge3A_679 = arith.cmpi sge, %add3A_631, %gather3A_213 : vector<16xi32>
        %convert_element_type3A_680 = arith.extui %ge3A_679 : vector<16xi1> to vector<16xi32>
        %add3A_681 = arith.addi %add3A_678, %convert_element_type3A_680 : vector<16xi32>
        %min3A_682 = arith.constant 15 : i32
        %min3A_683 = vector.broadcast %min3A_682 : i32 to vector<16xi32>
        %min3A_684 = arith.minsi %add3A_681, %min3A_683 : vector<16xi32>
        %gather3A_685 = tpu.vector_load_idx %arg15[%min3A_684] : memref<48xi32, #tpu.memory_space<vmem>>[vector<16xi32>], vector<16xi32>,
        %add3A_686 = arith.constant 16 : i32
        %add3A_687 = vector.broadcast %add3A_686 : i32 to vector<16xi32>
        %add3A_688 = arith.addi %min3A_684, %add3A_687 : vector<16xi32>
        %gather3A_689 = tpu.vector_load_idx %arg15[%add3A_688] : memref<48xi32, #tpu.memory_space<vmem>>[vector<16xi32>], vector<16xi32>,
        %sub3A_690 = arith.subi %add3A_631, %gather3A_689 : vector<16xi32>
        %add3A_691 = arith.addi %gather3A_685, %sub3A_690 : vector<16xi32>
        %mul3A_692 = arith.constant 512 : i32
        %mul3A_693 = vector.broadcast %mul3A_692 : i32 to vector<16xi32>
        %mul3A_694 = arith.muli %min3A_684, %mul3A_693 : vector<16xi32>
        %add3A_695 = arith.addi %add3A_691, %mul3A_694 : vector<16xi32>
        %lt3A_696 = arith.cmpi slt, %add3A_631, %gather3A_213 : vector<16xi32>
        %jit3A_697 = arith.constant 0 : i32
        %broadcast_in_dim3A_698 = vector.broadcast %jit3A_697 : i32 to vector<16xi32>
        %select_n3A_699 = arith.select %lt3A_696, %add3A_695, %broadcast_in_dim3A_698 : vector<16xi1>, vector<16xi32>
        %gather3A_700 = tpu.vector_load_idx %arg13[%select_n3A_699] : memref<8192xi32, #tpu.memory_space<vmem>>[vector<16xi32>], vector<16xi32>,
        %swap3A_701 = arith.constant 0 : index
        %swap3A_702 = tpu.vector_load %arg20[%swap3A_701] {strides = array<i32>} : memref<64xi32, #tpu.memory_space<vmem>>, vector<16xi32>,
        tpu.vector_store %arg20[%swap3A_701], %gather3A_700 {strides = array<i32>} : memref<64xi32, #tpu.memory_space<vmem>>, vector<16xi32>,
        %mul3A_703 = arith.constant 64 : i32
        %mul3A_704 = arith.muli %add3A_288, %mul3A_703 : i32
        %add3A_705 = arith.addi %multiple_of3A_80, %mul3A_704 : i32
        %add3A_706 = arith.constant 16 : i32
        %add3A_707 = arith.addi %add3A_705, %add3A_706 : i32
        %add3A_708 = vector.broadcast %add3A_707 : i32 to vector<16xi32>
        %add3A_709 = arith.addi %add3A_708, %iota3A : vector<16xi32>
        %broadcast_in_dim3A_710 = arith.constant 0 : i32
        %broadcast_in_dim3A_711 = vector.broadcast %broadcast_in_dim3A_710 : i32 to vector<16xi32>
        %ge3A_712 = arith.cmpi sge, %add3A_709, %gather3A_168 : vector<16xi32>
        %convert_element_type3A_713 = arith.extui %ge3A_712 : vector<16xi1> to vector<16xi32>
        %add3A_714 = arith.addi %broadcast_in_dim3A_711, %convert_element_type3A_713 : vector<16xi32>
        %ge3A_715 = arith.cmpi sge, %add3A_709, %gather3A_171 : vector<16xi32>
        %convert_element_type3A_716 = arith.extui %ge3A_715 : vector<16xi1> to vector<16xi32>
        %add3A_717 = arith.addi %add3A_714, %convert_element_type3A_716 : vector<16xi32>
        %ge3A_718 = arith.cmpi sge, %add3A_709, %gather3A_174 : vector<16xi32>
        %convert_element_type3A_719 = arith.extui %ge3A_718 : vector<16xi1> to vector<16xi32>
        %add3A_720 = arith.addi %add3A_717, %convert_element_type3A_719 : vector<16xi32>
        %ge3A_721 = arith.cmpi sge, %add3A_709, %gather3A_177 : vector<16xi32>
        %convert_element_type3A_722 = arith.extui %ge3A_721 : vector<16xi1> to vector<16xi32>
        %add3A_723 = arith.addi %add3A_720, %convert_element_type3A_722 : vector<16xi32>
        %ge3A_724 = arith.cmpi sge, %add3A_709, %gather3A_180 : vector<16xi32>
        %convert_element_type3A_725 = arith.extui %ge3A_724 : vector<16xi1> to vector<16xi32>
        %add3A_726 = arith.addi %add3A_723, %convert_element_type3A_725 : vector<16xi32>
        %ge3A_727 = arith.cmpi sge, %add3A_709, %gather3A_183 : vector<16xi32>
        %convert_element_type3A_728 = arith.extui %ge3A_727 : vector<16xi1> to vector<16xi32>
        %add3A_729 = arith.addi %add3A_726, %convert_element_type3A_728 : vector<16xi32>
        %ge3A_730 = arith.cmpi sge, %add3A_709, %gather3A_186 : vector<16xi32>
        %convert_element_type3A_731 = arith.extui %ge3A_730 : vector<16xi1> to vector<16xi32>
        %add3A_732 = arith.addi %add3A_729, %convert_element_type3A_731 : vector<16xi32>
        %ge3A_733 = arith.cmpi sge, %add3A_709, %gather3A_189 : vector<16xi32>
        %convert_element_type3A_734 = arith.extui %ge3A_733 : vector<16xi1> to vector<16xi32>
        %add3A_735 = arith.addi %add3A_732, %convert_element_type3A_734 : vector<16xi32>
        %ge3A_736 = arith.cmpi sge, %add3A_709, %gather3A_192 : vector<16xi32>
        %convert_element_type3A_737 = arith.extui %ge3A_736 : vector<16xi1> to vector<16xi32>
        %add3A_738 = arith.addi %add3A_735, %convert_element_type3A_737 : vector<16xi32>
        %ge3A_739 = arith.cmpi sge, %add3A_709, %gather3A_195 : vector<16xi32>
        %convert_element_type3A_740 = arith.extui %ge3A_739 : vector<16xi1> to vector<16xi32>
        %add3A_741 = arith.addi %add3A_738, %convert_element_type3A_740 : vector<16xi32>
        %ge3A_742 = arith.cmpi sge, %add3A_709, %gather3A_198 : vector<16xi32>
        %convert_element_type3A_743 = arith.extui %ge3A_742 : vector<16xi1> to vector<16xi32>
        %add3A_744 = arith.addi %add3A_741, %convert_element_type3A_743 : vector<16xi32>
        %ge3A_745 = arith.cmpi sge, %add3A_709, %gather3A_201 : vector<16xi32>
        %convert_element_type3A_746 = arith.extui %ge3A_745 : vector<16xi1> to vector<16xi32>
        %add3A_747 = arith.addi %add3A_744, %convert_element_type3A_746 : vector<16xi32>
        %ge3A_748 = arith.cmpi sge, %add3A_709, %gather3A_204 : vector<16xi32>
        %convert_element_type3A_749 = arith.extui %ge3A_748 : vector<16xi1> to vector<16xi32>
        %add3A_750 = arith.addi %add3A_747, %convert_element_type3A_749 : vector<16xi32>
        %ge3A_751 = arith.cmpi sge, %add3A_709, %gather3A_207 : vector<16xi32>
        %convert_element_type3A_752 = arith.extui %ge3A_751 : vector<16xi1> to vector<16xi32>
        %add3A_753 = arith.addi %add3A_750, %convert_element_type3A_752 : vector<16xi32>
        %ge3A_754 = arith.cmpi sge, %add3A_709, %gather3A_210 : vector<16xi32>
        %convert_element_type3A_755 = arith.extui %ge3A_754 : vector<16xi1> to vector<16xi32>
        %add3A_756 = arith.addi %add3A_753, %convert_element_type3A_755 : vector<16xi32>
        %ge3A_757 = arith.cmpi sge, %add3A_709, %gather3A_213 : vector<16xi32>
        %convert_element_type3A_758 = arith.extui %ge3A_757 : vector<16xi1> to vector<16xi32>
        %add3A_759 = arith.addi %add3A_756, %convert_element_type3A_758 : vector<16xi32>
        %min3A_760 = arith.constant 15 : i32
        %min3A_761 = vector.broadcast %min3A_760 : i32 to vector<16xi32>
        %min3A_762 = arith.minsi %add3A_759, %min3A_761 : vector<16xi32>
        %gather3A_763 = tpu.vector_load_idx %arg15[%min3A_762] : memref<48xi32, #tpu.memory_space<vmem>>[vector<16xi32>], vector<16xi32>,
        %add3A_764 = arith.constant 16 : i32
        %add3A_765 = vector.broadcast %add3A_764 : i32 to vector<16xi32>
        %add3A_766 = arith.addi %min3A_762, %add3A_765 : vector<16xi32>
        %gather3A_767 = tpu.vector_load_idx %arg15[%add3A_766] : memref<48xi32, #tpu.memory_space<vmem>>[vector<16xi32>], vector<16xi32>,
        %sub3A_768 = arith.subi %add3A_709, %gather3A_767 : vector<16xi32>
        %add3A_769 = arith.addi %gather3A_763, %sub3A_768 : vector<16xi32>
        %mul3A_770 = arith.constant 512 : i32
        %mul3A_771 = vector.broadcast %mul3A_770 : i32 to vector<16xi32>
        %mul3A_772 = arith.muli %min3A_762, %mul3A_771 : vector<16xi32>
        %add3A_773 = arith.addi %add3A_769, %mul3A_772 : vector<16xi32>
        %lt3A_774 = arith.cmpi slt, %add3A_709, %gather3A_213 : vector<16xi32>
        %jit3A_775 = arith.constant 0 : i32
        %broadcast_in_dim3A_776 = vector.broadcast %jit3A_775 : i32 to vector<16xi32>
        %select_n3A_777 = arith.select %lt3A_774, %add3A_773, %broadcast_in_dim3A_776 : vector<16xi1>, vector<16xi32>
        %gather3A_778 = tpu.vector_load_idx %arg13[%select_n3A_777] : memref<8192xi32, #tpu.memory_space<vmem>>[vector<16xi32>], vector<16xi32>,
        %swap3A_779 = arith.constant 16 : index
        %swap3A_780 = tpu.vector_load %arg20[%swap3A_779] {strides = array<i32>} : memref<64xi32, #tpu.memory_space<vmem>>, vector<16xi32>,
        tpu.vector_store %arg20[%swap3A_779], %gather3A_778 {strides = array<i32>} : memref<64xi32, #tpu.memory_space<vmem>>, vector<16xi32>,
        %mul3A_781 = arith.constant 64 : i32
        %mul3A_782 = arith.muli %add3A_288, %mul3A_781 : i32
        %add3A_783 = arith.addi %multiple_of3A_80, %mul3A_782 : i32
        %add3A_784 = arith.constant 32 : i32
        %add3A_785 = arith.addi %add3A_783, %add3A_784 : i32
        %add3A_786 = vector.broadcast %add3A_785 : i32 to vector<16xi32>
        %add3A_787 = arith.addi %add3A_786, %iota3A : vector<16xi32>
        %broadcast_in_dim3A_788 = arith.constant 0 : i32
        %broadcast_in_dim3A_789 = vector.broadcast %broadcast_in_dim3A_788 : i32 to vector<16xi32>
        %ge3A_790 = arith.cmpi sge, %add3A_787, %gather3A_168 : vector<16xi32>
        %convert_element_type3A_791 = arith.extui %ge3A_790 : vector<16xi1> to vector<16xi32>
        %add3A_792 = arith.addi %broadcast_in_dim3A_789, %convert_element_type3A_791 : vector<16xi32>
        %ge3A_793 = arith.cmpi sge, %add3A_787, %gather3A_171 : vector<16xi32>
        %convert_element_type3A_794 = arith.extui %ge3A_793 : vector<16xi1> to vector<16xi32>
        %add3A_795 = arith.addi %add3A_792, %convert_element_type3A_794 : vector<16xi32>
        %ge3A_796 = arith.cmpi sge, %add3A_787, %gather3A_174 : vector<16xi32>
        %convert_element_type3A_797 = arith.extui %ge3A_796 : vector<16xi1> to vector<16xi32>
        %add3A_798 = arith.addi %add3A_795, %convert_element_type3A_797 : vector<16xi32>
        %ge3A_799 = arith.cmpi sge, %add3A_787, %gather3A_177 : vector<16xi32>
        %convert_element_type3A_800 = arith.extui %ge3A_799 : vector<16xi1> to vector<16xi32>
        %add3A_801 = arith.addi %add3A_798, %convert_element_type3A_800 : vector<16xi32>
        %ge3A_802 = arith.cmpi sge, %add3A_787, %gather3A_180 : vector<16xi32>
        %convert_element_type3A_803 = arith.extui %ge3A_802 : vector<16xi1> to vector<16xi32>
        %add3A_804 = arith.addi %add3A_801, %convert_element_type3A_803 : vector<16xi32>
        %ge3A_805 = arith.cmpi sge, %add3A_787, %gather3A_183 : vector<16xi32>
        %convert_element_type3A_806 = arith.extui %ge3A_805 : vector<16xi1> to vector<16xi32>
        %add3A_807 = arith.addi %add3A_804, %convert_element_type3A_806 : vector<16xi32>
        %ge3A_808 = arith.cmpi sge, %add3A_787, %gather3A_186 : vector<16xi32>
        %convert_element_type3A_809 = arith.extui %ge3A_808 : vector<16xi1> to vector<16xi32>
        %add3A_810 = arith.addi %add3A_807, %convert_element_type3A_809 : vector<16xi32>
        %ge3A_811 = arith.cmpi sge, %add3A_787, %gather3A_189 : vector<16xi32>
        %convert_element_type3A_812 = arith.extui %ge3A_811 : vector<16xi1> to vector<16xi32>
        %add3A_813 = arith.addi %add3A_810, %convert_element_type3A_812 : vector<16xi32>
        %ge3A_814 = arith.cmpi sge, %add3A_787, %gather3A_192 : vector<16xi32>
        %convert_element_type3A_815 = arith.extui %ge3A_814 : vector<16xi1> to vector<16xi32>
        %add3A_816 = arith.addi %add3A_813, %convert_element_type3A_815 : vector<16xi32>
        %ge3A_817 = arith.cmpi sge, %add3A_787, %gather3A_195 : vector<16xi32>
        %convert_element_type3A_818 = arith.extui %ge3A_817 : vector<16xi1> to vector<16xi32>
        %add3A_819 = arith.addi %add3A_816, %convert_element_type3A_818 : vector<16xi32>
        %ge3A_820 = arith.cmpi sge, %add3A_787, %gather3A_198 : vector<16xi32>
        %convert_element_type3A_821 = arith.extui %ge3A_820 : vector<16xi1> to vector<16xi32>
        %add3A_822 = arith.addi %add3A_819, %convert_element_type3A_821 : vector<16xi32>
        %ge3A_823 = arith.cmpi sge, %add3A_787, %gather3A_201 : vector<16xi32>
        %convert_element_type3A_824 = arith.extui %ge3A_823 : vector<16xi1> to vector<16xi32>
        %add3A_825 = arith.addi %add3A_822, %convert_element_type3A_824 : vector<16xi32>
        %ge3A_826 = arith.cmpi sge, %add3A_787, %gather3A_204 : vector<16xi32>
        %convert_element_type3A_827 = arith.extui %ge3A_826 : vector<16xi1> to vector<16xi32>
        %add3A_828 = arith.addi %add3A_825, %convert_element_type3A_827 : vector<16xi32>
        %ge3A_829 = arith.cmpi sge, %add3A_787, %gather3A_207 : vector<16xi32>
        %convert_element_type3A_830 = arith.extui %ge3A_829 : vector<16xi1> to vector<16xi32>
        %add3A_831 = arith.addi %add3A_828, %convert_element_type3A_830 : vector<16xi32>
        %ge3A_832 = arith.cmpi sge, %add3A_787, %gather3A_210 : vector<16xi32>
        %convert_element_type3A_833 = arith.extui %ge3A_832 : vector<16xi1> to vector<16xi32>
        %add3A_834 = arith.addi %add3A_831, %convert_element_type3A_833 : vector<16xi32>
        %ge3A_835 = arith.cmpi sge, %add3A_787, %gather3A_213 : vector<16xi32>
        %convert_element_type3A_836 = arith.extui %ge3A_835 : vector<16xi1> to vector<16xi32>
        %add3A_837 = arith.addi %add3A_834, %convert_element_type3A_836 : vector<16xi32>
        %min3A_838 = arith.constant 15 : i32
        %min3A_839 = vector.broadcast %min3A_838 : i32 to vector<16xi32>
        %min3A_840 = arith.minsi %add3A_837, %min3A_839 : vector<16xi32>
        %gather3A_841 = tpu.vector_load_idx %arg15[%min3A_840] : memref<48xi32, #tpu.memory_space<vmem>>[vector<16xi32>], vector<16xi32>,
        %add3A_842 = arith.constant 16 : i32
        %add3A_843 = vector.broadcast %add3A_842 : i32 to vector<16xi32>
        %add3A_844 = arith.addi %min3A_840, %add3A_843 : vector<16xi32>
        %gather3A_845 = tpu.vector_load_idx %arg15[%add3A_844] : memref<48xi32, #tpu.memory_space<vmem>>[vector<16xi32>], vector<16xi32>,
        %sub3A_846 = arith.subi %add3A_787, %gather3A_845 : vector<16xi32>
        %add3A_847 = arith.addi %gather3A_841, %sub3A_846 : vector<16xi32>
        %mul3A_848 = arith.constant 512 : i32
        %mul3A_849 = vector.broadcast %mul3A_848 : i32 to vector<16xi32>
        %mul3A_850 = arith.muli %min3A_840, %mul3A_849 : vector<16xi32>
        %add3A_851 = arith.addi %add3A_847, %mul3A_850 : vector<16xi32>
        %lt3A_852 = arith.cmpi slt, %add3A_787, %gather3A_213 : vector<16xi32>
        %jit3A_853 = arith.constant 0 : i32
        %broadcast_in_dim3A_854 = vector.broadcast %jit3A_853 : i32 to vector<16xi32>
        %select_n3A_855 = arith.select %lt3A_852, %add3A_851, %broadcast_in_dim3A_854 : vector<16xi1>, vector<16xi32>
        %gather3A_856 = tpu.vector_load_idx %arg13[%select_n3A_855] : memref<8192xi32, #tpu.memory_space<vmem>>[vector<16xi32>], vector<16xi32>,
        %swap3A_857 = arith.constant 32 : index
        %swap3A_858 = tpu.vector_load %arg20[%swap3A_857] {strides = array<i32>} : memref<64xi32, #tpu.memory_space<vmem>>, vector<16xi32>,
        tpu.vector_store %arg20[%swap3A_857], %gather3A_856 {strides = array<i32>} : memref<64xi32, #tpu.memory_space<vmem>>, vector<16xi32>,
        %mul3A_859 = arith.constant 64 : i32
        %mul3A_860 = arith.muli %add3A_288, %mul3A_859 : i32
        %add3A_861 = arith.addi %multiple_of3A_80, %mul3A_860 : i32
        %add3A_862 = arith.constant 48 : i32
        %add3A_863 = arith.addi %add3A_861, %add3A_862 : i32
        %add3A_864 = vector.broadcast %add3A_863 : i32 to vector<16xi32>
        %add3A_865 = arith.addi %add3A_864, %iota3A : vector<16xi32>
        %broadcast_in_dim3A_866 = arith.constant 0 : i32
        %broadcast_in_dim3A_867 = vector.broadcast %broadcast_in_dim3A_866 : i32 to vector<16xi32>
        %ge3A_868 = arith.cmpi sge, %add3A_865, %gather3A_168 : vector<16xi32>
        %convert_element_type3A_869 = arith.extui %ge3A_868 : vector<16xi1> to vector<16xi32>
        %add3A_870 = arith.addi %broadcast_in_dim3A_867, %convert_element_type3A_869 : vector<16xi32>
        %ge3A_871 = arith.cmpi sge, %add3A_865, %gather3A_171 : vector<16xi32>
        %convert_element_type3A_872 = arith.extui %ge3A_871 : vector<16xi1> to vector<16xi32>
        %add3A_873 = arith.addi %add3A_870, %convert_element_type3A_872 : vector<16xi32>
        %ge3A_874 = arith.cmpi sge, %add3A_865, %gather3A_174 : vector<16xi32>
        %convert_element_type3A_875 = arith.extui %ge3A_874 : vector<16xi1> to vector<16xi32>
        %add3A_876 = arith.addi %add3A_873, %convert_element_type3A_875 : vector<16xi32>
        %ge3A_877 = arith.cmpi sge, %add3A_865, %gather3A_177 : vector<16xi32>
        %convert_element_type3A_878 = arith.extui %ge3A_877 : vector<16xi1> to vector<16xi32>
        %add3A_879 = arith.addi %add3A_876, %convert_element_type3A_878 : vector<16xi32>
        %ge3A_880 = arith.cmpi sge, %add3A_865, %gather3A_180 : vector<16xi32>
        %convert_element_type3A_881 = arith.extui %ge3A_880 : vector<16xi1> to vector<16xi32>
        %add3A_882 = arith.addi %add3A_879, %convert_element_type3A_881 : vector<16xi32>
        %ge3A_883 = arith.cmpi sge, %add3A_865, %gather3A_183 : vector<16xi32>
        %convert_element_type3A_884 = arith.extui %ge3A_883 : vector<16xi1> to vector<16xi32>
        %add3A_885 = arith.addi %add3A_882, %convert_element_type3A_884 : vector<16xi32>
        %ge3A_886 = arith.cmpi sge, %add3A_865, %gather3A_186 : vector<16xi32>
        %convert_element_type3A_887 = arith.extui %ge3A_886 : vector<16xi1> to vector<16xi32>
        %add3A_888 = arith.addi %add3A_885, %convert_element_type3A_887 : vector<16xi32>
        %ge3A_889 = arith.cmpi sge, %add3A_865, %gather3A_189 : vector<16xi32>
        %convert_element_type3A_890 = arith.extui %ge3A_889 : vector<16xi1> to vector<16xi32>
        %add3A_891 = arith.addi %add3A_888, %convert_element_type3A_890 : vector<16xi32>
        %ge3A_892 = arith.cmpi sge, %add3A_865, %gather3A_192 : vector<16xi32>
        %convert_element_type3A_893 = arith.extui %ge3A_892 : vector<16xi1> to vector<16xi32>
        %add3A_894 = arith.addi %add3A_891, %convert_element_type3A_893 : vector<16xi32>
        %ge3A_895 = arith.cmpi sge, %add3A_865, %gather3A_195 : vector<16xi32>
        %convert_element_type3A_896 = arith.extui %ge3A_895 : vector<16xi1> to vector<16xi32>
        %add3A_897 = arith.addi %add3A_894, %convert_element_type3A_896 : vector<16xi32>
        %ge3A_898 = arith.cmpi sge, %add3A_865, %gather3A_198 : vector<16xi32>
        %convert_element_type3A_899 = arith.extui %ge3A_898 : vector<16xi1> to vector<16xi32>
        %add3A_900 = arith.addi %add3A_897, %convert_element_type3A_899 : vector<16xi32>
        %ge3A_901 = arith.cmpi sge, %add3A_865, %gather3A_201 : vector<16xi32>
        %convert_element_type3A_902 = arith.extui %ge3A_901 : vector<16xi1> to vector<16xi32>
        %add3A_903 = arith.addi %add3A_900, %convert_element_type3A_902 : vector<16xi32>
        %ge3A_904 = arith.cmpi sge, %add3A_865, %gather3A_204 : vector<16xi32>
        %convert_element_type3A_905 = arith.extui %ge3A_904 : vector<16xi1> to vector<16xi32>
        %add3A_906 = arith.addi %add3A_903, %convert_element_type3A_905 : vector<16xi32>
        %ge3A_907 = arith.cmpi sge, %add3A_865, %gather3A_207 : vector<16xi32>
        %convert_element_type3A_908 = arith.extui %ge3A_907 : vector<16xi1> to vector<16xi32>
        %add3A_909 = arith.addi %add3A_906, %convert_element_type3A_908 : vector<16xi32>
        %ge3A_910 = arith.cmpi sge, %add3A_865, %gather3A_210 : vector<16xi32>
        %convert_element_type3A_911 = arith.extui %ge3A_910 : vector<16xi1> to vector<16xi32>
        %add3A_912 = arith.addi %add3A_909, %convert_element_type3A_911 : vector<16xi32>
        %ge3A_913 = arith.cmpi sge, %add3A_865, %gather3A_213 : vector<16xi32>
        %convert_element_type3A_914 = arith.extui %ge3A_913 : vector<16xi1> to vector<16xi32>
        %add3A_915 = arith.addi %add3A_912, %convert_element_type3A_914 : vector<16xi32>
        %min3A_916 = arith.constant 15 : i32
        %min3A_917 = vector.broadcast %min3A_916 : i32 to vector<16xi32>
        %min3A_918 = arith.minsi %add3A_915, %min3A_917 : vector<16xi32>
        %gather3A_919 = tpu.vector_load_idx %arg15[%min3A_918] : memref<48xi32, #tpu.memory_space<vmem>>[vector<16xi32>], vector<16xi32>,
        %add3A_920 = arith.constant 16 : i32
        %add3A_921 = vector.broadcast %add3A_920 : i32 to vector<16xi32>
        %add3A_922 = arith.addi %min3A_918, %add3A_921 : vector<16xi32>
        %gather3A_923 = tpu.vector_load_idx %arg15[%add3A_922] : memref<48xi32, #tpu.memory_space<vmem>>[vector<16xi32>], vector<16xi32>,
        %sub3A_924 = arith.subi %add3A_865, %gather3A_923 : vector<16xi32>
        %add3A_925 = arith.addi %gather3A_919, %sub3A_924 : vector<16xi32>
        %mul3A_926 = arith.constant 512 : i32
        %mul3A_927 = vector.broadcast %mul3A_926 : i32 to vector<16xi32>
        %mul3A_928 = arith.muli %min3A_918, %mul3A_927 : vector<16xi32>
        %add3A_929 = arith.addi %add3A_925, %mul3A_928 : vector<16xi32>
        %lt3A_930 = arith.cmpi slt, %add3A_865, %gather3A_213 : vector<16xi32>
        %jit3A_931 = arith.constant 0 : i32
        %broadcast_in_dim3A_932 = vector.broadcast %jit3A_931 : i32 to vector<16xi32>
        %select_n3A_933 = arith.select %lt3A_930, %add3A_929, %broadcast_in_dim3A_932 : vector<16xi1>, vector<16xi32>
        %gather3A_934 = tpu.vector_load_idx %arg13[%select_n3A_933] : memref<8192xi32, #tpu.memory_space<vmem>>[vector<16xi32>], vector<16xi32>,
        %swap3A_935 = arith.constant 48 : index
        %swap3A_936 = tpu.vector_load %arg20[%swap3A_935] {strides = array<i32>} : memref<64xi32, #tpu.memory_space<vmem>>, vector<16xi32>,
        tpu.vector_store %arg20[%swap3A_935], %gather3A_934 {strides = array<i32>} : memref<64xi32, #tpu.memory_space<vmem>>, vector<16xi32>,
        %dma_start3A_937 = arith.constant 0 : i32
        %dma_start3A_938 = arith.constant 0 : i32
        %dma_start3A_939 = tpu.memref_slice %arg5[%dma_start3A_937, %dma_start3A_938] : memref<30522x768xf32, #tpu.memory_space<hbm>> -> memref<30522x768xf32, #tpu.memory_space<hbm>>
        tpu.enqueue_indirect_dma source(%dma_start3A_939 : memref<30522x768xf32, #tpu.memory_space<hbm>>) target(%arg21 : memref<64x768xf32, #tpu.memory_space<vmem>>) offsets(%arg20 : memref<64xi32, #tpu.memory_space<vmem>>) semaphore(%arg31 : memref<!tpu.dma_semaphore, #tpu.memory_space<semaphore_mem>>)
      } else {
      }
      %dma_wait3A_610 = arith.constant 0 : i32
      %dma_wait3A_611 = arith.constant 0 : i32
      %dma_wait3A_612 = tpu.memref_slice %arg5[%dma_wait3A_610, %dma_wait3A_611] : memref<30522x768xf32, #tpu.memory_space<hbm>> -> memref<30522x768xf32, #tpu.memory_space<hbm>>
      tpu.wait_indirect_dma semaphore(%arg30 : memref<!tpu.dma_semaphore, #tpu.memory_space<semaphore_mem>>) src(%dma_wait3A_612 : memref<30522x768xf32, #tpu.memory_space<hbm>>) dst(%arg19 : memref<64x768xf32, #tpu.memory_space<vmem>>)
      %mul3A_613 = arith.constant 64 : i32
      %mul3A_614 = arith.muli %mul3A_286, %mul3A_613 : i32
      %add3A_615 = arith.addi %multiple_of3A_80, %mul3A_614 : i32
      %multiple_of3A_616 = tpu.assume_multiple %add3A_615, 16 : i32
      %dma_start3A_617 = arith.constant 0 : i32
      %dma_start3A_618 = tpu.memref_slice %arg8[%multiple_of3A_616, %dma_start3A_617] : memref<8192x768xf32, #tpu.memory_space<hbm>> -> memref<64x768xf32, #tpu.memory_space<hbm>>
      %dma_start3A_619 = arith.constant 0 : i32
      %dma_start3A_620 = tpu.memref_slice %arg8[%multiple_of3A_616, %dma_start3A_619] : memref<8192x768xf32, #tpu.memory_space<hbm>> -> memref<64x768xf32, #tpu.memory_space<hbm>>
      tpu.enqueue_dma source(%arg19 : memref<64x768xf32, #tpu.memory_space<vmem>>) target(%dma_start3A_620 : memref<64x768xf32, #tpu.memory_space<hbm>>) target_semaphore(%arg32 : memref<!tpu.dma_semaphore, #tpu.memory_space<semaphore_mem>>)
      %lt3A_621 = arith.cmpi slt, %add3A_288, %select_n3A_112 : i32
      %convert_element_type3A_622 = arith.extui %lt3A_621 : i1 to i32
      %cond3A_623 = arith.constant 0 : i32
      %cond3A_624 = arith.cmpi ne, %convert_element_type3A_622, %cond3A_623 : i32
      scf.if %cond3A_624 {
        %dma_wait3A_625 = arith.constant 0 : i32
        %dma_wait3A_626 = arith.constant 0 : i32
        %dma_wait3A_627 = tpu.memref_slice %arg5[%dma_wait3A_625, %dma_wait3A_626] : memref<30522x768xf32, #tpu.memory_space<hbm>> -> memref<30522x768xf32, #tpu.memory_space<hbm>>
        tpu.wait_indirect_dma semaphore(%arg31 : memref<!tpu.dma_semaphore, #tpu.memory_space<semaphore_mem>>) src(%dma_wait3A_627 : memref<30522x768xf32, #tpu.memory_space<hbm>>) dst(%arg21 : memref<64x768xf32, #tpu.memory_space<vmem>>)
        %mul3A_628 = arith.constant 64 : i32
        %mul3A_629 = arith.muli %add3A_288, %mul3A_628 : i32
        %add3A_630 = arith.addi %multiple_of3A_80, %mul3A_629 : i32
        %multiple_of3A_631 = tpu.assume_multiple %add3A_630, 16 : i32
        %dma_start3A_632 = arith.constant 0 : i32
        %dma_start3A_633 = tpu.memref_slice %arg8[%multiple_of3A_631, %dma_start3A_632] : memref<8192x768xf32, #tpu.memory_space<hbm>> -> memref<64x768xf32, #tpu.memory_space<hbm>>
        %dma_start3A_634 = arith.constant 0 : i32
        %dma_start3A_635 = tpu.memref_slice %arg8[%multiple_of3A_631, %dma_start3A_634] : memref<8192x768xf32, #tpu.memory_space<hbm>> -> memref<64x768xf32, #tpu.memory_space<hbm>>
        tpu.enqueue_dma source(%arg21 : memref<64x768xf32, #tpu.memory_space<vmem>>) target(%dma_start3A_635 : memref<64x768xf32, #tpu.memory_space<hbm>>) target_semaphore(%arg33 : memref<!tpu.dma_semaphore, #tpu.memory_space<semaphore_mem>>)
      } else {
      }
    }
    %gt3A = arith.constant 0 : i32
    %gt3A_223 = arith.cmpi sgt, %select_n3A_112, %gt3A : i32
    %convert_element_type3A_224 = arith.extui %gt3A_223 : i1 to i32
    %cond3A_225 = arith.constant 0 : i32
    %cond3A_226 = arith.cmpi ne, %convert_element_type3A_224, %cond3A_225 : i32
    scf.if %cond3A_226 {
      %add3A_284 = arith.constant 0 : i32
      %add3A_285 = arith.addi %multiple_of3A_80, %add3A_284 : i32
      %multiple_of3A_286 = tpu.assume_multiple %add3A_285, 16 : i32
      %dma_wait3A_287 = arith.constant 0 : i32
      %dma_wait3A_288 = tpu.memref_slice %arg8[%multiple_of3A_286, %dma_wait3A_287] : memref<8192x768xf32, #tpu.memory_space<hbm>> -> memref<64x768xf32, #tpu.memory_space<hbm>>
      %dma_wait3A_289 = arith.constant 0 : i32
      %dma_wait3A_290 = tpu.memref_slice %arg8[%multiple_of3A_286, %dma_wait3A_289] : memref<8192x768xf32, #tpu.memory_space<hbm>> -> memref<64x768xf32, #tpu.memory_space<hbm>>
      tpu.wait_dma2 semaphore(%arg32 : memref<!tpu.dma_semaphore, #tpu.memory_space<semaphore_mem>>) src(%arg19 : memref<64x768xf32, #tpu.memory_space<vmem>>) dst(%dma_wait3A_290 : memref<64x768xf32, #tpu.memory_space<hbm>>)
    } else {
    }
    %gt3A_227 = arith.constant 0 : i32
    %gt3A_228 = arith.cmpi sgt, %select_n3A_112, %gt3A_227 : i32
    %jit3A_229 = arith.constant 2 : i32
    %div3A_230 = arith.divsi %select_n3A_112, %jit3A_229 : i32
    %sign3A_231 = arith.constant 0 : i32
    %sign3A_232 = arith.cmpi sgt, %select_n3A_112, %sign3A_231 : i32
    %sign3A_233 = arith.extui %sign3A_232 : i1 to i32
    %sign3A_234 = arith.constant 0 : i32
    %sign3A_235 = arith.cmpi slt, %select_n3A_112, %sign3A_234 : i32
    %sign3A_236 = arith.extui %sign3A_235 : i1 to i32
    %sign3A_237 = arith.subi %sign3A_233, %sign3A_236 : i32
    %sign3A_238 = arith.constant 0 : i32
    %sign3A_239 = arith.cmpi sgt, %jit3A_229, %sign3A_238 : i32
    %sign3A_240 = arith.extui %sign3A_239 : i1 to i32
    %sign3A_241 = arith.constant 0 : i32
    %sign3A_242 = arith.cmpi slt, %jit3A_229, %sign3A_241 : i32
    %sign3A_243 = arith.extui %sign3A_242 : i1 to i32
    %sign3A_244 = arith.subi %sign3A_240, %sign3A_243 : i32
    %ne3A_245 = arith.cmpi ne, %sign3A_237, %sign3A_244 : i32
    %rem3A_246 = arith.remsi %select_n3A_112, %jit3A_229 : i32
    %ne3A_247 = arith.constant 0 : i32
    %ne3A_248 = arith.cmpi ne, %rem3A_246, %ne3A_247 : i32
    %and3A_249 = arith.andi %ne3A_245, %ne3A_248 : i1
    %sub3A_250 = arith.constant 1 : i32
    %sub3A_251 = arith.subi %div3A_230, %sub3A_250 : i32
    %select_n3A_252 = arith.select %and3A_249, %sub3A_251, %div3A_230 : i32
    %mul3A_253 = arith.constant 2 : i32
    %mul3A_254 = arith.muli %select_n3A_252, %mul3A_253 : i32
    %eq3A_255 = arith.cmpi eq, %select_n3A_112, %mul3A_254 : i32
    %and3A_256 = arith.andi %gt3A_228, %eq3A_255 : i1
    %convert_element_type3A_257 = arith.extui %and3A_256 : i1 to i32
    %cond3A_258 = arith.constant 0 : i32
    %cond3A_259 = arith.cmpi ne, %convert_element_type3A_257, %cond3A_258 : i32
    scf.if %cond3A_259 {
      %add3A_284 = arith.constant 0 : i32
      %add3A_285 = arith.addi %multiple_of3A_80, %add3A_284 : i32
      %multiple_of3A_286 = tpu.assume_multiple %add3A_285, 16 : i32
      %dma_wait3A_287 = arith.constant 0 : i32
      %dma_wait3A_288 = tpu.memref_slice %arg8[%multiple_of3A_286, %dma_wait3A_287] : memref<8192x768xf32, #tpu.memory_space<hbm>> -> memref<64x768xf32, #tpu.memory_space<hbm>>
      %dma_wait3A_289 = arith.constant 0 : i32
      %dma_wait3A_290 = tpu.memref_slice %arg8[%multiple_of3A_286, %dma_wait3A_289] : memref<8192x768xf32, #tpu.memory_space<hbm>> -> memref<64x768xf32, #tpu.memory_space<hbm>>
      tpu.wait_dma2 semaphore(%arg33 : memref<!tpu.dma_semaphore, #tpu.memory_space<semaphore_mem>>) src(%arg21 : memref<64x768xf32, #tpu.memory_space<vmem>>) dst(%dma_wait3A_290 : memref<64x768xf32, #tpu.memory_space<hbm>>)
    } else {
    }
    %mul3A_260 = arith.constant 64 : i32
    %mul3A_261 = arith.muli %select_n3A_112, %mul3A_260 : i32
    %while3A_262 = arith.constant 0 : i32
    %while3A_263 = arith.constant 0 : i32
    %while3A_264 = arith.subi %select_n3A_139, %while3A_263 : i32
    %while3A_265 = arith.addi %while3A_263, %while3A_264 : i32
    %while3A_266 = arith.constant 1 : i32
    %while3A_267 = arith.divsi %while3A_264, %while3A_266 : i32
    %while3A_268 = arith.muli %while3A_267, %while3A_266 : i32
    %while3A_269 = arith.addi %while3A_263, %while3A_268 : i32
    %while3A_270 = arith.constant 1 : i32
    scf.for %while3A_284 = %while3A_263 to %while3A_269 step %while3A_270  : i32 {
      %add3A_285 = arith.addi %multiple_of3A_80, %mul3A_261 : i32
      %mul3A_286 = arith.constant 16 : i32
      %mul3A_287 = arith.muli %while3A_284, %mul3A_286 : i32
      %add3A_288 = arith.addi %add3A_285, %mul3A_287 : i32
      %add3A_289 = vector.broadcast %add3A_288 : i32 to vector<16xi32>
      %add3A_290 = arith.addi %add3A_289, %iota3A : vector<16xi32>
      %broadcast_in_dim3A_291 = arith.constant 0 : i32
      %broadcast_in_dim3A_292 = vector.broadcast %broadcast_in_dim3A_291 : i32 to vector<16xi32>
      %ge3A = arith.cmpi sge, %add3A_290, %gather3A_168 : vector<16xi32>
      %convert_element_type3A_293 = arith.extui %ge3A : vector<16xi1> to vector<16xi32>
      %add3A_294 = arith.addi %broadcast_in_dim3A_292, %convert_element_type3A_293 : vector<16xi32>
      %ge3A_295 = arith.cmpi sge, %add3A_290, %gather3A_171 : vector<16xi32>
      %convert_element_type3A_296 = arith.extui %ge3A_295 : vector<16xi1> to vector<16xi32>
      %add3A_297 = arith.addi %add3A_294, %convert_element_type3A_296 : vector<16xi32>
      %ge3A_298 = arith.cmpi sge, %add3A_290, %gather3A_174 : vector<16xi32>
      %convert_element_type3A_299 = arith.extui %ge3A_298 : vector<16xi1> to vector<16xi32>
      %add3A_300 = arith.addi %add3A_297, %convert_element_type3A_299 : vector<16xi32>
      %ge3A_301 = arith.cmpi sge, %add3A_290, %gather3A_177 : vector<16xi32>
      %convert_element_type3A_302 = arith.extui %ge3A_301 : vector<16xi1> to vector<16xi32>
      %add3A_303 = arith.addi %add3A_300, %convert_element_type3A_302 : vector<16xi32>
      %ge3A_304 = arith.cmpi sge, %add3A_290, %gather3A_180 : vector<16xi32>
      %convert_element_type3A_305 = arith.extui %ge3A_304 : vector<16xi1> to vector<16xi32>
      %add3A_306 = arith.addi %add3A_303, %convert_element_type3A_305 : vector<16xi32>
      %ge3A_307 = arith.cmpi sge, %add3A_290, %gather3A_183 : vector<16xi32>
      %convert_element_type3A_308 = arith.extui %ge3A_307 : vector<16xi1> to vector<16xi32>
      %add3A_309 = arith.addi %add3A_306, %convert_element_type3A_308 : vector<16xi32>
      %ge3A_310 = arith.cmpi sge, %add3A_290, %gather3A_186 : vector<16xi32>
      %convert_element_type3A_311 = arith.extui %ge3A_310 : vector<16xi1> to vector<16xi32>
      %add3A_312 = arith.addi %add3A_309, %convert_element_type3A_311 : vector<16xi32>
      %ge3A_313 = arith.cmpi sge, %add3A_290, %gather3A_189 : vector<16xi32>
      %convert_element_type3A_314 = arith.extui %ge3A_313 : vector<16xi1> to vector<16xi32>
      %add3A_315 = arith.addi %add3A_312, %convert_element_type3A_314 : vector<16xi32>
      %ge3A_316 = arith.cmpi sge, %add3A_290, %gather3A_192 : vector<16xi32>
      %convert_element_type3A_317 = arith.extui %ge3A_316 : vector<16xi1> to vector<16xi32>
      %add3A_318 = arith.addi %add3A_315, %convert_element_type3A_317 : vector<16xi32>
      %ge3A_319 = arith.cmpi sge, %add3A_290, %gather3A_195 : vector<16xi32>
      %convert_element_type3A_320 = arith.extui %ge3A_319 : vector<16xi1> to vector<16xi32>
      %add3A_321 = arith.addi %add3A_318, %convert_element_type3A_320 : vector<16xi32>
      %ge3A_322 = arith.cmpi sge, %add3A_290, %gather3A_198 : vector<16xi32>
      %convert_element_type3A_323 = arith.extui %ge3A_322 : vector<16xi1> to vector<16xi32>
      %add3A_324 = arith.addi %add3A_321, %convert_element_type3A_323 : vector<16xi32>
      %ge3A_325 = arith.cmpi sge, %add3A_290, %gather3A_201 : vector<16xi32>
      %convert_element_type3A_326 = arith.extui %ge3A_325 : vector<16xi1> to vector<16xi32>
      %add3A_327 = arith.addi %add3A_324, %convert_element_type3A_326 : vector<16xi32>
      %ge3A_328 = arith.cmpi sge, %add3A_290, %gather3A_204 : vector<16xi32>
      %convert_element_type3A_329 = arith.extui %ge3A_328 : vector<16xi1> to vector<16xi32>
      %add3A_330 = arith.addi %add3A_327, %convert_element_type3A_329 : vector<16xi32>
      %ge3A_331 = arith.cmpi sge, %add3A_290, %gather3A_207 : vector<16xi32>
      %convert_element_type3A_332 = arith.extui %ge3A_331 : vector<16xi1> to vector<16xi32>
      %add3A_333 = arith.addi %add3A_330, %convert_element_type3A_332 : vector<16xi32>
      %ge3A_334 = arith.cmpi sge, %add3A_290, %gather3A_210 : vector<16xi32>
      %convert_element_type3A_335 = arith.extui %ge3A_334 : vector<16xi1> to vector<16xi32>
      %add3A_336 = arith.addi %add3A_333, %convert_element_type3A_335 : vector<16xi32>
      %ge3A_337 = arith.cmpi sge, %add3A_290, %gather3A_213 : vector<16xi32>
      %convert_element_type3A_338 = arith.extui %ge3A_337 : vector<16xi1> to vector<16xi32>
      %add3A_339 = arith.addi %add3A_336, %convert_element_type3A_338 : vector<16xi32>
      %min3A = arith.constant 15 : i32
      %min3A_340 = vector.broadcast %min3A : i32 to vector<16xi32>
      %min3A_341 = arith.minsi %add3A_339, %min3A_340 : vector<16xi32>
      %gather3A_342 = tpu.vector_load_idx %arg15[%min3A_341] : memref<48xi32, #tpu.memory_space<vmem>>[vector<16xi32>], vector<16xi32>,
      %add3A_343 = arith.constant 16 : i32
      %add3A_344 = vector.broadcast %add3A_343 : i32 to vector<16xi32>
      %add3A_345 = arith.addi %min3A_341, %add3A_344 : vector<16xi32>
      %gather3A_346 = tpu.vector_load_idx %arg15[%add3A_345] : memref<48xi32, #tpu.memory_space<vmem>>[vector<16xi32>], vector<16xi32>,
      %sub3A_347 = arith.subi %add3A_290, %gather3A_346 : vector<16xi32>
      %add3A_348 = arith.addi %gather3A_342, %sub3A_347 : vector<16xi32>
      %mul3A_349 = arith.constant 512 : i32
      %mul3A_350 = vector.broadcast %mul3A_349 : i32 to vector<16xi32>
      %mul3A_351 = arith.muli %min3A_341, %mul3A_350 : vector<16xi32>
      %add3A_352 = arith.addi %add3A_348, %mul3A_351 : vector<16xi32>
      %lt3A = arith.cmpi slt, %add3A_290, %gather3A_213 : vector<16xi32>
      %jit3A_353 = arith.constant 0 : i32
      %broadcast_in_dim3A_354 = vector.broadcast %jit3A_353 : i32 to vector<16xi32>
      %select_n3A_355 = arith.select %lt3A, %add3A_352, %broadcast_in_dim3A_354 : vector<16xi1>, vector<16xi32>
      %gather3A_356 = tpu.vector_load_idx %arg13[%select_n3A_355] : memref<8192xi32, #tpu.memory_space<vmem>>[vector<16xi32>], vector<16xi32>,
      %swap3A_357 = arith.constant 0 : index
      %swap3A_358 = tpu.vector_load %arg22[%swap3A_357] {strides = array<i32>} : memref<16xi32, #tpu.memory_space<vmem>>, vector<16xi32>,
      tpu.vector_store %arg22[%swap3A_357], %gather3A_356 {strides = array<i32>} : memref<16xi32, #tpu.memory_space<vmem>>, vector<16xi32>,
      %dma_start3A_359 = arith.constant 0 : i32
      %dma_start3A_360 = arith.constant 0 : i32
      %dma_start3A_361 = tpu.memref_slice %arg19[%dma_start3A_359, %dma_start3A_360] : memref<64x768xf32, #tpu.memory_space<vmem>> -> memref<16x768xf32, #tpu.memory_space<vmem>>
      %dma_start3A_362 = arith.constant 0 : i32
      %dma_start3A_363 = arith.constant 0 : i32
      %dma_start3A_364 = tpu.memref_slice %arg5[%dma_start3A_362, %dma_start3A_363] : memref<30522x768xf32, #tpu.memory_space<hbm>> -> memref<30522x768xf32, #tpu.memory_space<hbm>>
      tpu.enqueue_indirect_dma source(%dma_start3A_364 : memref<30522x768xf32, #tpu.memory_space<hbm>>) target(%dma_start3A_361 : memref<16x768xf32, #tpu.memory_space<vmem>>) offsets(%arg22 : memref<16xi32, #tpu.memory_space<vmem>>) semaphore(%arg30 : memref<!tpu.dma_semaphore, #tpu.memory_space<semaphore_mem>>)
      %dma_wait3A_365 = arith.constant 0 : i32
      %dma_wait3A_366 = arith.constant 0 : i32
      %dma_wait3A_367 = tpu.memref_slice %arg19[%dma_wait3A_365, %dma_wait3A_366] : memref<64x768xf32, #tpu.memory_space<vmem>> -> memref<16x768xf32, #tpu.memory_space<vmem>>
      %dma_wait3A_368 = arith.constant 0 : i32
      %dma_wait3A_369 = arith.constant 0 : i32
      %dma_wait3A_370 = tpu.memref_slice %arg5[%dma_wait3A_368, %dma_wait3A_369] : memref<30522x768xf32, #tpu.memory_space<hbm>> -> memref<30522x768xf32, #tpu.memory_space<hbm>>
      tpu.wait_indirect_dma semaphore(%arg30 : memref<!tpu.dma_semaphore, #tpu.memory_space<semaphore_mem>>) src(%dma_wait3A_370 : memref<30522x768xf32, #tpu.memory_space<hbm>>) dst(%dma_wait3A_367 : memref<16x768xf32, #tpu.memory_space<vmem>>)
      %add3A_371 = arith.addi %multiple_of3A_80, %mul3A_261 : i32
      %mul3A_372 = arith.constant 16 : i32
      %mul3A_373 = arith.muli %while3A_284, %mul3A_372 : i32
      %add3A_374 = arith.addi %add3A_371, %mul3A_373 : i32
      %multiple_of3A_375 = tpu.assume_multiple %add3A_374, 16 : i32
      "tpu.region"() ({
        %run_scoped3A = tpu.sem_alloc : memref<!tpu.dma_semaphore, #tpu.memory_space<semaphore_mem>>
        %dma_start3A_376 = arith.constant 0 : i32
        %dma_start3A_377 = arith.constant 0 : i32
        %dma_start3A_378 = tpu.memref_slice %arg19[%dma_start3A_376, %dma_start3A_377] : memref<64x768xf32, #tpu.memory_space<vmem>> -> memref<16x768xf32, #tpu.memory_space<vmem>>
        %dma_start3A_379 = arith.constant 0 : i32
        %dma_start3A_380 = tpu.memref_slice %arg8[%multiple_of3A_375, %dma_start3A_379] : memref<8192x768xf32, #tpu.memory_space<hbm>> -> memref<16x768xf32, #tpu.memory_space<hbm>>
        %dma_start3A_381 = arith.constant 0 : i32
        %dma_start3A_382 = tpu.memref_slice %arg8[%multiple_of3A_375, %dma_start3A_381] : memref<8192x768xf32, #tpu.memory_space<hbm>> -> memref<16x768xf32, #tpu.memory_space<hbm>>
        %dma_start3A_383 = arith.constant 0 : i32
        %dma_start3A_384 = arith.constant 0 : i32
        %dma_start3A_385 = tpu.memref_slice %arg19[%dma_start3A_383, %dma_start3A_384] : memref<64x768xf32, #tpu.memory_space<vmem>> -> memref<16x768xf32, #tpu.memory_space<vmem>>
        tpu.enqueue_dma source(%dma_start3A_385 : memref<16x768xf32, #tpu.memory_space<vmem>>) target(%dma_start3A_382 : memref<16x768xf32, #tpu.memory_space<hbm>>) target_semaphore(%run_scoped3A : memref<!tpu.dma_semaphore, #tpu.memory_space<semaphore_mem>>)
        %dma_wait3A_386 = arith.constant 0 : i32
        %dma_wait3A_387 = arith.constant 0 : i32
        %dma_wait3A_388 = tpu.memref_slice %arg19[%dma_wait3A_386, %dma_wait3A_387] : memref<64x768xf32, #tpu.memory_space<vmem>> -> memref<16x768xf32, #tpu.memory_space<vmem>>
        %dma_wait3A_389 = arith.constant 0 : i32
        %dma_wait3A_390 = tpu.memref_slice %arg8[%multiple_of3A_375, %dma_wait3A_389] : memref<8192x768xf32, #tpu.memory_space<hbm>> -> memref<16x768xf32, #tpu.memory_space<hbm>>
        %dma_wait3A_391 = arith.constant 0 : i32
        %dma_wait3A_392 = tpu.memref_slice %arg8[%multiple_of3A_375, %dma_wait3A_391] : memref<8192x768xf32, #tpu.memory_space<hbm>> -> memref<16x768xf32, #tpu.memory_space<hbm>>
        %dma_wait3A_393 = arith.constant 0 : i32
        %dma_wait3A_394 = arith.constant 0 : i32
        %dma_wait3A_395 = tpu.memref_slice %arg19[%dma_wait3A_393, %dma_wait3A_394] : memref<64x768xf32, #tpu.memory_space<vmem>> -> memref<16x768xf32, #tpu.memory_space<vmem>>
        tpu.wait_dma2 semaphore(%run_scoped3A : memref<!tpu.dma_semaphore, #tpu.memory_space<semaphore_mem>>) src(%dma_wait3A_395 : memref<16x768xf32, #tpu.memory_space<vmem>>) dst(%dma_wait3A_392 : memref<16x768xf32, #tpu.memory_space<hbm>>)
        tpu.yield
      }) : () -> ()
    }
    %while3A_271 = arith.constant 1 : i32
    scf.for %while3A_284 = %while3A_269 to %while3A_265 step %while3A_271  : i32 {
      %add3A_285 = arith.addi %multiple_of3A_80, %mul3A_261 : i32
      %mul3A_286 = arith.constant 16 : i32
      %mul3A_287 = arith.muli %while3A_284, %mul3A_286 : i32
      %add3A_288 = arith.addi %add3A_285, %mul3A_287 : i32
      %add3A_289 = vector.broadcast %add3A_288 : i32 to vector<16xi32>
      %add3A_290 = arith.addi %add3A_289, %iota3A : vector<16xi32>
      %broadcast_in_dim3A_291 = arith.constant 0 : i32
      %broadcast_in_dim3A_292 = vector.broadcast %broadcast_in_dim3A_291 : i32 to vector<16xi32>
      %ge3A = arith.cmpi sge, %add3A_290, %gather3A_168 : vector<16xi32>
      %convert_element_type3A_293 = arith.extui %ge3A : vector<16xi1> to vector<16xi32>
      %add3A_294 = arith.addi %broadcast_in_dim3A_292, %convert_element_type3A_293 : vector<16xi32>
      %ge3A_295 = arith.cmpi sge, %add3A_290, %gather3A_171 : vector<16xi32>
      %convert_element_type3A_296 = arith.extui %ge3A_295 : vector<16xi1> to vector<16xi32>
      %add3A_297 = arith.addi %add3A_294, %convert_element_type3A_296 : vector<16xi32>
      %ge3A_298 = arith.cmpi sge, %add3A_290, %gather3A_174 : vector<16xi32>
      %convert_element_type3A_299 = arith.extui %ge3A_298 : vector<16xi1> to vector<16xi32>
      %add3A_300 = arith.addi %add3A_297, %convert_element_type3A_299 : vector<16xi32>
      %ge3A_301 = arith.cmpi sge, %add3A_290, %gather3A_177 : vector<16xi32>
      %convert_element_type3A_302 = arith.extui %ge3A_301 : vector<16xi1> to vector<16xi32>
      %add3A_303 = arith.addi %add3A_300, %convert_element_type3A_302 : vector<16xi32>
      %ge3A_304 = arith.cmpi sge, %add3A_290, %gather3A_180 : vector<16xi32>
      %convert_element_type3A_305 = arith.extui %ge3A_304 : vector<16xi1> to vector<16xi32>
      %add3A_306 = arith.addi %add3A_303, %convert_element_type3A_305 : vector<16xi32>
      %ge3A_307 = arith.cmpi sge, %add3A_290, %gather3A_183 : vector<16xi32>
      %convert_element_type3A_308 = arith.extui %ge3A_307 : vector<16xi1> to vector<16xi32>
      %add3A_309 = arith.addi %add3A_306, %convert_element_type3A_308 : vector<16xi32>
      %ge3A_310 = arith.cmpi sge, %add3A_290, %gather3A_186 : vector<16xi32>
      %convert_element_type3A_311 = arith.extui %ge3A_310 : vector<16xi1> to vector<16xi32>
      %add3A_312 = arith.addi %add3A_309, %convert_element_type3A_311 : vector<16xi32>
      %ge3A_313 = arith.cmpi sge, %add3A_290, %gather3A_189 : vector<16xi32>
      %convert_element_type3A_314 = arith.extui %ge3A_313 : vector<16xi1> to vector<16xi32>
      %add3A_315 = arith.addi %add3A_312, %convert_element_type3A_314 : vector<16xi32>
      %ge3A_316 = arith.cmpi sge, %add3A_290, %gather3A_192 : vector<16xi32>
      %convert_element_type3A_317 = arith.extui %ge3A_316 : vector<16xi1> to vector<16xi32>
      %add3A_318 = arith.addi %add3A_315, %convert_element_type3A_317 : vector<16xi32>
      %ge3A_319 = arith.cmpi sge, %add3A_290, %gather3A_195 : vector<16xi32>
      %convert_element_type3A_320 = arith.extui %ge3A_319 : vector<16xi1> to vector<16xi32>
      %add3A_321 = arith.addi %add3A_318, %convert_element_type3A_320 : vector<16xi32>
      %ge3A_322 = arith.cmpi sge, %add3A_290, %gather3A_198 : vector<16xi32>
      %convert_element_type3A_323 = arith.extui %ge3A_322 : vector<16xi1> to vector<16xi32>
      %add3A_324 = arith.addi %add3A_321, %convert_element_type3A_323 : vector<16xi32>
      %ge3A_325 = arith.cmpi sge, %add3A_290, %gather3A_201 : vector<16xi32>
      %convert_element_type3A_326 = arith.extui %ge3A_325 : vector<16xi1> to vector<16xi32>
      %add3A_327 = arith.addi %add3A_324, %convert_element_type3A_326 : vector<16xi32>
      %ge3A_328 = arith.cmpi sge, %add3A_290, %gather3A_204 : vector<16xi32>
      %convert_element_type3A_329 = arith.extui %ge3A_328 : vector<16xi1> to vector<16xi32>
      %add3A_330 = arith.addi %add3A_327, %convert_element_type3A_329 : vector<16xi32>
      %ge3A_331 = arith.cmpi sge, %add3A_290, %gather3A_207 : vector<16xi32>
      %convert_element_type3A_332 = arith.extui %ge3A_331 : vector<16xi1> to vector<16xi32>
      %add3A_333 = arith.addi %add3A_330, %convert_element_type3A_332 : vector<16xi32>
      %ge3A_334 = arith.cmpi sge, %add3A_290, %gather3A_210 : vector<16xi32>
      %convert_element_type3A_335 = arith.extui %ge3A_334 : vector<16xi1> to vector<16xi32>
      %add3A_336 = arith.addi %add3A_333, %convert_element_type3A_335 : vector<16xi32>
      %ge3A_337 = arith.cmpi sge, %add3A_290, %gather3A_213 : vector<16xi32>
      %convert_element_type3A_338 = arith.extui %ge3A_337 : vector<16xi1> to vector<16xi32>
      %add3A_339 = arith.addi %add3A_336, %convert_element_type3A_338 : vector<16xi32>
      %min3A = arith.constant 15 : i32
      %min3A_340 = vector.broadcast %min3A : i32 to vector<16xi32>
      %min3A_341 = arith.minsi %add3A_339, %min3A_340 : vector<16xi32>
      %gather3A_342 = tpu.vector_load_idx %arg15[%min3A_341] : memref<48xi32, #tpu.memory_space<vmem>>[vector<16xi32>], vector<16xi32>,
      %add3A_343 = arith.constant 16 : i32
      %add3A_344 = vector.broadcast %add3A_343 : i32 to vector<16xi32>
      %add3A_345 = arith.addi %min3A_341, %add3A_344 : vector<16xi32>
      %gather3A_346 = tpu.vector_load_idx %arg15[%add3A_345] : memref<48xi32, #tpu.memory_space<vmem>>[vector<16xi32>], vector<16xi32>,
      %sub3A_347 = arith.subi %add3A_290, %gather3A_346 : vector<16xi32>
      %add3A_348 = arith.addi %gather3A_342, %sub3A_347 : vector<16xi32>
      %mul3A_349 = arith.constant 512 : i32
      %mul3A_350 = vector.broadcast %mul3A_349 : i32 to vector<16xi32>
      %mul3A_351 = arith.muli %min3A_341, %mul3A_350 : vector<16xi32>
      %add3A_352 = arith.addi %add3A_348, %mul3A_351 : vector<16xi32>
      %lt3A = arith.cmpi slt, %add3A_290, %gather3A_213 : vector<16xi32>
      %jit3A_353 = arith.constant 0 : i32
      %broadcast_in_dim3A_354 = vector.broadcast %jit3A_353 : i32 to vector<16xi32>
      %select_n3A_355 = arith.select %lt3A, %add3A_352, %broadcast_in_dim3A_354 : vector<16xi1>, vector<16xi32>
      %gather3A_356 = tpu.vector_load_idx %arg13[%select_n3A_355] : memref<8192xi32, #tpu.memory_space<vmem>>[vector<16xi32>], vector<16xi32>,
      %swap3A_357 = arith.constant 0 : index
      %swap3A_358 = tpu.vector_load %arg22[%swap3A_357] {strides = array<i32>} : memref<16xi32, #tpu.memory_space<vmem>>, vector<16xi32>,
      tpu.vector_store %arg22[%swap3A_357], %gather3A_356 {strides = array<i32>} : memref<16xi32, #tpu.memory_space<vmem>>, vector<16xi32>,
      %dma_start3A_359 = arith.constant 0 : i32
      %dma_start3A_360 = arith.constant 0 : i32
      %dma_start3A_361 = tpu.memref_slice %arg19[%dma_start3A_359, %dma_start3A_360] : memref<64x768xf32, #tpu.memory_space<vmem>> -> memref<16x768xf32, #tpu.memory_space<vmem>>
      %dma_start3A_362 = arith.constant 0 : i32
      %dma_start3A_363 = arith.constant 0 : i32
      %dma_start3A_364 = tpu.memref_slice %arg5[%dma_start3A_362, %dma_start3A_363] : memref<30522x768xf32, #tpu.memory_space<hbm>> -> memref<30522x768xf32, #tpu.memory_space<hbm>>
      tpu.enqueue_indirect_dma source(%dma_start3A_364 : memref<30522x768xf32, #tpu.memory_space<hbm>>) target(%dma_start3A_361 : memref<16x768xf32, #tpu.memory_space<vmem>>) offsets(%arg22 : memref<16xi32, #tpu.memory_space<vmem>>) semaphore(%arg30 : memref<!tpu.dma_semaphore, #tpu.memory_space<semaphore_mem>>)
      %dma_wait3A_365 = arith.constant 0 : i32
      %dma_wait3A_366 = arith.constant 0 : i32
      %dma_wait3A_367 = tpu.memref_slice %arg19[%dma_wait3A_365, %dma_wait3A_366] : memref<64x768xf32, #tpu.memory_space<vmem>> -> memref<16x768xf32, #tpu.memory_space<vmem>>
      %dma_wait3A_368 = arith.constant 0 : i32
      %dma_wait3A_369 = arith.constant 0 : i32
      %dma_wait3A_370 = tpu.memref_slice %arg5[%dma_wait3A_368, %dma_wait3A_369] : memref<30522x768xf32, #tpu.memory_space<hbm>> -> memref<30522x768xf32, #tpu.memory_space<hbm>>
      tpu.wait_indirect_dma semaphore(%arg30 : memref<!tpu.dma_semaphore, #tpu.memory_space<semaphore_mem>>) src(%dma_wait3A_370 : memref<30522x768xf32, #tpu.memory_space<hbm>>) dst(%dma_wait3A_367 : memref<16x768xf32, #tpu.memory_space<vmem>>)
      %add3A_371 = arith.addi %multiple_of3A_80, %mul3A_261 : i32
      %mul3A_372 = arith.constant 16 : i32
      %mul3A_373 = arith.muli %while3A_284, %mul3A_372 : i32
      %add3A_374 = arith.addi %add3A_371, %mul3A_373 : i32
      %multiple_of3A_375 = tpu.assume_multiple %add3A_374, 16 : i32
      "tpu.region"() ({
        %run_scoped3A = tpu.sem_alloc : memref<!tpu.dma_semaphore, #tpu.memory_space<semaphore_mem>>
        %dma_start3A_376 = arith.constant 0 : i32
        %dma_start3A_377 = arith.constant 0 : i32
        %dma_start3A_378 = tpu.memref_slice %arg19[%dma_start3A_376, %dma_start3A_377] : memref<64x768xf32, #tpu.memory_space<vmem>> -> memref<16x768xf32, #tpu.memory_space<vmem>>
        %dma_start3A_379 = arith.constant 0 : i32
        %dma_start3A_380 = tpu.memref_slice %arg8[%multiple_of3A_375, %dma_start3A_379] : memref<8192x768xf32, #tpu.memory_space<hbm>> -> memref<16x768xf32, #tpu.memory_space<hbm>>
        %dma_start3A_381 = arith.constant 0 : i32
        %dma_start3A_382 = tpu.memref_slice %arg8[%multiple_of3A_375, %dma_start3A_381] : memref<8192x768xf32, #tpu.memory_space<hbm>> -> memref<16x768xf32, #tpu.memory_space<hbm>>
        %dma_start3A_383 = arith.constant 0 : i32
        %dma_start3A_384 = arith.constant 0 : i32
        %dma_start3A_385 = tpu.memref_slice %arg19[%dma_start3A_383, %dma_start3A_384] : memref<64x768xf32, #tpu.memory_space<vmem>> -> memref<16x768xf32, #tpu.memory_space<vmem>>
        tpu.enqueue_dma source(%dma_start3A_385 : memref<16x768xf32, #tpu.memory_space<vmem>>) target(%dma_start3A_382 : memref<16x768xf32, #tpu.memory_space<hbm>>) target_semaphore(%run_scoped3A : memref<!tpu.dma_semaphore, #tpu.memory_space<semaphore_mem>>)
        %dma_wait3A_386 = arith.constant 0 : i32
        %dma_wait3A_387 = arith.constant 0 : i32
        %dma_wait3A_388 = tpu.memref_slice %arg19[%dma_wait3A_386, %dma_wait3A_387] : memref<64x768xf32, #tpu.memory_space<vmem>> -> memref<16x768xf32, #tpu.memory_space<vmem>>
        %dma_wait3A_389 = arith.constant 0 : i32
        %dma_wait3A_390 = tpu.memref_slice %arg8[%multiple_of3A_375, %dma_wait3A_389] : memref<8192x768xf32, #tpu.memory_space<hbm>> -> memref<16x768xf32, #tpu.memory_space<hbm>>
        %dma_wait3A_391 = arith.constant 0 : i32
        %dma_wait3A_392 = tpu.memref_slice %arg8[%multiple_of3A_375, %dma_wait3A_391] : memref<8192x768xf32, #tpu.memory_space<hbm>> -> memref<16x768xf32, #tpu.memory_space<hbm>>
        %dma_wait3A_393 = arith.constant 0 : i32
        %dma_wait3A_394 = arith.constant 0 : i32
        %dma_wait3A_395 = tpu.memref_slice %arg19[%dma_wait3A_393, %dma_wait3A_394] : memref<64x768xf32, #tpu.memory_space<vmem>> -> memref<16x768xf32, #tpu.memory_space<vmem>>
        tpu.wait_dma2 semaphore(%run_scoped3A : memref<!tpu.dma_semaphore, #tpu.memory_space<semaphore_mem>>) src(%dma_wait3A_395 : memref<16x768xf32, #tpu.memory_space<vmem>>) dst(%dma_wait3A_392 : memref<16x768xf32, #tpu.memory_space<hbm>>)
        tpu.yield
      }) : () -> ()
    }
    %dma_wait3A = arith.constant 0 : i32
    %dma_wait3A_272 = arith.constant 0 : i32
    %dma_wait3A_273 = tpu.memref_slice %arg6[%dma_wait3A, %dma_wait3A_272] : memref<50000x768xf32, #tpu.memory_space<hbm>> -> memref<50000x768xf32, #tpu.memory_space<hbm>>
    tpu.wait_indirect_dma semaphore(%arg28 : memref<!tpu.dma_semaphore, #tpu.memory_space<semaphore_mem>>) src(%dma_wait3A_273 : memref<50000x768xf32, #tpu.memory_space<hbm>>) dst(%arg25 : memref<16x768xf32, #tpu.memory_space<vmem>>)
    "tpu.region"() ({
      %run_scoped3A = tpu.sem_alloc : memref<!tpu.dma_semaphore, #tpu.memory_space<semaphore_mem>>
      %dma_start3A_284 = arith.constant 0 : i32
      %dma_start3A_285 = tpu.memref_slice %arg9[%multiple_of3A, %dma_start3A_284] : memref<512x768xf32, #tpu.memory_space<hbm>> -> memref<16x768xf32, #tpu.memory_space<hbm>>
      %dma_start3A_286 = arith.constant 0 : i32
      %dma_start3A_287 = tpu.memref_slice %arg9[%multiple_of3A, %dma_start3A_286] : memref<512x768xf32, #tpu.memory_space<hbm>> -> memref<16x768xf32, #tpu.memory_space<hbm>>
      tpu.enqueue_dma source(%arg25 : memref<16x768xf32, #tpu.memory_space<vmem>>) target(%dma_start3A_287 : memref<16x768xf32, #tpu.memory_space<hbm>>) target_semaphore(%run_scoped3A : memref<!tpu.dma_semaphore, #tpu.memory_space<semaphore_mem>>)
      %dma_wait3A_288 = arith.constant 0 : i32
      %dma_wait3A_289 = tpu.memref_slice %arg9[%multiple_of3A, %dma_wait3A_288] : memref<512x768xf32, #tpu.memory_space<hbm>> -> memref<16x768xf32, #tpu.memory_space<hbm>>
      %dma_wait3A_290 = arith.constant 0 : i32
      %dma_wait3A_291 = tpu.memref_slice %arg9[%multiple_of3A, %dma_wait3A_290] : memref<512x768xf32, #tpu.memory_space<hbm>> -> memref<16x768xf32, #tpu.memory_space<hbm>>
      tpu.wait_dma2 semaphore(%run_scoped3A : memref<!tpu.dma_semaphore, #tpu.memory_space<semaphore_mem>>) src(%arg25 : memref<16x768xf32, #tpu.memory_space<vmem>>) dst(%dma_wait3A_291 : memref<16x768xf32, #tpu.memory_space<hbm>>)
      tpu.yield
    }) : () -> ()
    %dma_wait3A_274 = arith.constant 0 : i32
    %dma_wait3A_275 = arith.constant 0 : i32
    %dma_wait3A_276 = tpu.memref_slice %arg7[%dma_wait3A_274, %dma_wait3A_275] : memref<391x128xf32, #tpu.memory_space<hbm>> -> memref<391x128xf32, #tpu.memory_space<hbm>>
    tpu.wait_indirect_dma semaphore(%arg29 : memref<!tpu.dma_semaphore, #tpu.memory_space<semaphore_mem>>) src(%dma_wait3A_276 : memref<391x128xf32, #tpu.memory_space<hbm>>) dst(%arg26 : memref<16x128xf32, #tpu.memory_space<vmem>>)
    %iota3A_277 = tpu.iota {dimensions = array<i32: 0>} : vector<16xi32>
    %and3A_278 = arith.constant 127 : i32
    %and3A_279 = vector.broadcast %and3A_278 : i32 to vector<16xi32>
    %and3A_280 = arith.andi %get3A_3, %and3A_279 : vector<16xi32>
    %gather3A_281 = tpu.vector_load_idx %arg26[%iota3A_277, %and3A_280] : memref<16x128xf32, #tpu.memory_space<vmem>>[vector<16xi32>, vector<16xi32>], vector<16xf32>,
    %swap3A_282 = arith.constant 0 : index
    %swap3A_283 = tpu.vector_load %arg27[%swap3A_282] {strides = array<i32>} : memref<16xf32, #tpu.memory_space<vmem>>, vector<16xf32>,
    tpu.vector_store %arg27[%swap3A_282], %gather3A_281 {strides = array<i32>} : memref<16xf32, #tpu.memory_space<vmem>>, vector<16xf32>,
    "tpu.region"() ({
      %run_scoped3A = tpu.sem_alloc : memref<!tpu.dma_semaphore, #tpu.memory_space<semaphore_mem>>
      %dma_start3A_284 = tpu.memref_slice %arg10[%multiple_of3A] : memref<512xf32, #tpu.memory_space<hbm>> -> memref<16xf32, #tpu.memory_space<hbm>>
      %dma_start3A_285 = tpu.memref_slice %arg10[%multiple_of3A] : memref<512xf32, #tpu.memory_space<hbm>> -> memref<16xf32, #tpu.memory_space<hbm>>
      tpu.enqueue_dma source(%arg27 : memref<16xf32, #tpu.memory_space<vmem>>) target(%dma_start3A_285 : memref<16xf32, #tpu.memory_space<hbm>>) target_semaphore(%run_scoped3A : memref<!tpu.dma_semaphore, #tpu.memory_space<semaphore_mem>>)
      %dma_wait3A_286 = tpu.memref_slice %arg10[%multiple_of3A] : memref<512xf32, #tpu.memory_space<hbm>> -> memref<16xf32, #tpu.memory_space<hbm>>
      %dma_wait3A_287 = tpu.memref_slice %arg10[%multiple_of3A] : memref<512xf32, #tpu.memory_space<hbm>> -> memref<16xf32, #tpu.memory_space<hbm>>
      tpu.wait_dma2 semaphore(%run_scoped3A : memref<!tpu.dma_semaphore, #tpu.memory_space<semaphore_mem>>) src(%arg27 : memref<16xf32, #tpu.memory_space<vmem>>) dst(%dma_wait3A_287 : memref<16xf32, #tpu.memory_space<hbm>>)
      tpu.yield
    }) : () -> ()
    return
  }
}

module attributes {stable_mosaic.version = 14 : i64} {
  func.func @_tc_body(%arg0: i32, %arg1: memref<32xi32, #tpu.memory_space<smem>>, %arg2: memref<512x768xf32, #tpu.memory_space<vmem>>, %arg3: memref<768x768xf32, #tpu.memory_space<vmem>>, %arg4: memref<1x768xf32, #tpu.memory_space<vmem>>, %arg5: memref<16x2xi32, #tpu.memory_space<vmem>>, %arg6: memref<16x1xf32, #tpu.memory_space<vmem>>, %arg7: memref<512x768xf32, #tpu.memory_space<vmem>>, %arg8: memref<16x32xf32, #tpu.memory_space<vmem>>, %arg9: memref<16x1xi32, #tpu.memory_space<vmem>>, %arg10: memref<1x1xf32, #tpu.memory_space<vmem>>, %arg11: memref<16x1xi32, #tpu.memory_space<vmem>>, %arg12: memref<16x768xf32, #tpu.memory_space<vmem>>) attributes {dimension_semantics = [#tpu.dimension_semantics<arbitrary>], iteration_bounds = array<i64: 16>, scalar_prefetch = 1 : i64, scratch_operands = 1 : i64, tpu.core_type = #tpu.core_type<tc>, window_params = [{transform_indices = @transform_0, window_bounds = array<i64: 512, 768>}, {pipeline_mode = #tpu.pipeline_mode<synchronous>, transform_indices = @transform_1, window_bounds = array<i64: 768, 768>}, {pipeline_mode = #tpu.pipeline_mode<synchronous>, transform_indices = @transform_2, window_bounds = array<i64: 1, 768>}, {pipeline_mode = #tpu.pipeline_mode<synchronous>, transform_indices = @transform_3, window_bounds = array<i64: 16, 2>}, {pipeline_mode = #tpu.pipeline_mode<synchronous>, transform_indices = @transform_4, window_bounds = array<i64: 16, 1>}, {pipeline_mode = #tpu.pipeline_mode<synchronous>, transform_indices = @transform_5, window_bounds = array<i64: 512, 768>}, {pipeline_mode = #tpu.pipeline_mode<synchronous>, transform_indices = @transform_6, window_bounds = array<i64: 16, 32>}, {pipeline_mode = #tpu.pipeline_mode<synchronous>, transform_indices = @transform_7, window_bounds = array<i64: 16, 1>}, {pipeline_mode = #tpu.pipeline_mode<synchronous>, transform_indices = @transform_8, window_bounds = array<i64: 1, 1>}, {pipeline_mode = #tpu.pipeline_mode<synchronous>, transform_indices = @transform_9, window_bounds = array<i64: 16, 1>}]} {
    %get3A = arith.constant 0 : index
    %get3A_0 = memref.load %arg1[%get3A] : memref<32xi32, #tpu.memory_space<smem>>
    %get3A_1 = arith.constant 1 : index
    %get3A_2 = memref.load %arg1[%get3A_1] : memref<32xi32, #tpu.memory_space<smem>>
    %add3A = arith.constant 1 : i32
    %add3A_3 = arith.addi %get3A_0, %add3A : i32
    %max3A = arith.maxsi %get3A_2, %add3A_3 : i32
    %sub3A = arith.subi %max3A, %get3A_0 : i32
    %add3A_4 = arith.constant 0 : i32
    %add3A_5 = arith.addi %add3A_4, %sub3A : i32
    %get3A_6 = arith.constant 2 : index
    %get3A_7 = memref.load %arg1[%get3A_6] : memref<32xi32, #tpu.memory_space<smem>>
    %get3A_8 = arith.constant 3 : index
    %get3A_9 = memref.load %arg1[%get3A_8] : memref<32xi32, #tpu.memory_space<smem>>
    %add3A_10 = arith.constant 1 : i32
    %add3A_11 = arith.addi %get3A_7, %add3A_10 : i32
    %max3A_12 = arith.maxsi %get3A_9, %add3A_11 : i32
    %sub3A_13 = arith.subi %max3A_12, %get3A_7 : i32
    %add3A_14 = arith.addi %add3A_5, %sub3A_13 : i32
    %get3A_15 = arith.constant 4 : index
    %get3A_16 = memref.load %arg1[%get3A_15] : memref<32xi32, #tpu.memory_space<smem>>
    %get3A_17 = arith.constant 5 : index
    %get3A_18 = memref.load %arg1[%get3A_17] : memref<32xi32, #tpu.memory_space<smem>>
    %add3A_19 = arith.constant 1 : i32
    %add3A_20 = arith.addi %get3A_16, %add3A_19 : i32
    %max3A_21 = arith.maxsi %get3A_18, %add3A_20 : i32
    %sub3A_22 = arith.subi %max3A_21, %get3A_16 : i32
    %add3A_23 = arith.addi %add3A_14, %sub3A_22 : i32
    %get3A_24 = arith.constant 6 : index
    %get3A_25 = memref.load %arg1[%get3A_24] : memref<32xi32, #tpu.memory_space<smem>>
    %get3A_26 = arith.constant 7 : index
    %get3A_27 = memref.load %arg1[%get3A_26] : memref<32xi32, #tpu.memory_space<smem>>
    %add3A_28 = arith.constant 1 : i32
    %add3A_29 = arith.addi %get3A_25, %add3A_28 : i32
    %max3A_30 = arith.maxsi %get3A_27, %add3A_29 : i32
    %sub3A_31 = arith.subi %max3A_30, %get3A_25 : i32
    %add3A_32 = arith.addi %add3A_23, %sub3A_31 : i32
    %get3A_33 = arith.constant 8 : index
    %get3A_34 = memref.load %arg1[%get3A_33] : memref<32xi32, #tpu.memory_space<smem>>
    %get3A_35 = arith.constant 9 : index
    %get3A_36 = memref.load %arg1[%get3A_35] : memref<32xi32, #tpu.memory_space<smem>>
    %add3A_37 = arith.constant 1 : i32
    %add3A_38 = arith.addi %get3A_34, %add3A_37 : i32
    %max3A_39 = arith.maxsi %get3A_36, %add3A_38 : i32
    %sub3A_40 = arith.subi %max3A_39, %get3A_34 : i32
    %add3A_41 = arith.addi %add3A_32, %sub3A_40 : i32
    %get3A_42 = arith.constant 10 : index
    %get3A_43 = memref.load %arg1[%get3A_42] : memref<32xi32, #tpu.memory_space<smem>>
    %get3A_44 = arith.constant 11 : index
    %get3A_45 = memref.load %arg1[%get3A_44] : memref<32xi32, #tpu.memory_space<smem>>
    %add3A_46 = arith.constant 1 : i32
    %add3A_47 = arith.addi %get3A_43, %add3A_46 : i32
    %max3A_48 = arith.maxsi %get3A_45, %add3A_47 : i32
    %sub3A_49 = arith.subi %max3A_48, %get3A_43 : i32
    %add3A_50 = arith.addi %add3A_41, %sub3A_49 : i32
    %get3A_51 = arith.constant 12 : index
    %get3A_52 = memref.load %arg1[%get3A_51] : memref<32xi32, #tpu.memory_space<smem>>
    %get3A_53 = arith.constant 13 : index
    %get3A_54 = memref.load %arg1[%get3A_53] : memref<32xi32, #tpu.memory_space<smem>>
    %add3A_55 = arith.constant 1 : i32
    %add3A_56 = arith.addi %get3A_52, %add3A_55 : i32
    %max3A_57 = arith.maxsi %get3A_54, %add3A_56 : i32
    %sub3A_58 = arith.subi %max3A_57, %get3A_52 : i32
    %add3A_59 = arith.addi %add3A_50, %sub3A_58 : i32
    %get3A_60 = arith.constant 14 : index
    %get3A_61 = memref.load %arg1[%get3A_60] : memref<32xi32, #tpu.memory_space<smem>>
    %get3A_62 = arith.constant 15 : index
    %get3A_63 = memref.load %arg1[%get3A_62] : memref<32xi32, #tpu.memory_space<smem>>
    %add3A_64 = arith.constant 1 : i32
    %add3A_65 = arith.addi %get3A_61, %add3A_64 : i32
    %max3A_66 = arith.maxsi %get3A_63, %add3A_65 : i32
    %sub3A_67 = arith.subi %max3A_66, %get3A_61 : i32
    %add3A_68 = arith.addi %add3A_59, %sub3A_67 : i32
    %get3A_69 = arith.constant 16 : index
    %get3A_70 = memref.load %arg1[%get3A_69] : memref<32xi32, #tpu.memory_space<smem>>
    %get3A_71 = arith.constant 17 : index
    %get3A_72 = memref.load %arg1[%get3A_71] : memref<32xi32, #tpu.memory_space<smem>>
    %add3A_73 = arith.constant 1 : i32
    %add3A_74 = arith.addi %get3A_70, %add3A_73 : i32
    %max3A_75 = arith.maxsi %get3A_72, %add3A_74 : i32
    %sub3A_76 = arith.subi %max3A_75, %get3A_70 : i32
    %add3A_77 = arith.addi %add3A_68, %sub3A_76 : i32
    %get3A_78 = arith.constant 18 : index
    %get3A_79 = memref.load %arg1[%get3A_78] : memref<32xi32, #tpu.memory_space<smem>>
    %get3A_80 = arith.constant 19 : index
    %get3A_81 = memref.load %arg1[%get3A_80] : memref<32xi32, #tpu.memory_space<smem>>
    %add3A_82 = arith.constant 1 : i32
    %add3A_83 = arith.addi %get3A_79, %add3A_82 : i32
    %max3A_84 = arith.maxsi %get3A_81, %add3A_83 : i32
    %sub3A_85 = arith.subi %max3A_84, %get3A_79 : i32
    %add3A_86 = arith.addi %add3A_77, %sub3A_85 : i32
    %get3A_87 = arith.constant 20 : index
    %get3A_88 = memref.load %arg1[%get3A_87] : memref<32xi32, #tpu.memory_space<smem>>
    %get3A_89 = arith.constant 21 : index
    %get3A_90 = memref.load %arg1[%get3A_89] : memref<32xi32, #tpu.memory_space<smem>>
    %add3A_91 = arith.constant 1 : i32
    %add3A_92 = arith.addi %get3A_88, %add3A_91 : i32
    %max3A_93 = arith.maxsi %get3A_90, %add3A_92 : i32
    %sub3A_94 = arith.subi %max3A_93, %get3A_88 : i32
    %add3A_95 = arith.addi %add3A_86, %sub3A_94 : i32
    %get3A_96 = arith.constant 22 : index
    %get3A_97 = memref.load %arg1[%get3A_96] : memref<32xi32, #tpu.memory_space<smem>>
    %get3A_98 = arith.constant 23 : index
    %get3A_99 = memref.load %arg1[%get3A_98] : memref<32xi32, #tpu.memory_space<smem>>
    %add3A_100 = arith.constant 1 : i32
    %add3A_101 = arith.addi %get3A_97, %add3A_100 : i32
    %max3A_102 = arith.maxsi %get3A_99, %add3A_101 : i32
    %sub3A_103 = arith.subi %max3A_102, %get3A_97 : i32
    %add3A_104 = arith.addi %add3A_95, %sub3A_103 : i32
    %get3A_105 = arith.constant 24 : index
    %get3A_106 = memref.load %arg1[%get3A_105] : memref<32xi32, #tpu.memory_space<smem>>
    %get3A_107 = arith.constant 25 : index
    %get3A_108 = memref.load %arg1[%get3A_107] : memref<32xi32, #tpu.memory_space<smem>>
    %add3A_109 = arith.constant 1 : i32
    %add3A_110 = arith.addi %get3A_106, %add3A_109 : i32
    %max3A_111 = arith.maxsi %get3A_108, %add3A_110 : i32
    %sub3A_112 = arith.subi %max3A_111, %get3A_106 : i32
    %add3A_113 = arith.addi %add3A_104, %sub3A_112 : i32
    %get3A_114 = arith.constant 26 : index
    %get3A_115 = memref.load %arg1[%get3A_114] : memref<32xi32, #tpu.memory_space<smem>>
    %get3A_116 = arith.constant 27 : index
    %get3A_117 = memref.load %arg1[%get3A_116] : memref<32xi32, #tpu.memory_space<smem>>
    %add3A_118 = arith.constant 1 : i32
    %add3A_119 = arith.addi %get3A_115, %add3A_118 : i32
    %max3A_120 = arith.maxsi %get3A_117, %add3A_119 : i32
    %sub3A_121 = arith.subi %max3A_120, %get3A_115 : i32
    %add3A_122 = arith.addi %add3A_113, %sub3A_121 : i32
    %get3A_123 = arith.constant 28 : index
    %get3A_124 = memref.load %arg1[%get3A_123] : memref<32xi32, #tpu.memory_space<smem>>
    %get3A_125 = arith.constant 29 : index
    %get3A_126 = memref.load %arg1[%get3A_125] : memref<32xi32, #tpu.memory_space<smem>>
    %add3A_127 = arith.constant 1 : i32
    %add3A_128 = arith.addi %get3A_124, %add3A_127 : i32
    %max3A_129 = arith.maxsi %get3A_126, %add3A_128 : i32
    %sub3A_130 = arith.subi %max3A_129, %get3A_124 : i32
    %add3A_131 = arith.addi %add3A_122, %sub3A_130 : i32
    %get3A_132 = arith.constant 30 : index
    %get3A_133 = memref.load %arg1[%get3A_132] : memref<32xi32, #tpu.memory_space<smem>>
    %get3A_134 = arith.constant 31 : index
    %get3A_135 = memref.load %arg1[%get3A_134] : memref<32xi32, #tpu.memory_space<smem>>
    %add3A_136 = arith.constant 1 : i32
    %add3A_137 = arith.addi %get3A_133, %add3A_136 : i32
    %max3A_138 = arith.maxsi %get3A_135, %add3A_137 : i32
    %sub3A_139 = arith.subi %max3A_138, %get3A_133 : i32
    %add3A_140 = arith.addi %add3A_131, %sub3A_139 : i32
    %add3A_141 = arith.constant 511 : i32
    %add3A_142 = arith.addi %add3A_140, %add3A_141 : i32
    %jit3A = arith.constant 512 : i32
    %div3A = arith.divsi %add3A_142, %jit3A : i32
    %sign3A = arith.constant 0 : i32
    %sign3A_143 = arith.cmpi sgt, %add3A_142, %sign3A : i32
    %sign3A_144 = arith.extui %sign3A_143 : i1 to i32
    %sign3A_145 = arith.constant 0 : i32
    %sign3A_146 = arith.cmpi slt, %add3A_142, %sign3A_145 : i32
    %sign3A_147 = arith.extui %sign3A_146 : i1 to i32
    %sign3A_148 = arith.subi %sign3A_144, %sign3A_147 : i32
    %sign3A_149 = arith.constant 0 : i32
    %sign3A_150 = arith.cmpi sgt, %jit3A, %sign3A_149 : i32
    %sign3A_151 = arith.extui %sign3A_150 : i1 to i32
    %sign3A_152 = arith.constant 0 : i32
    %sign3A_153 = arith.cmpi slt, %jit3A, %sign3A_152 : i32
    %sign3A_154 = arith.extui %sign3A_153 : i1 to i32
    %sign3A_155 = arith.subi %sign3A_151, %sign3A_154 : i32
    %ne3A = arith.cmpi ne, %sign3A_148, %sign3A_155 : i32
    %rem3A = arith.remsi %add3A_142, %jit3A : i32
    %ne3A_156 = arith.constant 0 : i32
    %ne3A_157 = arith.cmpi ne, %rem3A, %ne3A_156 : i32
    %and3A = arith.andi %ne3A, %ne3A_157 : i1
    %sub3A_158 = arith.constant 1 : i32
    %sub3A_159 = arith.subi %div3A, %sub3A_158 : i32
    %select_n3A = arith.select %and3A, %sub3A_159, %div3A : i32
    %eq3A = arith.constant 0 : i32
    %eq3A_160 = arith.cmpi eq, %arg0, %eq3A : i32
    %convert_element_type3A = arith.extui %eq3A_160 : i1 to i32
    %cond3A = arith.constant 0 : i32
    %cond3A_161 = arith.cmpi ne, %convert_element_type3A, %cond3A : i32
    scf.if %cond3A_161 {
      %broadcast_in_dim3A = arith.constant 0.000000e+00 : f32
      %broadcast_in_dim3A_170 = vector.broadcast %broadcast_in_dim3A : f32 to vector<16x768xf32>
      %swap3A = arith.constant 0 : index
      %swap3A_171 = arith.constant 0 : index
      %swap3A_172 = vector.load %arg12[%swap3A, %swap3A_171] : memref<16x768xf32, #tpu.memory_space<vmem>>, vector<16x768xf32>
      tpu.vector_store %arg12[%swap3A, %swap3A_171], %broadcast_in_dim3A_170 {strides = array<i32>} : memref<16x768xf32, #tpu.memory_space<vmem>>, vector<16x768xf32>,
    } else {
    }
    %lt3A = arith.cmpi slt, %arg0, %select_n3A : i32
    %convert_element_type3A_162 = arith.extui %lt3A : i1 to i32
    %cond3A_163 = arith.constant 0 : i32
    %cond3A_164 = arith.cmpi ne, %convert_element_type3A_162, %cond3A_163 : i32
    scf.if %cond3A_164 {
      %get3A_170 = arith.constant 0 : index
      %get3A_171 = arith.constant 0 : index
      %get3A_172 = vector.load %arg2[%get3A_170, %get3A_171] : memref<512x768xf32, #tpu.memory_space<vmem>>, vector<512x768xf32>
      %get3A_173 = arith.constant 0 : index
      %get3A_174 = arith.constant 0 : index
      %get3A_175 = vector.load %arg3[%get3A_173, %get3A_174] : memref<768x768xf32, #tpu.memory_space<vmem>>, vector<768x768xf32>
      %dot_general3A = arith.constant dense<0.000000e+00> : vector<512x768xf32>
      %dot_general3A_176 = tpu.matmul %get3A_172, %get3A_175, %dot_general3A {dimension_numbers = #tpu.dot_dimension_numbers<[1], [0], [0], [1], [0, 0, 1, 1], [], []>, transpose_lhs_hint = false} : vector<512x768xf32>, vector<768x768xf32>, vector<512x768xf32> -> vector<512x768xf32>
      %get3A_177 = arith.constant 0 : index
      %get3A_178 = arith.constant 0 : index
      %get3A_179 = vector.load %arg4[%get3A_177, %get3A_178] : memref<1x768xf32, #tpu.memory_space<vmem>>, vector<1x768xf32>
      %add3A_180 = vector.broadcast %get3A_179 : vector<1x768xf32> to vector<512x768xf32>
      %add3A_181 = arith.addf %dot_general3A_176, %add3A_180 : vector<512x768xf32>
      %tanh3A = math.tanh %add3A_181 : vector<512x768xf32>
      %mul3A = arith.constant 512 : i32
      %mul3A_182 = arith.muli %arg0, %mul3A : i32
      %iota3A = tpu.iota {dimensions = array<i32: 1>} : vector<16x512xi32>
      %add3A_183 = vector.broadcast %mul3A_182 : i32 to vector<16x512xi32>
      %add3A_184 = arith.addi %add3A_183, %iota3A : vector<16x512xi32>
      %get3A_185 = arith.constant 0 : index
      %get3A_186 = arith.constant 0 : index
      %get3A_187 = vector.load %arg5[%get3A_185, %get3A_186] : memref<16x2xi32, #tpu.memory_space<vmem>>, vector<16x1xi32>
      %get3A_188 = arith.constant 0 : index
      %get3A_189 = arith.constant 1 : index
      %get3A_190 = vector.load %arg5[%get3A_188, %get3A_189] : memref<16x2xi32, #tpu.memory_space<vmem>>, vector<16x1xi32>
      %ge3A = vector.broadcast %get3A_187 : vector<16x1xi32> to vector<16x512xi32>
      %ge3A_191 = arith.cmpi sge, %add3A_184, %ge3A : vector<16x512xi32>
      %lt3A_192 = vector.broadcast %get3A_190 : vector<16x1xi32> to vector<16x512xi32>
      %lt3A_193 = arith.cmpi slt, %add3A_184, %lt3A_192 : vector<16x512xi32>
      %and3A_194 = arith.andi %ge3A_191, %lt3A_193 : vector<16x512xi1>
      %convert_element_type3A_195 = arith.extui %and3A_194 : vector<16x512xi1> to vector<16x512xi32>
      %convert_element_type3A_196 = arith.sitofp %convert_element_type3A_195 : vector<16x512xi32> to vector<16x512xf32>
      %get3A_197 = arith.constant 0 : index
      %get3A_198 = arith.constant 0 : index
      %get3A_199 = vector.load %arg6[%get3A_197, %get3A_198] : memref<16x1xf32, #tpu.memory_space<vmem>>, vector<16x1xf32>
      %mul3A_200 = vector.broadcast %get3A_199 : vector<16x1xf32> to vector<16x512xf32>
      %mul3A_201 = arith.mulf %convert_element_type3A_196, %mul3A_200 : vector<16x512xf32>
      %get3A_202 = arith.constant 0 : index
      %get3A_203 = arith.constant 0 : index
      %get3A_204 = vector.load %arg12[%get3A_202, %get3A_203] : memref<16x768xf32, #tpu.memory_space<vmem>>, vector<16x768xf32>
      %dot_general3A_205 = arith.constant dense<0.000000e+00> : vector<16x768xf32>
      %dot_general3A_206 = tpu.matmul %mul3A_201, %tanh3A, %dot_general3A_205 {dimension_numbers = #tpu.dot_dimension_numbers<[1], [0], [0], [1], [0, 0, 1, 1], [], []>, transpose_lhs_hint = false} : vector<16x512xf32>, vector<512x768xf32>, vector<16x768xf32> -> vector<16x768xf32>
      %add3A_207 = arith.addf %get3A_204, %dot_general3A_206 : vector<16x768xf32>
      %swap3A = arith.constant 0 : index
      %swap3A_208 = arith.constant 0 : index
      %swap3A_209 = vector.load %arg12[%swap3A, %swap3A_208] : memref<16x768xf32, #tpu.memory_space<vmem>>, vector<16x768xf32>
      tpu.vector_store %arg12[%swap3A, %swap3A_208], %add3A_207 {strides = array<i32>} : memref<16x768xf32, #tpu.memory_space<vmem>>, vector<16x768xf32>,
    } else {
    }
    %eq3A_165 = arith.constant 15 : i32
    %eq3A_166 = arith.cmpi eq, %arg0, %eq3A_165 : i32
    %convert_element_type3A_167 = arith.extui %eq3A_166 : i1 to i32
    %cond3A_168 = arith.constant 0 : i32
    %cond3A_169 = arith.cmpi ne, %convert_element_type3A_167, %cond3A_168 : i32
    scf.if %cond3A_169 {
      %get3A_170 = arith.constant 0 : index
      %get3A_171 = arith.constant 0 : index
      %get3A_172 = vector.load %arg12[%get3A_170, %get3A_171] : memref<16x768xf32, #tpu.memory_space<vmem>>, vector<16x768xf32>
      %get3A_173 = arith.constant 0 : index
      %get3A_174 = arith.constant 0 : index
      %get3A_175 = vector.load %arg7[%get3A_173, %get3A_174] : memref<512x768xf32, #tpu.memory_space<vmem>>, vector<32x768xf32>
      %slice3A = vector.extract_strided_slice %get3A_172 {offsets = [0, 0], sizes = [1, 768], strides = [1, 1]} : vector<16x768xf32> to vector<1x768xf32>
      %dot_general3A = arith.constant dense<0.000000e+00> : vector<1x32xf32>
      %dot_general3A_176 = tpu.matmul %slice3A, %get3A_175, %dot_general3A {dimension_numbers = #tpu.dot_dimension_numbers<[1], [1], [0], [0], [0, 0, 1, 0], [], []>, transpose_lhs_hint = false} : vector<1x768xf32>, vector<32x768xf32>, vector<1x32xf32> -> vector<1x32xf32>
      %get3A_177 = arith.constant 32 : index
      %get3A_178 = arith.constant 0 : index
      %get3A_179 = vector.load %arg7[%get3A_177, %get3A_178] : memref<512x768xf32, #tpu.memory_space<vmem>>, vector<32x768xf32>
      %slice3A_180 = vector.extract_strided_slice %get3A_172 {offsets = [1, 0], sizes = [1, 768], strides = [1, 1]} : vector<16x768xf32> to vector<1x768xf32>
      %dot_general3A_181 = arith.constant dense<0.000000e+00> : vector<1x32xf32>
      %dot_general3A_182 = tpu.matmul %slice3A_180, %get3A_179, %dot_general3A_181 {dimension_numbers = #tpu.dot_dimension_numbers<[1], [1], [0], [0], [0, 0, 1, 0], [], []>, transpose_lhs_hint = false} : vector<1x768xf32>, vector<32x768xf32>, vector<1x32xf32> -> vector<1x32xf32>
      %get3A_183 = arith.constant 64 : index
      %get3A_184 = arith.constant 0 : index
      %get3A_185 = vector.load %arg7[%get3A_183, %get3A_184] : memref<512x768xf32, #tpu.memory_space<vmem>>, vector<32x768xf32>
      %slice3A_186 = vector.extract_strided_slice %get3A_172 {offsets = [2, 0], sizes = [1, 768], strides = [1, 1]} : vector<16x768xf32> to vector<1x768xf32>
      %dot_general3A_187 = arith.constant dense<0.000000e+00> : vector<1x32xf32>
      %dot_general3A_188 = tpu.matmul %slice3A_186, %get3A_185, %dot_general3A_187 {dimension_numbers = #tpu.dot_dimension_numbers<[1], [1], [0], [0], [0, 0, 1, 0], [], []>, transpose_lhs_hint = false} : vector<1x768xf32>, vector<32x768xf32>, vector<1x32xf32> -> vector<1x32xf32>
      %get3A_189 = arith.constant 96 : index
      %get3A_190 = arith.constant 0 : index
      %get3A_191 = vector.load %arg7[%get3A_189, %get3A_190] : memref<512x768xf32, #tpu.memory_space<vmem>>, vector<32x768xf32>
      %slice3A_192 = vector.extract_strided_slice %get3A_172 {offsets = [3, 0], sizes = [1, 768], strides = [1, 1]} : vector<16x768xf32> to vector<1x768xf32>
      %dot_general3A_193 = arith.constant dense<0.000000e+00> : vector<1x32xf32>
      %dot_general3A_194 = tpu.matmul %slice3A_192, %get3A_191, %dot_general3A_193 {dimension_numbers = #tpu.dot_dimension_numbers<[1], [1], [0], [0], [0, 0, 1, 0], [], []>, transpose_lhs_hint = false} : vector<1x768xf32>, vector<32x768xf32>, vector<1x32xf32> -> vector<1x32xf32>
      %get3A_195 = arith.constant 128 : index
      %get3A_196 = arith.constant 0 : index
      %get3A_197 = vector.load %arg7[%get3A_195, %get3A_196] : memref<512x768xf32, #tpu.memory_space<vmem>>, vector<32x768xf32>
      %slice3A_198 = vector.extract_strided_slice %get3A_172 {offsets = [4, 0], sizes = [1, 768], strides = [1, 1]} : vector<16x768xf32> to vector<1x768xf32>
      %dot_general3A_199 = arith.constant dense<0.000000e+00> : vector<1x32xf32>
      %dot_general3A_200 = tpu.matmul %slice3A_198, %get3A_197, %dot_general3A_199 {dimension_numbers = #tpu.dot_dimension_numbers<[1], [1], [0], [0], [0, 0, 1, 0], [], []>, transpose_lhs_hint = false} : vector<1x768xf32>, vector<32x768xf32>, vector<1x32xf32> -> vector<1x32xf32>
      %get3A_201 = arith.constant 160 : index
      %get3A_202 = arith.constant 0 : index
      %get3A_203 = vector.load %arg7[%get3A_201, %get3A_202] : memref<512x768xf32, #tpu.memory_space<vmem>>, vector<32x768xf32>
      %slice3A_204 = vector.extract_strided_slice %get3A_172 {offsets = [5, 0], sizes = [1, 768], strides = [1, 1]} : vector<16x768xf32> to vector<1x768xf32>
      %dot_general3A_205 = arith.constant dense<0.000000e+00> : vector<1x32xf32>
      %dot_general3A_206 = tpu.matmul %slice3A_204, %get3A_203, %dot_general3A_205 {dimension_numbers = #tpu.dot_dimension_numbers<[1], [1], [0], [0], [0, 0, 1, 0], [], []>, transpose_lhs_hint = false} : vector<1x768xf32>, vector<32x768xf32>, vector<1x32xf32> -> vector<1x32xf32>
      %get3A_207 = arith.constant 192 : index
      %get3A_208 = arith.constant 0 : index
      %get3A_209 = vector.load %arg7[%get3A_207, %get3A_208] : memref<512x768xf32, #tpu.memory_space<vmem>>, vector<32x768xf32>
      %slice3A_210 = vector.extract_strided_slice %get3A_172 {offsets = [6, 0], sizes = [1, 768], strides = [1, 1]} : vector<16x768xf32> to vector<1x768xf32>
      %dot_general3A_211 = arith.constant dense<0.000000e+00> : vector<1x32xf32>
      %dot_general3A_212 = tpu.matmul %slice3A_210, %get3A_209, %dot_general3A_211 {dimension_numbers = #tpu.dot_dimension_numbers<[1], [1], [0], [0], [0, 0, 1, 0], [], []>, transpose_lhs_hint = false} : vector<1x768xf32>, vector<32x768xf32>, vector<1x32xf32> -> vector<1x32xf32>
      %get3A_213 = arith.constant 224 : index
      %get3A_214 = arith.constant 0 : index
      %get3A_215 = vector.load %arg7[%get3A_213, %get3A_214] : memref<512x768xf32, #tpu.memory_space<vmem>>, vector<32x768xf32>
      %slice3A_216 = vector.extract_strided_slice %get3A_172 {offsets = [7, 0], sizes = [1, 768], strides = [1, 1]} : vector<16x768xf32> to vector<1x768xf32>
      %dot_general3A_217 = arith.constant dense<0.000000e+00> : vector<1x32xf32>
      %dot_general3A_218 = tpu.matmul %slice3A_216, %get3A_215, %dot_general3A_217 {dimension_numbers = #tpu.dot_dimension_numbers<[1], [1], [0], [0], [0, 0, 1, 0], [], []>, transpose_lhs_hint = false} : vector<1x768xf32>, vector<32x768xf32>, vector<1x32xf32> -> vector<1x32xf32>
      %get3A_219 = arith.constant 256 : index
      %get3A_220 = arith.constant 0 : index
      %get3A_221 = vector.load %arg7[%get3A_219, %get3A_220] : memref<512x768xf32, #tpu.memory_space<vmem>>, vector<32x768xf32>
      %slice3A_222 = vector.extract_strided_slice %get3A_172 {offsets = [8, 0], sizes = [1, 768], strides = [1, 1]} : vector<16x768xf32> to vector<1x768xf32>
      %dot_general3A_223 = arith.constant dense<0.000000e+00> : vector<1x32xf32>
      %dot_general3A_224 = tpu.matmul %slice3A_222, %get3A_221, %dot_general3A_223 {dimension_numbers = #tpu.dot_dimension_numbers<[1], [1], [0], [0], [0, 0, 1, 0], [], []>, transpose_lhs_hint = false} : vector<1x768xf32>, vector<32x768xf32>, vector<1x32xf32> -> vector<1x32xf32>
      %get3A_225 = arith.constant 288 : index
      %get3A_226 = arith.constant 0 : index
      %get3A_227 = vector.load %arg7[%get3A_225, %get3A_226] : memref<512x768xf32, #tpu.memory_space<vmem>>, vector<32x768xf32>
      %slice3A_228 = vector.extract_strided_slice %get3A_172 {offsets = [9, 0], sizes = [1, 768], strides = [1, 1]} : vector<16x768xf32> to vector<1x768xf32>
      %dot_general3A_229 = arith.constant dense<0.000000e+00> : vector<1x32xf32>
      %dot_general3A_230 = tpu.matmul %slice3A_228, %get3A_227, %dot_general3A_229 {dimension_numbers = #tpu.dot_dimension_numbers<[1], [1], [0], [0], [0, 0, 1, 0], [], []>, transpose_lhs_hint = false} : vector<1x768xf32>, vector<32x768xf32>, vector<1x32xf32> -> vector<1x32xf32>
      %get3A_231 = arith.constant 320 : index
      %get3A_232 = arith.constant 0 : index
      %get3A_233 = vector.load %arg7[%get3A_231, %get3A_232] : memref<512x768xf32, #tpu.memory_space<vmem>>, vector<32x768xf32>
      %slice3A_234 = vector.extract_strided_slice %get3A_172 {offsets = [10, 0], sizes = [1, 768], strides = [1, 1]} : vector<16x768xf32> to vector<1x768xf32>
      %dot_general3A_235 = arith.constant dense<0.000000e+00> : vector<1x32xf32>
      %dot_general3A_236 = tpu.matmul %slice3A_234, %get3A_233, %dot_general3A_235 {dimension_numbers = #tpu.dot_dimension_numbers<[1], [1], [0], [0], [0, 0, 1, 0], [], []>, transpose_lhs_hint = false} : vector<1x768xf32>, vector<32x768xf32>, vector<1x32xf32> -> vector<1x32xf32>
      %get3A_237 = arith.constant 352 : index
      %get3A_238 = arith.constant 0 : index
      %get3A_239 = vector.load %arg7[%get3A_237, %get3A_238] : memref<512x768xf32, #tpu.memory_space<vmem>>, vector<32x768xf32>
      %slice3A_240 = vector.extract_strided_slice %get3A_172 {offsets = [11, 0], sizes = [1, 768], strides = [1, 1]} : vector<16x768xf32> to vector<1x768xf32>
      %dot_general3A_241 = arith.constant dense<0.000000e+00> : vector<1x32xf32>
      %dot_general3A_242 = tpu.matmul %slice3A_240, %get3A_239, %dot_general3A_241 {dimension_numbers = #tpu.dot_dimension_numbers<[1], [1], [0], [0], [0, 0, 1, 0], [], []>, transpose_lhs_hint = false} : vector<1x768xf32>, vector<32x768xf32>, vector<1x32xf32> -> vector<1x32xf32>
      %get3A_243 = arith.constant 384 : index
      %get3A_244 = arith.constant 0 : index
      %get3A_245 = vector.load %arg7[%get3A_243, %get3A_244] : memref<512x768xf32, #tpu.memory_space<vmem>>, vector<32x768xf32>
      %slice3A_246 = vector.extract_strided_slice %get3A_172 {offsets = [12, 0], sizes = [1, 768], strides = [1, 1]} : vector<16x768xf32> to vector<1x768xf32>
      %dot_general3A_247 = arith.constant dense<0.000000e+00> : vector<1x32xf32>
      %dot_general3A_248 = tpu.matmul %slice3A_246, %get3A_245, %dot_general3A_247 {dimension_numbers = #tpu.dot_dimension_numbers<[1], [1], [0], [0], [0, 0, 1, 0], [], []>, transpose_lhs_hint = false} : vector<1x768xf32>, vector<32x768xf32>, vector<1x32xf32> -> vector<1x32xf32>
      %get3A_249 = arith.constant 416 : index
      %get3A_250 = arith.constant 0 : index
      %get3A_251 = vector.load %arg7[%get3A_249, %get3A_250] : memref<512x768xf32, #tpu.memory_space<vmem>>, vector<32x768xf32>
      %slice3A_252 = vector.extract_strided_slice %get3A_172 {offsets = [13, 0], sizes = [1, 768], strides = [1, 1]} : vector<16x768xf32> to vector<1x768xf32>
      %dot_general3A_253 = arith.constant dense<0.000000e+00> : vector<1x32xf32>
      %dot_general3A_254 = tpu.matmul %slice3A_252, %get3A_251, %dot_general3A_253 {dimension_numbers = #tpu.dot_dimension_numbers<[1], [1], [0], [0], [0, 0, 1, 0], [], []>, transpose_lhs_hint = false} : vector<1x768xf32>, vector<32x768xf32>, vector<1x32xf32> -> vector<1x32xf32>
      %get3A_255 = arith.constant 448 : index
      %get3A_256 = arith.constant 0 : index
      %get3A_257 = vector.load %arg7[%get3A_255, %get3A_256] : memref<512x768xf32, #tpu.memory_space<vmem>>, vector<32x768xf32>
      %slice3A_258 = vector.extract_strided_slice %get3A_172 {offsets = [14, 0], sizes = [1, 768], strides = [1, 1]} : vector<16x768xf32> to vector<1x768xf32>
      %dot_general3A_259 = arith.constant dense<0.000000e+00> : vector<1x32xf32>
      %dot_general3A_260 = tpu.matmul %slice3A_258, %get3A_257, %dot_general3A_259 {dimension_numbers = #tpu.dot_dimension_numbers<[1], [1], [0], [0], [0, 0, 1, 0], [], []>, transpose_lhs_hint = false} : vector<1x768xf32>, vector<32x768xf32>, vector<1x32xf32> -> vector<1x32xf32>
      %get3A_261 = arith.constant 480 : index
      %get3A_262 = arith.constant 0 : index
      %get3A_263 = vector.load %arg7[%get3A_261, %get3A_262] : memref<512x768xf32, #tpu.memory_space<vmem>>, vector<32x768xf32>
      %slice3A_264 = vector.extract_strided_slice %get3A_172 {offsets = [15, 0], sizes = [1, 768], strides = [1, 1]} : vector<16x768xf32> to vector<1x768xf32>
      %dot_general3A_265 = arith.constant dense<0.000000e+00> : vector<1x32xf32>
      %dot_general3A_266 = tpu.matmul %slice3A_264, %get3A_263, %dot_general3A_265 {dimension_numbers = #tpu.dot_dimension_numbers<[1], [1], [0], [0], [0, 0, 1, 0], [], []>, transpose_lhs_hint = false} : vector<1x768xf32>, vector<32x768xf32>, vector<1x32xf32> -> vector<1x32xf32>
      %concatenate3A = tpu.concatenate %dot_general3A_176, %dot_general3A_182, %dot_general3A_188, %dot_general3A_194, %dot_general3A_200, %dot_general3A_206, %dot_general3A_212, %dot_general3A_218, %dot_general3A_224, %dot_general3A_230, %dot_general3A_236, %dot_general3A_242, %dot_general3A_248, %dot_general3A_254, %dot_general3A_260, %dot_general3A_266 in 0 : vector<1x32xf32>, vector<1x32xf32>, vector<1x32xf32>, vector<1x32xf32>, vector<1x32xf32>, vector<1x32xf32>, vector<1x32xf32>, vector<1x32xf32>, vector<1x32xf32>, vector<1x32xf32>, vector<1x32xf32>, vector<1x32xf32>, vector<1x32xf32>, vector<1x32xf32>, vector<1x32xf32>, vector<1x32xf32> -> vector<16x32xf32>
      %get3A_267 = arith.constant 0 : index
      %get3A_268 = arith.constant 0 : index
      %get3A_269 = vector.load %arg8[%get3A_267, %get3A_268] : memref<16x32xf32, #tpu.memory_space<vmem>>, vector<16x32xf32>
      %add3A_270 = arith.addf %concatenate3A, %get3A_269 : vector<16x32xf32>
      %reduce_max3A = arith.constant dense<0xFF800000> : vector<16xf32>
      %reduce_max3A_271 = vector.multi_reduction <maximumf>, %add3A_270, %reduce_max3A [1] : vector<16x32xf32> to vector<16xf32>
      %broadcast_in_dim3A = vector.shape_cast %reduce_max3A_271 : vector<16xf32> to vector<16x1xf32>
      %sub3A_272 = vector.broadcast %broadcast_in_dim3A : vector<16x1xf32> to vector<16x32xf32>
      %sub3A_273 = arith.subf %add3A_270, %sub3A_272 : vector<16x32xf32>
      %exp3A = math.exp %sub3A_273 : vector<16x32xf32>
      %reduce_sum3A = arith.constant dense<0.000000e+00> : vector<16xf32>
      %reduce_sum3A_274 = vector.multi_reduction <add>, %exp3A, %reduce_sum3A [1] : vector<16x32xf32> to vector<16xf32>
      %broadcast_in_dim3A_275 = vector.shape_cast %reduce_sum3A_274 : vector<16xf32> to vector<16x1xf32>
      %log3A = math.log %broadcast_in_dim3A_275 : vector<16x1xf32>
      %add3A_276 = arith.addf %log3A, %broadcast_in_dim3A : vector<16x1xf32>
      %iota3A = tpu.iota {dimensions = array<i32: 1>} : vector<16x32xi32>
      %get3A_277 = arith.constant 0 : index
      %get3A_278 = arith.constant 0 : index
      %get3A_279 = vector.load %arg9[%get3A_277, %get3A_278] : memref<16x1xi32, #tpu.memory_space<vmem>>, vector<16x1xi32>
      %eq3A_280 = vector.broadcast %get3A_279 : vector<16x1xi32> to vector<16x32xi32>
      %eq3A_281 = arith.cmpi eq, %iota3A, %eq3A_280 : vector<16x32xi32>
      %jit3A_282 = arith.constant 0.000000e+00 : f32
      %broadcast_in_dim3A_283 = vector.broadcast %jit3A_282 : f32 to vector<16x32xf32>
      %select_n3A_284 = arith.select %eq3A_281, %add3A_270, %broadcast_in_dim3A_283 : vector<16x32xi1>, vector<16x32xf32>
      %reduce_sum3A_285 = arith.constant dense<0.000000e+00> : vector<16xf32>
      %reduce_sum3A_286 = vector.multi_reduction <add>, %select_n3A_284, %reduce_sum3A_285 [1] : vector<16x32xf32> to vector<16xf32>
      %broadcast_in_dim3A_287 = vector.shape_cast %reduce_sum3A_286 : vector<16xf32> to vector<16x1xf32>
      %sub3A_288 = arith.subf %add3A_276, %broadcast_in_dim3A_287 : vector<16x1xf32>
      %mul3A = arith.constant 6.250000e-02 : f32
      %mul3A_289 = vector.broadcast %mul3A : f32 to vector<16x1xf32>
      %mul3A_290 = arith.mulf %sub3A_288, %mul3A_289 : vector<16x1xf32>
      %reduce_sum3A_291 = arith.constant dense<0.000000e+00> : vector<1xf32>
      %reduce_sum3A_292 = vector.multi_reduction <add>, %mul3A_290, %reduce_sum3A_291 [0] : vector<16x1xf32> to vector<1xf32>
      %broadcast_in_dim3A_293 = vector.shape_cast %reduce_sum3A_292 : vector<1xf32> to vector<1x1xf32>
      %swap3A = arith.constant 0 : index
      %swap3A_294 = arith.constant 0 : index
      %swap3A_295 = vector.load %arg10[%swap3A, %swap3A_294] : memref<1x1xf32, #tpu.memory_space<vmem>>, vector<1x1xf32>
      tpu.vector_store %arg10[%swap3A, %swap3A_294], %broadcast_in_dim3A_293 {strides = array<i32>} : memref<1x1xf32, #tpu.memory_space<vmem>>, vector<1x1xf32>,
      %eq3A_296 = vector.broadcast %broadcast_in_dim3A : vector<16x1xf32> to vector<16x32xf32>
      %eq3A_297 = arith.cmpf oeq, %add3A_270, %eq3A_296 : vector<16x32xf32>
      %jit3A_298 = arith.constant 32 : i32
      %broadcast_in_dim3A_299 = vector.broadcast %jit3A_298 : i32 to vector<16x32xi32>
      %select_n3A_300 = arith.select %eq3A_297, %iota3A, %broadcast_in_dim3A_299 : vector<16x32xi1>, vector<16x32xi32>
      %reduce_min3A = arith.constant dense<2147483647> : vector<16xi32>
      %reduce_min3A_301 = vector.multi_reduction <minsi>, %select_n3A_300, %reduce_min3A [1] : vector<16x32xi32> to vector<16xi32>
      %broadcast_in_dim3A_302 = vector.shape_cast %reduce_min3A_301 : vector<16xi32> to vector<16x1xi32>
      %eq3A_303 = arith.cmpi eq, %broadcast_in_dim3A_302, %get3A_279 : vector<16x1xi32>
      %convert_element_type3A_304 = arith.extui %eq3A_303 : vector<16x1xi1> to vector<16x1xi32>
      %swap3A_305 = arith.constant 0 : index
      %swap3A_306 = arith.constant 0 : index
      %swap3A_307 = vector.load %arg11[%swap3A_305, %swap3A_306] : memref<16x1xi32, #tpu.memory_space<vmem>>, vector<16x1xi32>
      tpu.vector_store %arg11[%swap3A_305, %swap3A_306], %convert_element_type3A_304 {strides = array<i32>} : memref<16x1xi32, #tpu.memory_space<vmem>>, vector<16x1xi32>,
    } else {
    }
    return
  }
  func.func @transform_0(%arg0: i32, %arg1: memref<32xi32, #tpu.memory_space<smem>>) -> (i32, i32) {
    %get3A = arith.constant 0 : index
    %get3A_0 = memref.load %arg1[%get3A] : memref<32xi32, #tpu.memory_space<smem>>
    %get3A_1 = arith.constant 1 : index
    %get3A_2 = memref.load %arg1[%get3A_1] : memref<32xi32, #tpu.memory_space<smem>>
    %add3A = arith.constant 1 : i32
    %add3A_3 = arith.addi %get3A_0, %add3A : i32
    %max3A = arith.maxsi %get3A_2, %add3A_3 : i32
    %sub3A = arith.subi %max3A, %get3A_0 : i32
    %add3A_4 = arith.constant 0 : i32
    %add3A_5 = arith.addi %add3A_4, %sub3A : i32
    %get3A_6 = arith.constant 2 : index
    %get3A_7 = memref.load %arg1[%get3A_6] : memref<32xi32, #tpu.memory_space<smem>>
    %get3A_8 = arith.constant 3 : index
    %get3A_9 = memref.load %arg1[%get3A_8] : memref<32xi32, #tpu.memory_space<smem>>
    %add3A_10 = arith.constant 1 : i32
    %add3A_11 = arith.addi %get3A_7, %add3A_10 : i32
    %max3A_12 = arith.maxsi %get3A_9, %add3A_11 : i32
    %sub3A_13 = arith.subi %max3A_12, %get3A_7 : i32
    %add3A_14 = arith.addi %add3A_5, %sub3A_13 : i32
    %get3A_15 = arith.constant 4 : index
    %get3A_16 = memref.load %arg1[%get3A_15] : memref<32xi32, #tpu.memory_space<smem>>
    %get3A_17 = arith.constant 5 : index
    %get3A_18 = memref.load %arg1[%get3A_17] : memref<32xi32, #tpu.memory_space<smem>>
    %add3A_19 = arith.constant 1 : i32
    %add3A_20 = arith.addi %get3A_16, %add3A_19 : i32
    %max3A_21 = arith.maxsi %get3A_18, %add3A_20 : i32
    %sub3A_22 = arith.subi %max3A_21, %get3A_16 : i32
    %add3A_23 = arith.addi %add3A_14, %sub3A_22 : i32
    %get3A_24 = arith.constant 6 : index
    %get3A_25 = memref.load %arg1[%get3A_24] : memref<32xi32, #tpu.memory_space<smem>>
    %get3A_26 = arith.constant 7 : index
    %get3A_27 = memref.load %arg1[%get3A_26] : memref<32xi32, #tpu.memory_space<smem>>
    %add3A_28 = arith.constant 1 : i32
    %add3A_29 = arith.addi %get3A_25, %add3A_28 : i32
    %max3A_30 = arith.maxsi %get3A_27, %add3A_29 : i32
    %sub3A_31 = arith.subi %max3A_30, %get3A_25 : i32
    %add3A_32 = arith.addi %add3A_23, %sub3A_31 : i32
    %get3A_33 = arith.constant 8 : index
    %get3A_34 = memref.load %arg1[%get3A_33] : memref<32xi32, #tpu.memory_space<smem>>
    %get3A_35 = arith.constant 9 : index
    %get3A_36 = memref.load %arg1[%get3A_35] : memref<32xi32, #tpu.memory_space<smem>>
    %add3A_37 = arith.constant 1 : i32
    %add3A_38 = arith.addi %get3A_34, %add3A_37 : i32
    %max3A_39 = arith.maxsi %get3A_36, %add3A_38 : i32
    %sub3A_40 = arith.subi %max3A_39, %get3A_34 : i32
    %add3A_41 = arith.addi %add3A_32, %sub3A_40 : i32
    %get3A_42 = arith.constant 10 : index
    %get3A_43 = memref.load %arg1[%get3A_42] : memref<32xi32, #tpu.memory_space<smem>>
    %get3A_44 = arith.constant 11 : index
    %get3A_45 = memref.load %arg1[%get3A_44] : memref<32xi32, #tpu.memory_space<smem>>
    %add3A_46 = arith.constant 1 : i32
    %add3A_47 = arith.addi %get3A_43, %add3A_46 : i32
    %max3A_48 = arith.maxsi %get3A_45, %add3A_47 : i32
    %sub3A_49 = arith.subi %max3A_48, %get3A_43 : i32
    %add3A_50 = arith.addi %add3A_41, %sub3A_49 : i32
    %get3A_51 = arith.constant 12 : index
    %get3A_52 = memref.load %arg1[%get3A_51] : memref<32xi32, #tpu.memory_space<smem>>
    %get3A_53 = arith.constant 13 : index
    %get3A_54 = memref.load %arg1[%get3A_53] : memref<32xi32, #tpu.memory_space<smem>>
    %add3A_55 = arith.constant 1 : i32
    %add3A_56 = arith.addi %get3A_52, %add3A_55 : i32
    %max3A_57 = arith.maxsi %get3A_54, %add3A_56 : i32
    %sub3A_58 = arith.subi %max3A_57, %get3A_52 : i32
    %add3A_59 = arith.addi %add3A_50, %sub3A_58 : i32
    %get3A_60 = arith.constant 14 : index
    %get3A_61 = memref.load %arg1[%get3A_60] : memref<32xi32, #tpu.memory_space<smem>>
    %get3A_62 = arith.constant 15 : index
    %get3A_63 = memref.load %arg1[%get3A_62] : memref<32xi32, #tpu.memory_space<smem>>
    %add3A_64 = arith.constant 1 : i32
    %add3A_65 = arith.addi %get3A_61, %add3A_64 : i32
    %max3A_66 = arith.maxsi %get3A_63, %add3A_65 : i32
    %sub3A_67 = arith.subi %max3A_66, %get3A_61 : i32
    %add3A_68 = arith.addi %add3A_59, %sub3A_67 : i32
    %get3A_69 = arith.constant 16 : index
    %get3A_70 = memref.load %arg1[%get3A_69] : memref<32xi32, #tpu.memory_space<smem>>
    %get3A_71 = arith.constant 17 : index
    %get3A_72 = memref.load %arg1[%get3A_71] : memref<32xi32, #tpu.memory_space<smem>>
    %add3A_73 = arith.constant 1 : i32
    %add3A_74 = arith.addi %get3A_70, %add3A_73 : i32
    %max3A_75 = arith.maxsi %get3A_72, %add3A_74 : i32
    %sub3A_76 = arith.subi %max3A_75, %get3A_70 : i32
    %add3A_77 = arith.addi %add3A_68, %sub3A_76 : i32
    %get3A_78 = arith.constant 18 : index
    %get3A_79 = memref.load %arg1[%get3A_78] : memref<32xi32, #tpu.memory_space<smem>>
    %get3A_80 = arith.constant 19 : index
    %get3A_81 = memref.load %arg1[%get3A_80] : memref<32xi32, #tpu.memory_space<smem>>
    %add3A_82 = arith.constant 1 : i32
    %add3A_83 = arith.addi %get3A_79, %add3A_82 : i32
    %max3A_84 = arith.maxsi %get3A_81, %add3A_83 : i32
    %sub3A_85 = arith.subi %max3A_84, %get3A_79 : i32
    %add3A_86 = arith.addi %add3A_77, %sub3A_85 : i32
    %get3A_87 = arith.constant 20 : index
    %get3A_88 = memref.load %arg1[%get3A_87] : memref<32xi32, #tpu.memory_space<smem>>
    %get3A_89 = arith.constant 21 : index
    %get3A_90 = memref.load %arg1[%get3A_89] : memref<32xi32, #tpu.memory_space<smem>>
    %add3A_91 = arith.constant 1 : i32
    %add3A_92 = arith.addi %get3A_88, %add3A_91 : i32
    %max3A_93 = arith.maxsi %get3A_90, %add3A_92 : i32
    %sub3A_94 = arith.subi %max3A_93, %get3A_88 : i32
    %add3A_95 = arith.addi %add3A_86, %sub3A_94 : i32
    %get3A_96 = arith.constant 22 : index
    %get3A_97 = memref.load %arg1[%get3A_96] : memref<32xi32, #tpu.memory_space<smem>>
    %get3A_98 = arith.constant 23 : index
    %get3A_99 = memref.load %arg1[%get3A_98] : memref<32xi32, #tpu.memory_space<smem>>
    %add3A_100 = arith.constant 1 : i32
    %add3A_101 = arith.addi %get3A_97, %add3A_100 : i32
    %max3A_102 = arith.maxsi %get3A_99, %add3A_101 : i32
    %sub3A_103 = arith.subi %max3A_102, %get3A_97 : i32
    %add3A_104 = arith.addi %add3A_95, %sub3A_103 : i32
    %get3A_105 = arith.constant 24 : index
    %get3A_106 = memref.load %arg1[%get3A_105] : memref<32xi32, #tpu.memory_space<smem>>
    %get3A_107 = arith.constant 25 : index
    %get3A_108 = memref.load %arg1[%get3A_107] : memref<32xi32, #tpu.memory_space<smem>>
    %add3A_109 = arith.constant 1 : i32
    %add3A_110 = arith.addi %get3A_106, %add3A_109 : i32
    %max3A_111 = arith.maxsi %get3A_108, %add3A_110 : i32
    %sub3A_112 = arith.subi %max3A_111, %get3A_106 : i32
    %add3A_113 = arith.addi %add3A_104, %sub3A_112 : i32
    %get3A_114 = arith.constant 26 : index
    %get3A_115 = memref.load %arg1[%get3A_114] : memref<32xi32, #tpu.memory_space<smem>>
    %get3A_116 = arith.constant 27 : index
    %get3A_117 = memref.load %arg1[%get3A_116] : memref<32xi32, #tpu.memory_space<smem>>
    %add3A_118 = arith.constant 1 : i32
    %add3A_119 = arith.addi %get3A_115, %add3A_118 : i32
    %max3A_120 = arith.maxsi %get3A_117, %add3A_119 : i32
    %sub3A_121 = arith.subi %max3A_120, %get3A_115 : i32
    %add3A_122 = arith.addi %add3A_113, %sub3A_121 : i32
    %get3A_123 = arith.constant 28 : index
    %get3A_124 = memref.load %arg1[%get3A_123] : memref<32xi32, #tpu.memory_space<smem>>
    %get3A_125 = arith.constant 29 : index
    %get3A_126 = memref.load %arg1[%get3A_125] : memref<32xi32, #tpu.memory_space<smem>>
    %add3A_127 = arith.constant 1 : i32
    %add3A_128 = arith.addi %get3A_124, %add3A_127 : i32
    %max3A_129 = arith.maxsi %get3A_126, %add3A_128 : i32
    %sub3A_130 = arith.subi %max3A_129, %get3A_124 : i32
    %add3A_131 = arith.addi %add3A_122, %sub3A_130 : i32
    %get3A_132 = arith.constant 30 : index
    %get3A_133 = memref.load %arg1[%get3A_132] : memref<32xi32, #tpu.memory_space<smem>>
    %get3A_134 = arith.constant 31 : index
    %get3A_135 = memref.load %arg1[%get3A_134] : memref<32xi32, #tpu.memory_space<smem>>
    %add3A_136 = arith.constant 1 : i32
    %add3A_137 = arith.addi %get3A_133, %add3A_136 : i32
    %max3A_138 = arith.maxsi %get3A_135, %add3A_137 : i32
    %sub3A_139 = arith.subi %max3A_138, %get3A_133 : i32
    %add3A_140 = arith.addi %add3A_131, %sub3A_139 : i32
    %add3A_141 = arith.constant 511 : i32
    %add3A_142 = arith.addi %add3A_140, %add3A_141 : i32
    %jit3A = arith.constant 512 : i32
    %div3A = arith.divsi %add3A_142, %jit3A : i32
    %sign3A = arith.constant 0 : i32
    %sign3A_143 = arith.cmpi sgt, %add3A_142, %sign3A : i32
    %sign3A_144 = arith.extui %sign3A_143 : i1 to i32
    %sign3A_145 = arith.constant 0 : i32
    %sign3A_146 = arith.cmpi slt, %add3A_142, %sign3A_145 : i32
    %sign3A_147 = arith.extui %sign3A_146 : i1 to i32
    %sign3A_148 = arith.subi %sign3A_144, %sign3A_147 : i32
    %sign3A_149 = arith.constant 0 : i32
    %sign3A_150 = arith.cmpi sgt, %jit3A, %sign3A_149 : i32
    %sign3A_151 = arith.extui %sign3A_150 : i1 to i32
    %sign3A_152 = arith.constant 0 : i32
    %sign3A_153 = arith.cmpi slt, %jit3A, %sign3A_152 : i32
    %sign3A_154 = arith.extui %sign3A_153 : i1 to i32
    %sign3A_155 = arith.subi %sign3A_151, %sign3A_154 : i32
    %ne3A = arith.cmpi ne, %sign3A_148, %sign3A_155 : i32
    %rem3A = arith.remsi %add3A_142, %jit3A : i32
    %ne3A_156 = arith.constant 0 : i32
    %ne3A_157 = arith.cmpi ne, %rem3A, %ne3A_156 : i32
    %and3A = arith.andi %ne3A, %ne3A_157 : i1
    %sub3A_158 = arith.constant 1 : i32
    %sub3A_159 = arith.subi %div3A, %sub3A_158 : i32
    %select_n3A = arith.select %and3A, %sub3A_159, %div3A : i32
    %sub3A_160 = arith.constant 1 : i32
    %sub3A_161 = arith.subi %select_n3A, %sub3A_160 : i32
    %min3A = arith.minsi %arg0, %sub3A_161 : i32
    %c0_i32 = arith.constant 0 : i32
    %c0_i32_162 = arith.constant 0 : i32
    return %min3A, %c0_i32 : i32, i32
  }
  func.func @transform_1(%arg0: i32, %arg1: memref<32xi32, #tpu.memory_space<smem>>) -> (i32, i32) {
    %c0_i32 = arith.constant 0 : i32
    %c0_i32_0 = arith.constant 0 : i32
    %c0_i32_1 = arith.constant 0 : i32
    return %c0_i32, %c0_i32_0 : i32, i32
  }
  func.func @transform_2(%arg0: i32, %arg1: memref<32xi32, #tpu.memory_space<smem>>) -> (i32, i32) {
    %c0_i32 = arith.constant 0 : i32
    %c0_i32_0 = arith.constant 0 : i32
    %c0_i32_1 = arith.constant 0 : i32
    return %c0_i32, %c0_i32_0 : i32, i32
  }
  func.func @transform_3(%arg0: i32, %arg1: memref<32xi32, #tpu.memory_space<smem>>) -> (i32, i32) {
    %c0_i32 = arith.constant 0 : i32
    %c0_i32_0 = arith.constant 0 : i32
    %c0_i32_1 = arith.constant 0 : i32
    return %c0_i32, %c0_i32_0 : i32, i32
  }
  func.func @transform_4(%arg0: i32, %arg1: memref<32xi32, #tpu.memory_space<smem>>) -> (i32, i32) {
    %c0_i32 = arith.constant 0 : i32
    %c0_i32_0 = arith.constant 0 : i32
    %c0_i32_1 = arith.constant 0 : i32
    return %c0_i32, %c0_i32_0 : i32, i32
  }
  func.func @transform_5(%arg0: i32, %arg1: memref<32xi32, #tpu.memory_space<smem>>) -> (i32, i32) {
    %c0_i32 = arith.constant 0 : i32
    %c0_i32_0 = arith.constant 0 : i32
    %c0_i32_1 = arith.constant 0 : i32
    return %c0_i32, %c0_i32_0 : i32, i32
  }
  func.func @transform_6(%arg0: i32, %arg1: memref<32xi32, #tpu.memory_space<smem>>) -> (i32, i32) {
    %c0_i32 = arith.constant 0 : i32
    %c0_i32_0 = arith.constant 0 : i32
    %c0_i32_1 = arith.constant 0 : i32
    return %c0_i32, %c0_i32_0 : i32, i32
  }
  func.func @transform_7(%arg0: i32, %arg1: memref<32xi32, #tpu.memory_space<smem>>) -> (i32, i32) {
    %c0_i32 = arith.constant 0 : i32
    %c0_i32_0 = arith.constant 0 : i32
    %c0_i32_1 = arith.constant 0 : i32
    return %c0_i32, %c0_i32_0 : i32, i32
  }
  func.func @transform_8(%arg0: i32, %arg1: memref<32xi32, #tpu.memory_space<smem>>) -> (i32, i32) {
    %c0_i32 = arith.constant 0 : i32
    %c0_i32_0 = arith.constant 0 : i32
    %c0_i32_1 = arith.constant 0 : i32
    return %c0_i32, %c0_i32_0 : i32, i32
  }
  func.func @transform_9(%arg0: i32, %arg1: memref<32xi32, #tpu.memory_space<smem>>) -> (i32, i32) {
    %c0_i32 = arith.constant 0 : i32
    %c0_i32_0 = arith.constant 0 : i32
    %c0_i32_1 = arith.constant 0 : i32
    return %c0_i32, %c0_i32_0 : i32, i32
  }
}

</mosaic_0001>

<sc_bundles>
// kernel: kernel.4.cloned.1.call-start
scs
__scs_entry_jumppad:
0x0: {  	(pc) =	sbr.rel $0x88, $3  }
0x1: {  	(tag) =	ssettag $0x0;
	lr =	simm.s32 $0x1  }
0x2: {  	[smem:$0x3F98] =	sst lr;
	_ =	strace $0xD0000000  }
0x3: {  	_ = 	snop  }
0x4: {  	_ = 	snop  }
0x5: {  	_ = 	snop  }
0x6: {  	_ = 	snop  }
0x7: {  	_ = 	snop  }
__scs_overlays_trampoline_lowered:
0x8: {  	[smem:$0x3FA7] =	sst s0  }
0x9: {  	[smem:$0x3FA8] =	sst s1  }
0xa: {  	[smem:$0x3FA9] =	sst s2  }
0xb: {  	[smem:$0x3FAA] =	sst s3  }
0xc: {  	[smem:$0x3FAB] =	sst s4  }
0xd: {  	[smem:$0x3FAC] =	sst s5  }
0xe: {  	[smem:$0x3FAD] =	sst s6  }
0xf: {  	[smem:$0x3FAE] =	sst s7  }
0x10: {  	[smem:$0x3FAF] =	sst s8  }
0x11: {  	[smem:$0x3FB0] =	sst s9;
	s0 =	simm.s32 @!p0 $0x0  }
0x12: {  	s1 =	sld [smem:$0x3F96];
	s0 =	simm.s32 @p0 $0x1  }
0x13: {  	[smem:$0x3FB1] =	sst s0;
	s0 =	simm.s32 @!p1 $0x0  }
0x14: {  	s2 =	sld [smem:$0x3F95];
	s0 =	simm.s32 @p1 $0x1  }
0x15: {  	[smem:$0x3FB2] =	sst s0;
	s0 =	simm.s32 @!p2 $0x0  }
0x16: {  	s3 =	sld [smem:$0x3FDB];
	s0 =	simm.s32 @p2 $0x1  }
0x17: {  	s4 =	simm.s32 $0x1BF5;
	[smem:$0x3FB4] =	sst s0  }
0x18: {  	s0 =	sld [smem:$0x3F97];
	_ =	swait.ge [sflag:s4], $0x0  }
0x19: {  	s7 =	sld [smem:$0x3F98]  }
0x1a: {  	s8 =	sadd.s32 $0xFFFFE003, lr  }
0x1b: {  	s9 =	sadd.s32 $0xFFFFFEF7, lr;
	s5 =	simm.s32 $0xFFFFFFFF;
	p2 =	slt.u32 s8, $0xFFFFF086  }
0x1c: {  	p1 =	slt.u32 s9, $0xF7A;
	s5 =	simm.s32 @!p2 $0x0  }
0x1d: {  	s5 =	simm.s32 @p1 $0x1;
	p0 =	seq.s32 s7, s2  }
0x1e: {  	s7 =	smul.u32 @!p0 $0xF7A, s2;
	p2 =	seq.s32 @!p0 s5, $0x0  }
0x1f: {  	s9 =	smul.u32 $0xF7A, s1;
	s8 =	simm.s32 @!p0 $0x1BF5;
	p2 =	por !p2, p0  }
0x20: {  	[sflag:s8] =	ssyncset.s32 @!p0 $0xFFFFF086;
	s6 =	sadd.s32 @!p0 s3, s7;
	s7 =	simm.s32 @!p0 $0x108  }
0x21: {  	s3 =	sadd.s32 s3, s9;
	s6 =	sadd.s32 @!p0 $0x88, s6;
	s7 =	simm.s32 @p2 $0x1082  }
0x22: {  	[simem:s7], [sflag:s8] =	dma.local @!p0 [hbm:s6], $0xF7A  }
0x23: {  	s9 =	sor.u32 $0xD0000000, s2;
	s6 =	simm.s32 $0x108;
	_ =	swait.ge @!p0 [sflag:s8], $0x0  }
0x24: {  	s3 =	sadd.s32 $0x88, s3;
	s6 =	simm.s32 @!p1 $0x1082;
	[sflag:s4] =	ssyncset.s32 $0xFFFFF086  }
0x25: {  	[simem:s6], [sflag:s4] =	dma.local [hbm:s3], $0xF7A  }
0x26: {  	[smem:$0x3F98] =	sst s1;
	(tag) =	ssettag s2;
	_ =	strace s9  }
0x27: {  	s1 =	sld [smem:$0x3FA8]  }
0x28: {  	s2 =	sld [smem:$0x3FA9]  }
0x29: {  	s4 =	sld [smem:$0x3FAB]  }
0x2a: {  	p0 =	seq.s32 s5, $0x0;
	s5 =	sld [smem:$0x3FAC]  }
0x2b: {  	s6 =	sld [smem:$0x3FAD]  }
0x2c: {  	s7 =	sld [smem:$0x3FAE]  }
0x2d: {  	s3 =	simm.s32 $0x108;
	s8 =	sld [smem:$0x3FAF]  }
0x2e: {  	s3 =	simm.s32 @!p0 $0x1082;
	s9 =	sld [smem:$0x3FB0]  }
0x2f: {  	lr =	sadd.s32 s0, s3;
	s0 =	sld [smem:$0x3FA7]  }
0x30: {  	s3 =	sld [smem:$0x3FAA]  }
0x31: {  	[smem:$0x3FB3] =	sst s10  }
0x32: {  	s10 =	sld [smem:$0x3FB1];
	_ =	sdelay $0x3  }
0x33: {  	p0 =	seq.s32 s10, $0x1;
	s10 =	sld [smem:$0x3FB3];
	_ =	sdelay $0x3  }
0x34: {  	[smem:$0x3FB3] =	sst s10  }
0x35: {  	s10 =	sld [smem:$0x3FB2];
	_ =	sdelay $0x3  }
0x36: {  	p1 =	seq.s32 s10, $0x1;
	s10 =	sld [smem:$0x3FB3];
	_ =	sdelay $0x3  }
0x37: {  	[smem:$0x3FB3] =	sst s10  }
0x38: {  	s10 =	sld [smem:$0x3FB4]  }
0x39: {  	_ = 	snop;
	(pc) =	sbr.ind lr, $3  }
0x3a: {  	_ = 	snop  }
0x3b: {  	_ = 	snop  }
0x3c: {  	p2 =	seq.s32 s10, $0x1;
	s10 =	sld [smem:$0x3FB3]  }
0x3d: {  	_ =	shalt  }
0x3e: {  	_ =	shalt  }
0x3f: {  	_ =	shalt  }
0x40: {  	_ =	shalt  }
0x41: {  	_ =	shalt  }
0x42: {  	_ =	shalt  }
0x43: {  	_ =	shalt  }
0x44: {  	_ =	shalt  }
0x45: {  	_ =	shalt  }
0x46: {  	_ =	shalt  }
0x47: {  	_ =	shalt  }
0x48: {  	_ =	shalt  }
0x49: {  	_ =	shalt  }
0x4a: {  	_ =	shalt  }
0x4b: {  	_ =	shalt  }
0x4c: {  	_ =	shalt  }
0x4d: {  	_ =	shalt  }
0x4e: {  	_ =	shalt  }
0x4f: {  	_ =	shalt  }
0x50: {  	_ =	shalt  }
0x51: {  	_ =	shalt  }
0x52: {  	_ =	shalt  }
0x53: {  	_ =	shalt  }
0x54: {  	_ =	shalt  }
0x55: {  	_ =	shalt  }
0x56: {  	_ =	shalt  }
0x57: {  	_ =	shalt  }
0x58: {  	_ =	shalt  }
0x59: {  	_ =	shalt  }
0x5a: {  	_ =	shalt  }
0x5b: {  	_ =	shalt  }
0x5c: {  	_ =	shalt  }
0x5d: {  	_ =	shalt  }
0x5e: {  	_ =	shalt  }
0x5f: {  	_ =	shalt  }
0x60: {  	_ =	shalt  }
0x61: {  	_ =	shalt  }
0x62: {  	_ =	shalt  }
0x63: {  	_ =	shalt  }
0x64: {  	_ =	shalt  }
0x65: {  	_ =	shalt  }
0x66: {  	_ =	shalt  }
0x67: {  	_ =	shalt  }
0x68: {  	_ =	shalt  }
0x69: {  	_ =	shalt  }
0x6a: {  	_ =	shalt  }
0x6b: {  	_ =	shalt  }
0x6c: {  	_ =	shalt  }
0x6d: {  	_ =	shalt  }
0x6e: {  	_ =	shalt  }
0x6f: {  	_ =	shalt  }
0x70: {  	_ =	shalt  }
0x71: {  	_ =	shalt  }
0x72: {  	_ =	shalt  }
0x73: {  	_ =	shalt  }
0x74: {  	_ =	shalt  }
0x75: {  	_ =	shalt  }
0x76: {  	_ =	shalt  }
0x77: {  	_ =	shalt  }
0x78: {  	_ =	shalt  }
0x79: {  	_ =	shalt  }
0x7a: {  	_ =	shalt  }
0x7b: {  	_ =	shalt  }
0x7c: {  	_ =	shalt  }
0x7d: {  	_ =	shalt  }
0x7e: {  	_ =	shalt  }
0x7f: {  	_ =	shalt  }
0x80: {  	_ =	shalt  }
0x81: {  	_ =	shalt  }
0x82: {  	_ =	shalt  }
0x83: {  	_ =	shalt  }
0x84: {  	_ =	shalt  }
0x85: {  	_ =	shalt  }
0x86: {  	_ =	shalt  }
0x87: {  	_ =	shalt  }
.Lfunc_end0:
.L_simem_size_0:
called_computation_lowered:
.L_overlay_start_0:
0x88: {  	s2 =	sld [smem:$0x3FD9]  }
0x89: {  	s3 =	sld [smem:$0x3FFE];
	_ =	sdelay $0x1  }
0x8a: {  	s1 =	srdreg.scid  }
0x8b: {  	s0 =	sand.u32 $0x1, s1  }
0x8c: {  	s14 =	sshll.u32 s0, $0xA;
	s2 =	sadd.s32 s3, s2  }
0x8d: {  	s2 =	sadd.s32 s2, s14  }
0x8e: {  	[smem:$0x3FBF] =	sst s2  }
0x8f: {  	_ = 	snop  }
0x90: {  	s2 =	sld [smem:$0x3FD0];
	_ =	sdelay $0x1  }
0x91: {  	s15 =	sld [smem:$0x3FC5]  }
0x92: {  	s5 =	simm.s32 $0xA;
	s6 =	simm.s32 $0x10;
	s4 =	sld [smem:$0x3FC2]  }
0x93: {  	[smem:s6], [sflag:s5] =	dma.local [hbm:s2], $0x1  }
0x94: {  	_ =	swait.eq [sflag:s5], $0x1  }
0x95: {  	[sflag:s5] =	ssyncset.done $0x0  }
0x96: {  	[sflag:s5] =	ssyncadd.s32 $0xFFFFFFFF  }
0x97: {  	s16 =	sld [smem:$0x11];
	(tm) =	ssettm $0x1  }
0x98: {  	s17 =	sld [smem:$0x3FFB];
	_ =	sdelay $0x3  }
0x99: {  	_ =	strace s17  }
0x9a: {  	s5 =	sld [smem:$0x3FFC];
	_ =	sdelay $0x3  }
0x9b: {  	_ =	strace s5  }
0x9c: {  	s5 =	sld [smem:$0x3FFD];
	_ =	sdelay $0x3  }
0x9d: {  	_ =	strace s5  }
0x9e: {  	_ =	strace $0x8FFFFFFF  }
0x9f: {  	s18 =	sld [smem:$0x3FDB];
	_ =	sdelay $0x1  }
0xa0: {  	s19 =	simm.s32 $_scs_section_size  }
0xa1: {  	s7 =	simm.s32 $_size__tile_overlayer_lowered;
	s8 =	simm.s32 $_tile_overlayer_lowered  }
0xa2: {  	s22 =	simm.s32 $0x1BFF;
	s21 =	sshll.u32 s8, $0x1;
	s5 =	sadd.s32 s19, s18  }
0xa3: {  	s9 =	simm.s32 $0x0;
	s20 =	sshll.u32 s7, $0x1;
	s7 =	sadd.s32 s21, s5  }
0xa4: {  	[timem:s9], [sflag:s22] =	dma.local [hbm:s7], s20  }
0xa5: {  	_ =	swait.ge [sflag:s22], s20  }
0xa6: {  	s6 =	ssub.s32 $0x0, s20;
	[sflag:s22] =	ssyncset.done $0x0  }
0xa7: {  	[sflag:s22] =	ssyncadd.s32 s6;
	_ =	sdelay $0x1  }
0xa8: {  	s23 =	simm.s32 $0x1B8B  }
0xa9: {  	_ =	swait.ge [sflag:s23], $0x1  }
0xaa: {  	[sflag:s23] =	ssyncset.done $0x0  }
0xab: {  	s25 =	simm.s32 $0x1B8E;
	s24 =	sld [smem:$0x3FFE];
	[sflag:s23] =	ssyncadd.s32 $0xFFFFFFFF  }
0xac: {  	s26 =	simm.s32 $execute0_lowered;
	[smem:$0x3FD2] =	sst s25  }
0xad: {  	s7 =	sshll.u32 s26, $0x1;
	_ =	strace $0x80000046;
	[dreg:$0x1] =	wrdreg $0xFFFFFFFF  }
0xae: {  	s28 =	simm.s32 $_size_execute0_lowered;
	s5 =	sadd.s32 s5, s7;
	[dreg:$0x0] =	wrdreg $0x0  }
0xaf: {  	s7 =	sshll.u32 s28, $0x1;
	[dreg:$0x2] =	wrdreg s5  }
0xb0: {  	[dreg:$0x3] =	wrdreg s7  }
0xb1: {  	[dreg:$0x4] =	wrdreg $0xC0  }
0xb2: {  	_ =	task [dreg:s9], $0x5FFFF  }
0xb3: {  	[dreg:$0x1] =	wrdreg $0xFFFFFFFF  }
0xb4: {  	[dreg:$0x0] =	wrdreg $0x60  }
0xb5: {  	[dreg:$0x2] =	wrdreg s24  }
0xb6: {  	[dreg:$0x3] =	wrdreg s16  }
0xb7: {  	[dreg:$0x4] =	wrdreg s15  }
0xb8: {  	[dreg:$0x5] =	wrdreg s4  }
0xb9: {  	[dreg:$0x6] =	wrdreg $0x9  }
0xba: {  	_ =	task.clear_ibuf [dreg:s9], $0x7FFFF;
	_ =	strace $0x90000046  }
0xbb: {  	s29 =	simm.s32 $0x9;
	_ =	strace $0x80000048  }
0xbc: {  	_ =	swait.ge [sflag:s29], $0x1  }
0xbd: {  	[sflag:s29] =	ssyncadd.s32 $0xFFFFFFFF  }
0xbe: {  	_ =	strace $0x90000048  }
0xbf: {  	_ =	sfence  }
0xc0: {  	s30 =	sld [smem:$0x0];
	_ =	sdelay $0x2  }
0xc1: {  	s31 =	sshll.u32 s1, $0xD;
	s1 =	sshrl.u32 s1, $0x2  }
0xc2: {  	s3 =	sand.u32 $0x4000, s31;
	s1 =	sadd.s32 s1, s30  }
0xc3: {  	s0 =	sor.u32 s3, s0;
	s1 =	sshll.u32 s1, $0x11  }
0xc4: {  	s0 =	sor.u32 s1, s0  }
0xc5: {  	s0 =	sadd.s32 $0x8F2B, s0  }
0xc6: {  	[sflag:s0] =	ssyncadd.remote.s32 $0x1  }
0xc7: {  	_ =	sfence.sel $0xFFFF  }
0xc8: {  	[dreg:$0x0] =	wrdreg $0xFFFFFFFF;
	(pc) =	sbr.abs _section_cstart, $3  }
0xc9: {  	[dreg:$0x1] =	wrdreg $0xFFFFFFFF  }
0xca: {  	_ =	task.clear_ibuf [dreg:s9], $0x2FFFF;
	_ =	strace $0x9FFFFFFF  }
0xcb: {  	(tm) =	ssettm $0x7FFFFFFF  }
tec
execute0_lowered:
.L_overlay_start_1:
0x0: {  	(tag) =	ssettag $0x1  }
0x1: {  	s0 =	rddreg [dreg:$0x0]  }
0x2: {  	s3 =	rddreg [dreg:$0x2]  }
0x3: {  	s7 =	rddreg [dreg:$0x3]  }
0x4: {  	s1 =	srdreg.scid;
	s2 =	stileid.u32  }
0x5: {  	s5 =	simm.s32 $0x0;
	s10 =	simm.s32 $0x1B380;
	s17 =	simm.s32 $0x1E380  }
0x6: {  	s28 =	simm.s32 $0x5980;
	s18 =	simm.s32 $0xB980;
	s13 =	simm.s32 $0xE180  }
0x7: {  	s14 =	simm.s32 $0xE980;
	s29 =	simm.s32 $0xF200;
	s30 =	simm.s32 $0x3  }
0x8: {  	s11 =	simm.s32 $0x0;
	s1 =	sand.u32 $0x1, s1;
	s2 =	sshll.u32 s2, $0x1  }
0x9: {  	[smem:$0x7FF] =	sst s5;
	s4 =	sadd.s32 $0x2E00, s0;
	s19 =	sadd.s32 $0x1400, s0  }
0xa: {  	s9 =	sadd.s32 $0xFA00, s0;
	_ =	strace $0x80000047;
	[dreg:$0x6] =	wrdreg s4  }
0xb: {  	s6 =	sadd.s32 $0xF600, s0;
	s24 =	sadd.s32 $0x100, s7;
	[dreg:$0x7] =	wrdreg s19  }
0xc: {  	s25 =	sadd.s32 $0x200, s7;
	s15 =	sadd.s32 $0x100, s3;
	[dreg:$0x8] =	wrdreg s6  }
0xd: {  	s16 =	sadd.s32 $0x200, s3;
	s7 =	simm.s32 $0x4;
	[dreg:$0xb] =	wrdreg s24  }
0xe: {  	s8 =	sor.u32 s1, s2;
	s1 =	ssub.s32 $0x2, s1;
	[dreg:$0xc] =	wrdreg s25  }
0xf: {  	s24 =	simm.s32 $0x4180;
	s25 =	simm.s32 $0x4980;
	s19 =	simm.s32 $0xC180  }
0x10: {  	v0 =	vlaneseq.u32;
	s6 =	simm.s32 $0xC980;
	s2 =	smul.u32 $0x600, s8;
	s20 =	sshll.u32 s8, $0x1  }
0x11: {  	vm0 =	vmmov $0xffff;
	v6 =	vimm.s32 $0x20;
	v7 =	vimm.s32 $0x21;
	s21 =	sshrl.u32 s1, $0x1;
	[dreg:$0x5] =	wrdreg s8;
	p0 =	sne.s32 s8, $0x0  }
0x12: {  	v8 =	vimm.s32 $0x22;
	v9 =	vimm.s32 $0x23;
	v10 =	vimm.s32 $0x24;
	s4 =	sadd.s32 s20, s0;
	s22 =	ssub.s32 s1, s21;
	s21 =	simm.s32 $0x7  }
0x13: {  	v11 =	vimm.s32 $0x25;
	v12 =	vimm.s32 $0x26;
	v13 =	vimm.s32 $0x27;
	s1 =	simm.s32 $0x2080;
	s2 =	sadd.s32 s2, s0;
	s0 =	sadd.s32 $0xF800, s0  }
.Ltmp0:
0x14: {  	v14 =	vimm.s32 $0x28;
	v15 =	vimm.s32 $0x29;
	v16 =	vimm.s32 $0x2A;
	s23 =	sadd.s32 $0x3200, s4;
	[dreg:$0x9] =	wrdreg s0;
	(pc) =	sbr.rel .LBB2_1-.Ltmp0, $4  }
0x15: {  	v17 =	vimm.s32 $0x2B;
	v18 =	vimm.s32 $0x2C;
	v19 =	vimm.s32 $0x2D;
	s20 =	simm.s32 $0x3180;
	s31 =	sadd.s32 $0x3400, s4;
	[dreg:$0xa] =	wrdreg s23  }
0x16: {  	v20 =	vimm.s32 $0x2E;
	v21 =	vimm.s32 $0x2F;
	v2 =	vmul.u32 $0x2, v0;
	s26 =	sadd.s32 $0x3600, s2;
	[dreg:$0xe] =	wrdreg s31;
	s0 =	smax.u32 s22, $0x1  }
0x17: {  	v22 =	vimm.s32 $0x0;
	v1 =	vand.u32 $0x7, v0;
	v3 =	vshrl.u32 v0, $0x3;
	s23 =	simm.s32 $0x3980;
	s2 =	simm.s32 $0xD980;
	[dreg:$0xd] =	wrdreg s26  }
0x18: {  	v4 =	vor.u32 $0x8, v0;
	v3 =	vmul.u32 $0x8, v3;
	v5 =	vor.u32 $0x1, v2;
	[dreg:$0xf] =	wrdreg s0;
	s26 =	simm.s32 $0x5180;
	s0 =	simm.s32 $0xD180  }
.LBB2_11:
0x19: {  	_ =	sdelay $0x2  }
0x1a: {  	[sflag:s21] =	ssyncadd.s32 @p1 $0xFFFFD000  }
0x1b: {  	v24 =	vld.idx.msk [tilespmem:v41+s1+$0x0], $0xffff  }
0x1c: {  	v25 =	vld.idx.msk [tilespmem:v43+s1+$0x0], $0xffff;
	_ =	sdelay $0x3  }
0x1d: {  	v24 =	vadd.s32 v24, v42  }
0x1e: {  	vm1 =	vlt.s32 v40, v34;
	v24 =	vsub.s32 v24, v25  }
0x1f: {  	v24 =	vnsel vm1, $0x0, v24;
	_ =	sdelay $0x4  }
0x20: {  	v24 =	vld.idx.msk [tilespmem:v24+s5+$0x0], $0xffff;
	_ =	sdelay $0x4  }
0x21: {  	v62 =	vshrl.u32 v24, $0x3  }
0x22: {  	v25 =	vmul.u32 $0x30, v62  }
0x23: {  	v26 =	vand.u32 $0x7, v24  }
0x24: {  	v25 =	vor.u32 v26, v25  }
0x25: {  	v26 =	vperm.xlane v25, v1;
	_ =	sdelay $0x1  }
0x26: {  	v26 =	vadd.s32 v3, v26;
	_ =	sdelay $0x3  }
0x27: {  	[tilespmem:$0x1B200] =	vst v24;
	v25 =	vperm.xlane v25, v4  }
0x28: {  	[tilespmem:s20], [sflag:$0x3] =	stream.indirect_vreg.gather [hbm4b:s3+s5], $0x80, v26, vm0, $0xb8;
	[tilespmem:$0x1EC00] =	vst v63  }
0x29: {  	v63 =	vadd.s32 v3, v25  }
0x2a: {  	[tilespmem:s23], [sflag:$0x3] =	stream.indirect_vreg.gather [hbm4b:s15+s5], $0x80, v26, vm0, $0xb8;
	[tilespmem:$0x1EC00] =	vst v63  }
0x2b: {  	_ = 	snop  }
0x2c: {  	[tilespmem:s24], [sflag:$0x3] =	stream.indirect_vreg.gather [hbm4b:s16+s5], $0x80, v26, vm0, $0xb8;
	[tilespmem:$0x1EC00] =	vst v63  }
0x2d: {  	_ = 	snop  }
0x2e: {  	[tilespmem:s25], [sflag:$0x3] =	stream.indirect_vreg.gather [hbm4b:s3+s5], $0x80, v63, vm0, $0xb8;
	[tilespmem:$0x1EC00] =	vst v63  }
0x2f: {  	_ = 	snop  }
0x30: {  	[tilespmem:s26], [sflag:$0x3] =	stream.indirect_vreg.gather [hbm4b:s15+s5], $0x80, v63, vm0, $0xb8;
	[tilespmem:$0x1EC00] =	vst v63  }
0x31: {  	_ = 	snop  }
0x32: {  	[tilespmem:s28], [sflag:$0x3] =	stream.indirect_vreg.gather [hbm4b:s16+s5], $0x80, v63, vm0, $0xb8;
	[tilespmem:$0x1EC00] =	vst v63  }
0x33: {  	_ =	swait.ge [sflag:s30], $0x3000  }
0x34: {  	[sflag:s30] =	ssyncset.done $0x0  }
0x35: {  	s4 =	sadd.s32 s9, s10;
	[sflag:s30] =	ssyncadd.s32 $0xFFFFD000  }
0x36: {  	[hbm4b:s4+s5] =	stream.linear.scatter [tilespmem:s20], [sflag:$0x7], $0x3000, $0x38;
	[tilespmem:$0x1EC00] =	vst v63  }
0x37: {  	_ =	swait.ge [sflag:s21], $0x3000  }
0x38: {  	[sflag:s21] =	ssyncset.done $0x0  }
0x39: {  	s11 =	rddreg [dreg:$0x10];
	[sflag:s21] =	ssyncadd.s32 $0xFFFFD000  }
.LBB2_12:
0x3a: {  	s4 =	simm.s32 $0x1  }
0x3b: {  	_ =	swait.ge [sflag:s4], $0x3000  }
0x3c: {  	[sflag:s4] =	ssyncset.done $0x0  }
0x3d: {  	s10 =	simm.s32 $0x1B380;
	s8 =	rddreg [dreg:$0xd];
	[sflag:s4] =	ssyncadd.s32 $0xFFFFD000  }
0x3e: {  	v24 =	vmul.u32 $0x80, v0;
	[hbm4b:s8+s5] =	stream.linear.scatter [tilespmem:s10], [sflag:$0x7], $0x3000, $0x38;
	[tilespmem:$0x1EC00] =	vst v63  }
0x3f: {  	v23 =	vand.u32 $0x7F, v23;
	_ =	swait.ge [sflag:s21], $0x3000  }
0x40: {  	v23 =	vor.u32 v24, v23;
	[sflag:s21] =	ssyncset.done $0x0  }
0x41: {  	s12 =	simm.s32 $0x2;
	[sflag:s21] =	ssyncadd.s32 $0xFFFFD000  }
0x42: {  	_ =	swait.ge [sflag:s12], $0x800  }
0x43: {  	[sflag:s12] =	ssyncset.done $0x0  }
0x44: {  	[sflag:s12] =	ssyncadd.s32 $0xFFFFF800  }
0x45: {  	v23 =	vld.idx.msk [tilespmem:v23+s17+$0x0], $0xffff;
	_ =	sdelay $0x4  }
0x46: {  	s8 =	simm.s32 $0x1EB80;
	s22 =	rddreg [dreg:$0xe];
	[tilespmem:$0x1EB80] =	vst v23  }
0x47: {  	[hbm4b:s22+s5] =	stream.linear.scatter [tilespmem:s8], [sflag:$0x7], $0x10, $0x38;
	[tilespmem:$0x1EC00] =	vst v63  }
0x48: {  	_ =	swait.ge [sflag:s21], $0x10  }
0x49: {  	s11 =	sadd.s32 $0x1, s11;
	s31 =	rddreg [dreg:$0xf]  }
0x4a: {  	p1 =	sne.s32 s11, s31  }
.Ltmp1:
0x4b: {  	_ = 	snop;
	(pc) =	sbr.rel @!p1 .LBB2_13-.Ltmp1, $3  }
0x4c: {  	_ =	sdelay $0x1  }
0x4d: {  	[sflag:s21] =	ssyncset.done $0x0  }
0x4e: {  	[sflag:s21] =	ssyncadd.s32 $0xFFFFFFF0  }
.LBB2_1:
0x4f: {  	[dreg:$0x10] =	wrdreg s11  }
0x50: {  	s4 =	rddreg [dreg:$0xa];
	s8 =	simm.s32 $0x1B280  }
0x51: {  	[tilespmem:s8], [sflag:$0x7] =	stream.linear.gather [hbm4b:s4+s5], $0x10, $0x38;
	[tilespmem:$0x1EC00] =	vst v63  }
0x52: {  	_ =	swait.ge [sflag:s21], $0x10  }
0x53: {  	[sflag:s21] =	ssyncset.done $0x0  }
0x54: {  	[sflag:s21] =	ssyncadd.s32 $0xFFFFFFF0  }
0x55: {  	v23 =	vld [tilespmem:$0x1B280];
	_ =	sdelay $0x4  }
0x56: {  	v24 =	vshrl.u32 v23, $0x3  }
0x57: {  	v24 =	vmul.u32 $0x30, v24  }
0x58: {  	v23 =	vand.u32 $0x7, v23  }
0x59: {  	v24 =	vor.u32 v23, v24  }
0x5a: {  	v23 =	vld [tilespmem:$0x1B280];
	v25 =	vperm.xlane v24, v1;
	_ =	sdelay $0x1  }
0x5b: {  	v25 =	vadd.s32 v3, v25;
	_ =	sdelay $0x2  }
0x5c: {  	v26 =	vshra.s32 v23, $0x7  }
0x5d: {  	s4 =	rddreg [dreg:$0x3];
	v24 =	vperm.xlane v24, v4;
	[tilespmem:$0x1B300] =	vst v26  }
0x5e: {  	[tilespmem:s10], [sflag:$0x1] =	stream.indirect_vreg.gather [hbm4b:s4+s5], $0x80, v25, vm0, $0xb8;
	[tilespmem:$0x1EC00] =	vst v63  }
0x5f: {  	s22 =	simm.s32 $0x1BB80;
	s8 =	rddreg [dreg:$0xb];
	v24 =	vadd.s32 v3, v24  }
0x60: {  	[tilespmem:s22], [sflag:$0x1] =	stream.indirect_vreg.gather [hbm4b:s8+s5], $0x80, v25, vm0, $0xb8;
	[tilespmem:$0x1EC00] =	vst v63  }
0x61: {  	s31 =	simm.s32 $0x1C380;
	s10 =	rddreg [dreg:$0xc]  }
0x62: {  	[tilespmem:s31], [sflag:$0x1] =	stream.indirect_vreg.gather [hbm4b:s10+s5], $0x80, v25, vm0, $0xb8;
	[tilespmem:$0x1EC00] =	vst v63  }
0x63: {  	s12 =	simm.s32 $0x1CB80  }
0x64: {  	[tilespmem:s12], [sflag:$0x1] =	stream.indirect_vreg.gather [hbm4b:s4+s5], $0x80, v24, vm0, $0xb8;
	[tilespmem:$0x1EC00] =	vst v63  }
0x65: {  	s22 =	simm.s32 $0x1D380  }
0x66: {  	[tilespmem:s22], [sflag:$0x1] =	stream.indirect_vreg.gather [hbm4b:s8+s5], $0x80, v24, vm0, $0xb8;
	[tilespmem:$0x1EC00] =	vst v63  }
0x67: {  	s31 =	simm.s32 $0x1DB80  }
0x68: {  	[tilespmem:s31], [sflag:$0x1] =	stream.indirect_vreg.gather [hbm4b:s10+s5], $0x80, v24, vm0, $0xb8;
	[tilespmem:$0x1EC00] =	vst v63  }
0x69: {  	s11 =	simm.s32 $0x1B300;
	s8 =	rddreg [dreg:$0x7];
	s10 =	simm.s32 $0x10  }
0x6a: {  	[tilespmem:s17], [sflag:$0x2] =	stream.indirect.gather [hbm4b:s8+s10], $0x80, s11, s10, $0xb8;
	[tilespmem:$0x1EC00] =	vst v63  }
0x6b: {  	s12 =	rddreg [dreg:$0x1];
	s17 =	simm.s32 $0x2000  }
0x6c: {  	[tilespmem:s17], [sflag:$0x7] =	stream.linear.gather [hbm4b:s12+s5], $0x80, $0x38;
	[tilespmem:$0x1EC00] =	vst v63  }
0x6d: {  	_ =	swait.ge [sflag:s21], $0x80  }
0x6e: {  	[sflag:s21] =	ssyncset.done $0x0  }
0x6f: {  	[sflag:s21] =	ssyncadd.s32 $0xFFFFFF80  }
0x70: {  	v24 =	vld.idx.msk [tilespmem:v2+s17+$0x0], $0xffff  }
0x71: {  	v25 =	vld.idx.msk [tilespmem:v5+s17+$0x0], $0xffff;
	_ =	sdelay $0x3  }
0x72: {  	v26 =	vadd.s32 $0x1, v24  }
0x73: {  	vm1 =	vgt.s32 v25, v26  }
0x74: {  	v25 =	vsel vm1, v25, v26  }
0x75: {  	v25 =	vsub.s32 v25, v24  }
0x76: {  	(xrf0) =	vadd.scan.msk.s32 $0xffff, v25;
	_ =	sdelay $0x5  }
0x77: {  	v26, _, _ =	vpop (xrf0)  }
0x78: {  	v27 =	vxor.u32 $0x80000000, v26  }
0x79: {  	(xrf0) =	vmax.scan.msk.u32 $0xffff, v27;
	_ =	sdelay $0x5  }
0x7a: {  	v27, _, _ =	vpop (xrf0)  }
0x7b: {  	(v2sf) =	vpush v27, $0xF  }
0x7c: {  	v27 =	vcvt.s32.f32 @!p0 v25;
	_ =	sdelay $0x1  }
0x7d: {  	(erf) = vrcp.f32 @!p0 v27  }
0x7e: {  	v27 =	vlaneseq.u32 @!p0  }
0x7f: {  	v27 =	vmul.u32 @!p0 $0x80, v27;
	_ =	sdelay $0x1  }
0x80: {  	v28 =	vor.u32 @!p0 $0x1, v27  }
0x81: {  	[tilespmem:$0x2080] =	vst v24  }
0x82: {  	[tilespmem:$0x20A0] =	vst v26;
	v25 =	vsub.s32 v26, v25  }
0x83: {  	s4 =	simm.s32 @!p0 $0x2100;
	[tilespmem:$0x2090] =	vst v25  }
0x84: {  	[tilespmem:v27+s4+$0x0] =	vst.idx.msk @!p0 $0xffff, v25  }
0x85: {  	s10 =	simm.s32 @!p0 $0x2900;
	[tilespmem:v28+s4+$0x0] =	vst.idx.msk @!p0 $0xffff, v26;
	v24 =	vpop @!p0 (erf)  }
0x86: {  	s11 =	simm.s32 @!p0 $0x0;
	s12 =	rddreg [dreg:$0x8];
	[tilespmem:v27+s10+$0x0] =	vst.idx.msk @!p0 $0xffff, v24  }
0x87: {  	[hbm4b:s12+s11] =	stream.linear.scatter @!p0 [tilespmem:s4], [sflag:$0x7], $0x800, $0x38;
	[tilespmem:$0x1EC00] =	vst v63  }
0x88: {  	s22 =	spop (v2sf)  }
0x89: {  	s12 =	simm.s32 @!p0 $0x7;
	s8 =	sadd.s32 $0x800001FF, s22  }
0x8a: {  	_ =	swait.ge @!p0 [sflag:s12], $0x800;
	s31 =	sand.u32 $0x1FF, s8  }
0x8b: {  	s17 =	sshra.s32 s8, $0x1F;
	p2 =	slt.s32 s8, $0x1;
	[sflag:s12] =	ssyncset.done @!p0 $0x0  }
0x8c: {  	p1 =	sne.s32 s31, $0x0;
	s4 =	sshrl.u32 s17, $0x17;
	[sflag:s12] =	ssyncadd.s32 @!p0 $0xFFFFF800  }
0x8d: {  	s4 =	sadd.s32 s4, s8;
	p1 =	por !p2, !p1;
	s8 =	rddreg [dreg:$0x9]  }
0x8e: {  	[hbm4b:s8+s11] =	stream.linear.scatter @!p0 [tilespmem:s10], [sflag:$0x7], $0x800, $0x38;
	[tilespmem:$0x1EC00] =	vst v63  }
0x8f: {  	p1 =	por !p1, !p1;
	s8 =	simm.s32 $0x1  }
0x90: {  	s4 =	sshra.s32 s4, $0x9;
	_ =	swait.ge @!p0 [sflag:s12], $0x800;
	s8 =	simm.s32 @!p1 $0x0  }
0x91: {  	[sflag:s12] =	ssyncset.done @!p0 $0x0;
	s4 =	ssub.s32 s4, s8  }
0x92: {  	s22 =	rddreg [dreg:$0x6];
	[sflag:s12] =	ssyncadd.s32 @!p0 $0xFFFFF800;
	s31 =	sshll.u32 s4, $0x9  }
0x93: {  	[tilespmem:s5], [sflag:$0x7] =	stream.linear.gather [hbm4b:s22+s5], $0x2000, $0x38;
	[tilespmem:$0x1EC00] =	vst v63  }
0x94: {  	s8 =	sshra.s32 s31, $0x5  }
0x95: {  	s11 =	simm.s32 $0x1;
	p1 =	sgt.s32 s8, $0x0  }
0x96: {  	s10 =	sshra.s32 s31, $0x1F;
	s11 =	simm.s32 @!p1 $0x0  }
0x97: {  	s4 =	sand.u32 $0x3, s4;
	_ =	swait.ge [sflag:s21], $0x2000;
	s10 =	sadd.s32 s11, s10  }
0x98: {  	p4 =	sne.s32 s4, $0x0;
	[sflag:s21] =	ssyncset.done $0x0;
	p3 =	sne.s32 s10, $0x1  }
0x99: {  	[sflag:s21] =	ssyncadd.s32 $0xFFFFE000;
	s10 =	sshrl.u32 s8, $0x1A;
	p1 =	por !p4, !p3  }
0x9a: {  	v24 =	vld.idx.msk [tilespmem:v6+s1+$0x0], $0xffff;
	s4 =	sadd.s32 s10, s8;
	s10 =	simm.s32 $0x1;
	p1 =	por !p1, !p1  }
0x9b: {  	v25 =	vld.idx.msk [tilespmem:v7+s1+$0x0], $0xffff;
	s4 =	sshra.s32 s4, $0x6;
	s10 =	simm.s32 @!p1 $0x0  }
0x9c: {  	v26 =	vld.idx.msk [tilespmem:v8+s1+$0x0], $0xffff;
	s22 =	ssub.s32 s4, s10  }
0x9d: {  	v27 =	vld.idx.msk [tilespmem:v9+s1+$0x0], $0xffff;
	s4 =	sadd.s32 $0x1, s22  }
0x9e: {  	v28 =	vld.idx.msk [tilespmem:v10+s1+$0x0], $0xffff;
	s11 =	sand.u32 $0x1, s4  }
0x9f: {  	v29 =	vld.idx.msk [tilespmem:v11+s1+$0x0], $0xffff;
	p5 =	slt.s32 s22, $0x0;
	p6 =	seq.s32 s11, $0x1  }
0xa0: {  	v30 =	vld.idx.msk [tilespmem:v12+s1+$0x0], $0xffff;
	s17 =	sshrl.u32 s4, $0x1F;
	p1 =	por !p5, !p6  }
0xa1: {  	v31 =	vld.idx.msk [tilespmem:v13+s1+$0x0], $0xffff;
	s10 =	simm.s32 $0x1;
	s4 =	sadd.s32 s17, s4;
	p1 =	por !p1, !p1  }
0xa2: {  	v32 =	vld.idx.msk [tilespmem:v14+s1+$0x0], $0xffff;
	s4 =	sshra.s32 s4, $0x1;
	s10 =	simm.s32 @!p1 $0x0  }
0xa3: {  	v33 =	vld.idx.msk [tilespmem:v15+s1+$0x0], $0xffff;
	s4 =	ssub.s32 s4, s10  }
0xa4: {  	v35 =	vld.idx.msk [tilespmem:v16+s1+$0x0], $0xffff;
	p1 =	slt.s32 s4, $0x1  }
.Ltmp2:
0xa5: {  	v36 =	vld.idx.msk [tilespmem:v17+s1+$0x0], $0xffff;
	(pc) =	sbr.rel @p1 .LBB2_7-.Ltmp2, $4  }
0xa6: {  	v37 =	vld.idx.msk [tilespmem:v18+s1+$0x0], $0xffff  }
0xa7: {  	v38 =	vld.idx.msk [tilespmem:v19+s1+$0x0], $0xffff  }
0xa8: {  	s31 =	rddreg [dreg:$0x5];
	v39 =	vld.idx.msk [tilespmem:v20+s1+$0x0], $0xffff  }
0xa9: {  	[dreg:$0x11] =	wrdreg s8;
	v34 =	vld.idx.msk [tilespmem:v21+s1+$0x0], $0xffff;
	s10 =	smul.u32 s8, s31  }
.Ltmp3:
0xaa: {  	(pc) =	sbr.rel .LBB2_3-.Ltmp3, $2  }
0xab: {  	_ =	sdelay $0x2  }
0xac: {  	s11 =	simm.s32 $0x0;
	s31 =	simm.s32 $0x1  }
.LBB2_5:
0xad: {  	s8 =	sshrl.u32 s12, $0x3  }
0xae: {  	_ =	swait.ge [sflag:s30], $0xC000;
	s8 =	smul.u32 $0x300, s8  }
0xaf: {  	[sflag:s30] =	ssyncset.done $0x0  }
0xb0: {  	[sflag:s30] =	ssyncadd.s32 $0xFFFF4000;
	s8 =	sadd.s32 s9, s8  }
0xb1: {  	[hbm4b:s8+s5] =	stream.linear.scatter [tilespmem:s20], [sflag:$0x5], $0xC000, $0x38;
	[tilespmem:$0x1EC00] =	vst v63  }
.LBB2_6:
0xb2: {  	s4 =	sadd.s32 $0xFFFFFFFF, s4  }
0xb3: {  	p1 =	sne.s32 s4, $0x0  }
.Ltmp4:
0xb4: {  	_ = 	snop;
	(pc) =	sbr.rel @!p1 .LBB2_7-.Ltmp4, $2  }
0xb5: {  	_ =	sdelay $0x2  }
0xb6: {  	s11 =	sadd.s32 $0x80, s11;
	s31 =	sadd.s32 $0x2, s31  }
.LBB2_3:
0xb7: {  	s12 =	sadd.s32 s11, s10  }
0xb8: {  	v40 =	vor.u32 s12, v0  }
0xb9: {  	vm1 =	vge.s32 v40, v24;
	vm2 =	vge.s32 v40, v25  }
0xba: {  	v41 =	vsel vm1, $0x1, v22;
	v42 =	vsel vm2, $0x1, v22;
	vm1 =	vge.s32 v40, v26  }
0xbb: {  	v41 =	vadd.s32 v42, v41;
	v63 =	vsel vm1, $0x1, v22;
	vm1 =	vge.s32 v40, v27  }
0xbc: {  	v41 =	vadd.s32 v63, v41;
	v45 =	vsel vm1, $0x1, v22;
	vm1 =	vge.s32 v40, v28  }
0xbd: {  	v41 =	vadd.s32 v45, v41;
	v46 =	vsel vm1, $0x1, v22;
	vm1 =	vge.s32 v40, v29  }
0xbe: {  	v41 =	vadd.s32 v46, v41;
	v47 =	vsel vm1, $0x1, v22;
	vm1 =	vge.s32 v40, v30  }
0xbf: {  	v41 =	vadd.s32 v47, v41;
	v48 =	vsel vm1, $0x1, v22;
	vm1 =	vge.s32 v40, v31  }
0xc0: {  	v41 =	vadd.s32 v48, v41;
	v49 =	vsel vm1, $0x1, v22;
	vm1 =	vge.s32 v40, v32  }
0xc1: {  	v41 =	vadd.s32 v49, v41;
	v50 =	vsel vm1, $0x1, v22;
	vm1 =	vge.s32 v40, v33  }
0xc2: {  	v41 =	vadd.s32 v50, v41;
	v51 =	vsel vm1, $0x1, v22;
	vm1 =	vge.s32 v40, v35  }
0xc3: {  	v41 =	vadd.s32 v51, v41;
	v52 =	vsel vm1, $0x1, v22;
	vm1 =	vge.s32 v40, v36  }
0xc4: {  	v41 =	vadd.s32 v52, v41;
	v53 =	vsel vm1, $0x1, v22;
	vm1 =	vge.s32 v40, v37  }
0xc5: {  	v41 =	vadd.s32 v53, v41;
	v54 =	vsel vm1, $0x1, v22;
	vm1 =	vge.s32 v40, v38  }
0xc6: {  	v41 =	vadd.s32 v54, v41;
	v55 =	vsel vm1, $0x1, v22;
	vm1 =	vge.s32 v40, v39  }
0xc7: {  	p1 =	seq.s32 s11, $0x0;
	v41 =	vadd.s32 v55, v41;
	v56 =	vsel vm1, $0x1, v22;
	vm1 =	vge.s32 v40, v34  }
0xc8: {  	s17 =	simm.s32 @!p1 $0x5;
	v41 =	vadd.s32 v56, v41;
	v57 =	vsel vm1, $0x1, v22  }
0xc9: {  	_ =	swait.ge @!p1 [sflag:s17], $0xC000;
	v41 =	vadd.s32 v57, v41  }
0xca: {  	[sflag:s17] =	ssyncset.done @!p1 $0x0;
	v41 =	vmin.u32 v41, $0xF  }
0xcb: {  	[sflag:s17] =	ssyncadd.s32 @!p1 $0xFFFF4000;
	s17 =	simm.s32 @!p1 $0x6;
	v58 =	vor.u32 $0x10, v41  }
0xcc: {  	_ =	swait.ge @!p1 [sflag:s17], $0xC000  }
0xcd: {  	[sflag:s17] =	ssyncset.done @!p1 $0x0  }
0xce: {  	[sflag:s17] =	ssyncadd.s32 @!p1 $0xFFFF4000  }
0xcf: {  	v43 =	vld.idx.msk [tilespmem:v41+s1+$0x0], $0xffff  }
0xd0: {  	v42 =	vld.idx.msk [tilespmem:v58+s1+$0x0], $0xffff;
	_ =	sdelay $0x1  }
0xd1: {  	v41 =	vshll.u32 v41, $0x9  }
0xd2: {  	v41 =	vadd.s32 v40, v41  }
0xd3: {  	s8 =	sadd.s32 $0x10, s12;
	v41 =	vadd.s32 v43, v41  }
0xd4: {  	v59 =	vor.u32 s8, v0;
	vm1 =	vlt.s32 v40, v34;
	v41 =	vsub.s32 v41, v42  }
0xd5: {  	vm2 =	vge.s32 v59, v25;
	v40 =	vnsel vm1, $0x0, v41;
	vm1 =	vge.s32 v59, v24  }
0xd6: {  	v61 =	vsel vm2, $0x1, v22;
	v60 =	vsel vm1, $0x1, v22;
	vm1 =	vge.s32 v59, v26  }
0xd7: {  	v41 =	vadd.s32 v61, v60;
	v62 =	vsel vm1, $0x1, v22;
	vm1 =	vge.s32 v59, v27  }
0xd8: {  	v41 =	vadd.s32 v62, v41;
	v63 =	vsel vm1, $0x1, v22;
	vm1 =	vge.s32 v59, v28  }
0xd9: {  	v41 =	vadd.s32 v63, v41;
	v45 =	vsel vm1, $0x1, v22;
	vm1 =	vge.s32 v59, v29  }
0xda: {  	v41 =	vadd.s32 v45, v41;
	v46 =	vsel vm1, $0x1, v22;
	vm1 =	vge.s32 v59, v30  }
0xdb: {  	v41 =	vadd.s32 v46, v41;
	v47 =	vsel vm1, $0x1, v22;
	vm1 =	vge.s32 v59, v31  }
0xdc: {  	v41 =	vadd.s32 v47, v41;
	v48 =	vsel vm1, $0x1, v22;
	vm1 =	vge.s32 v59, v32  }
0xdd: {  	v41 =	vadd.s32 v48, v41;
	v49 =	vsel vm1, $0x1, v22;
	vm1 =	vge.s32 v59, v33  }
0xde: {  	v41 =	vadd.s32 v49, v41;
	v50 =	vsel vm1, $0x1, v22;
	vm1 =	vge.s32 v59, v35  }
0xdf: {  	v41 =	vadd.s32 v50, v41;
	v51 =	vsel vm1, $0x1, v22;
	vm1 =	vge.s32 v59, v36  }
0xe0: {  	v41 =	vadd.s32 v51, v41;
	v52 =	vsel vm1, $0x1, v22;
	vm1 =	vge.s32 v59, v37  }
0xe1: {  	v41 =	vadd.s32 v52, v41;
	v53 =	vsel vm1, $0x1, v22;
	vm1 =	vge.s32 v59, v38  }
0xe2: {  	v41 =	vadd.s32 v53, v41;
	v54 =	vsel vm1, $0x1, v22;
	vm1 =	vge.s32 v59, v39  }
0xe3: {  	v41 =	vadd.s32 v54, v41;
	v55 =	vsel vm1, $0x1, v22;
	vm1 =	vge.s32 v59, v34  }
0xe4: {  	v41 =	vadd.s32 v55, v41;
	v56 =	vsel vm1, $0x1, v22  }
0xe5: {  	v40 =	vld.idx.msk [tilespmem:v40+s5+$0x0], $0xffff;
	v41 =	vadd.s32 v56, v41  }
0xe6: {  	v41 =	vmin.u32 v41, $0xF  }
0xe7: {  	v57 =	vor.u32 $0x10, v41;
	_ =	sdelay $0x2  }
0xe8: {  	[tilespmem:$0x3100] =	vst v40  }
0xe9: {  	v44 =	vld.idx.msk [tilespmem:v41+s1+$0x0], $0xffff  }
0xea: {  	v43 =	vld.idx.msk [tilespmem:v57+s1+$0x0], $0xffff;
	_ =	sdelay $0x1  }
0xeb: {  	v41 =	vshll.u32 v41, $0x9  }
0xec: {  	v41 =	vadd.s32 v59, v41  }
0xed: {  	s8 =	sadd.s32 $0x20, s12;
	v41 =	vadd.s32 v44, v41  }
0xee: {  	v42 =	vor.u32 s8, v0;
	vm1 =	vlt.s32 v59, v34;
	v41 =	vsub.s32 v41, v43  }
0xef: {  	vm2 =	vge.s32 v42, v25;
	v41 =	vnsel vm1, $0x0, v41;
	vm1 =	vge.s32 v42, v24  }
0xf0: {  	v59 =	vsel vm2, $0x1, v22;
	v58 =	vsel vm1, $0x1, v22;
	vm1 =	vge.s32 v42, v26  }
0xf1: {  	v43 =	vadd.s32 v59, v58;
	v60 =	vsel vm1, $0x1, v22;
	vm1 =	vge.s32 v42, v27  }
0xf2: {  	v43 =	vadd.s32 v60, v43;
	v61 =	vsel vm1, $0x1, v22;
	vm1 =	vge.s32 v42, v28  }
0xf3: {  	v43 =	vadd.s32 v61, v43;
	v62 =	vsel vm1, $0x1, v22;
	vm1 =	vge.s32 v42, v29  }
0xf4: {  	v43 =	vadd.s32 v62, v43;
	v63 =	vsel vm1, $0x1, v22;
	vm1 =	vge.s32 v42, v30  }
0xf5: {  	v43 =	vadd.s32 v63, v43;
	v48 =	vsel vm1, $0x1, v22;
	vm1 =	vge.s32 v42, v31  }
0xf6: {  	v43 =	vadd.s32 v48, v43;
	v49 =	vsel vm1, $0x1, v22;
	vm1 =	vge.s32 v42, v32  }
0xf7: {  	v43 =	vadd.s32 v49, v43;
	v50 =	vsel vm1, $0x1, v22;
	vm1 =	vge.s32 v42, v33  }
0xf8: {  	v43 =	vadd.s32 v50, v43;
	v51 =	vsel vm1, $0x1, v22;
	vm1 =	vge.s32 v42, v35  }
0xf9: {  	v43 =	vadd.s32 v51, v43;
	v52 =	vsel vm1, $0x1, v22;
	vm1 =	vge.s32 v42, v36  }
0xfa: {  	v43 =	vadd.s32 v52, v43;
	v53 =	vsel vm1, $0x1, v22;
	vm1 =	vge.s32 v42, v37  }
0xfb: {  	v43 =	vadd.s32 v53, v43;
	v54 =	vsel vm1, $0x1, v22;
	vm1 =	vge.s32 v42, v38  }
0xfc: {  	v43 =	vadd.s32 v54, v43;
	v55 =	vsel vm1, $0x1, v22;
	vm1 =	vge.s32 v42, v39  }
0xfd: {  	v43 =	vadd.s32 v55, v43;
	v56 =	vsel vm1, $0x1, v22;
	vm1 =	vge.s32 v42, v34  }
0xfe: {  	v43 =	vadd.s32 v56, v43;
	v57 =	vsel vm1, $0x1, v22  }
0xff: {  	v41 =	vld.idx.msk [tilespmem:v41+s5+$0x0], $0xffff;
	v43 =	vadd.s32 v57, v43  }
0x100: {  	v43 =	vmin.u32 v43, $0xF  }
0x101: {  	v58 =	vor.u32 $0x10, v43;
	_ =	sdelay $0x2  }
0x102: {  	[tilespmem:$0x3110] =	vst v41  }
0x103: {  	v41 =	vld.idx.msk [tilespmem:v43+s1+$0x0], $0xffff  }
0x104: {  	v44 =	vld.idx.msk [tilespmem:v58+s1+$0x0], $0xffff;
	_ =	sdelay $0x1  }
0x105: {  	v43 =	vshll.u32 v43, $0x9  }
0x106: {  	v43 =	vadd.s32 v42, v43  }
0x107: {  	s8 =	sadd.s32 $0x30, s12;
	v41 =	vadd.s32 v41, v43  }
0x108: {  	vm1 =	vlt.s32 v42, v34;
	v43 =	vor.u32 s8, v0;
	v41 =	vsub.s32 v41, v44  }
0x109: {  	vm2 =	vge.s32 v43, v25;
	v41 =	vnsel vm1, $0x0, v41;
	vm1 =	vge.s32 v43, v24  }
0x10a: {  	v60 =	vsel vm2, $0x1, v22;
	v59 =	vsel vm1, $0x1, v22;
	vm1 =	vge.s32 v43, v26  }
0x10b: {  	v42 =	vadd.s32 v60, v59;
	v61 =	vsel vm1, $0x1, v22;
	vm1 =	vge.s32 v43, v27  }
0x10c: {  	v42 =	vadd.s32 v61, v42;
	v62 =	vsel vm1, $0x1, v22;
	vm1 =	vge.s32 v43, v28  }
0x10d: {  	v42 =	vadd.s32 v62, v42;
	v63 =	vsel vm1, $0x1, v22;
	vm1 =	vge.s32 v43, v29  }
0x10e: {  	v42 =	vadd.s32 v63, v42;
	v48 =	vsel vm1, $0x1, v22;
	vm1 =	vge.s32 v43, v30  }
0x10f: {  	v42 =	vadd.s32 v48, v42;
	v49 =	vsel vm1, $0x1, v22;
	vm1 =	vge.s32 v43, v31  }
0x110: {  	v42 =	vadd.s32 v49, v42;
	v50 =	vsel vm1, $0x1, v22;
	vm1 =	vge.s32 v43, v32  }
0x111: {  	v42 =	vadd.s32 v50, v42;
	v51 =	vsel vm1, $0x1, v22;
	vm1 =	vge.s32 v43, v33  }
0x112: {  	v42 =	vadd.s32 v51, v42;
	v52 =	vsel vm1, $0x1, v22;
	vm1 =	vge.s32 v43, v35  }
0x113: {  	v42 =	vadd.s32 v52, v42;
	v53 =	vsel vm1, $0x1, v22;
	vm1 =	vge.s32 v43, v36  }
0x114: {  	v42 =	vadd.s32 v53, v42;
	v54 =	vsel vm1, $0x1, v22;
	vm1 =	vge.s32 v43, v37  }
0x115: {  	v42 =	vadd.s32 v54, v42;
	v55 =	vsel vm1, $0x1, v22;
	vm1 =	vge.s32 v43, v38  }
0x116: {  	v42 =	vadd.s32 v55, v42;
	v56 =	vsel vm1, $0x1, v22;
	vm1 =	vge.s32 v43, v39  }
0x117: {  	v42 =	vadd.s32 v56, v42;
	v57 =	vsel vm1, $0x1, v22;
	vm1 =	vge.s32 v43, v34  }
0x118: {  	v42 =	vadd.s32 v57, v42;
	v58 =	vsel vm1, $0x1, v22  }
0x119: {  	v41 =	vld.idx.msk [tilespmem:v41+s5+$0x0], $0xffff;
	v42 =	vadd.s32 v58, v42  }
0x11a: {  	v42 =	vmin.u32 v42, $0xF  }
0x11b: {  	v59 =	vor.u32 $0x10, v42;
	_ =	sdelay $0x2  }
0x11c: {  	[tilespmem:$0x3120] =	vst v41  }
0x11d: {  	v41 =	vld.idx.msk [tilespmem:v42+s1+$0x0], $0xffff  }
0x11e: {  	v44 =	vld.idx.msk [tilespmem:v59+s1+$0x0], $0xffff;
	_ =	sdelay $0x1  }
0x11f: {  	v42 =	vshll.u32 v42, $0x9  }
0x120: {  	v42 =	vadd.s32 v43, v42  }
0x121: {  	v41 =	vadd.s32 v41, v42  }
0x122: {  	vm1 =	vlt.s32 v43, v34;
	v41 =	vsub.s32 v41, v44  }
0x123: {  	v60 =	vshrl.u32 v40, $0x3;
	v41 =	vnsel vm1, $0x0, v41  }
0x124: {  	v42 =	vmul.u32 $0x30, v60  }
0x125: {  	v40 =	vand.u32 $0x7, v40  }
0x126: {  	v40 =	vor.u32 v40, v42  }
0x127: {  	v42 =	vperm.xlane v40, v1  }
0x128: {  	v41 =	vld.idx.msk [tilespmem:v41+s5+$0x0], $0xffff  }
0x129: {  	v42 =	vadd.s32 v3, v42;
	_ =	sdelay $0x3  }
0x12a: {  	v40 =	vperm.xlane v40, v4;
	[tilespmem:$0x3130] =	vst v41  }
0x12b: {  	[tilespmem:s20], [sflag:$0x3] =	stream.indirect_vreg.gather [hbm4b:s3+s5], $0x80, v42, vm0, $0xb8;
	[tilespmem:$0x1EC00] =	vst v63  }
0x12c: {  	v40 =	vadd.s32 v3, v40  }
0x12d: {  	[tilespmem:s23], [sflag:$0x3] =	stream.indirect_vreg.gather [hbm4b:s15+s5], $0x80, v42, vm0, $0xb8;
	[tilespmem:$0x1EC00] =	vst v63  }
0x12e: {  	_ = 	snop  }
0x12f: {  	[tilespmem:s24], [sflag:$0x3] =	stream.indirect_vreg.gather [hbm4b:s16+s5], $0x80, v42, vm0, $0xb8;
	[tilespmem:$0x1EC00] =	vst v63  }
0x130: {  	_ = 	snop  }
0x131: {  	[tilespmem:s25], [sflag:$0x3] =	stream.indirect_vreg.gather [hbm4b:s3+s5], $0x80, v40, vm0, $0xb8;
	[tilespmem:$0x1EC00] =	vst v63  }
0x132: {  	_ = 	snop  }
0x133: {  	[tilespmem:s26], [sflag:$0x3] =	stream.indirect_vreg.gather [hbm4b:s15+s5], $0x80, v40, vm0, $0xb8;
	[tilespmem:$0x1EC00] =	vst v63  }
0x134: {  	_ = 	snop  }
0x135: {  	[tilespmem:s28], [sflag:$0x3] =	stream.indirect_vreg.gather [hbm4b:s16+s5], $0x80, v40, vm0, $0xb8;
	[tilespmem:$0x1EC00] =	vst v63  }
0x136: {  	v40 =	vld [tilespmem:$0x3110];
	_ =	sdelay $0x4  }
0x137: {  	v61 =	vshrl.u32 v40, $0x3  }
0x138: {  	v41 =	vmul.u32 $0x30, v61  }
0x139: {  	v40 =	vand.u32 $0x7, v40  }
0x13a: {  	v40 =	vor.u32 v40, v41  }
0x13b: {  	v41 =	vperm.xlane v40, v1;
	_ =	sdelay $0x1  }
0x13c: {  	v41 =	vadd.s32 v3, v41;
	_ =	sdelay $0x3  }
0x13d: {  	s8 =	simm.s32 $0x6180;
	v40 =	vperm.xlane v40, v4  }
0x13e: {  	[tilespmem:s8], [sflag:$0x3] =	stream.indirect_vreg.gather [hbm4b:s3+s5], $0x80, v41, vm0, $0xb8;
	[tilespmem:$0x1EC00] =	vst v63  }
0x13f: {  	s17 =	simm.s32 $0x6980;
	v40 =	vadd.s32 v3, v40  }
0x140: {  	[tilespmem:s17], [sflag:$0x3] =	stream.indirect_vreg.gather [hbm4b:s15+s5], $0x80, v41, vm0, $0xb8;
	[tilespmem:$0x1EC00] =	vst v63  }
0x141: {  	s17 =	simm.s32 $0x7180  }
0x142: {  	[tilespmem:s17], [sflag:$0x3] =	stream.indirect_vreg.gather [hbm4b:s16+s5], $0x80, v41, vm0, $0xb8;
	[tilespmem:$0x1EC00] =	vst v63  }
0x143: {  	s17 =	simm.s32 $0x7980  }
0x144: {  	[tilespmem:s17], [sflag:$0x3] =	stream.indirect_vreg.gather [hbm4b:s3+s5], $0x80, v40, vm0, $0xb8;
	[tilespmem:$0x1EC00] =	vst v63  }
0x145: {  	s17 =	simm.s32 $0x8180  }
0x146: {  	[tilespmem:s17], [sflag:$0x3] =	stream.indirect_vreg.gather [hbm4b:s15+s5], $0x80, v40, vm0, $0xb8;
	[tilespmem:$0x1EC00] =	vst v63  }
0x147: {  	s17 =	simm.s32 $0x8980  }
0x148: {  	[tilespmem:s17], [sflag:$0x3] =	stream.indirect_vreg.gather [hbm4b:s16+s5], $0x80, v40, vm0, $0xb8;
	[tilespmem:$0x1EC00] =	vst v63  }
0x149: {  	v40 =	vld [tilespmem:$0x3120];
	_ =	sdelay $0x4  }
0x14a: {  	v62 =	vshrl.u32 v40, $0x3  }
0x14b: {  	v41 =	vmul.u32 $0x30, v62  }
0x14c: {  	v40 =	vand.u32 $0x7, v40  }
0x14d: {  	v40 =	vor.u32 v40, v41  }
0x14e: {  	v41 =	vperm.xlane v40, v1;
	_ =	sdelay $0x1  }
0x14f: {  	v41 =	vadd.s32 v3, v41;
	_ =	sdelay $0x3  }
0x150: {  	s17 =	simm.s32 $0x9180;
	v40 =	vperm.xlane v40, v4  }
0x151: {  	[tilespmem:s17], [sflag:$0x3] =	stream.indirect_vreg.gather [hbm4b:s3+s5], $0x80, v41, vm0, $0xb8;
	[tilespmem:$0x1EC00] =	vst v63  }
0x152: {  	v40 =	vadd.s32 v3, v40;
	s17 =	simm.s32 $0x9980  }
0x153: {  	[tilespmem:s17], [sflag:$0x3] =	stream.indirect_vreg.gather [hbm4b:s15+s5], $0x80, v41, vm0, $0xb8;
	[tilespmem:$0x1EC00] =	vst v63  }
0x154: {  	s17 =	simm.s32 $0xA180  }
0x155: {  	[tilespmem:s17], [sflag:$0x3] =	stream.indirect_vreg.gather [hbm4b:s16+s5], $0x80, v41, vm0, $0xb8;
	[tilespmem:$0x1EC00] =	vst v63  }
0x156: {  	s17 =	simm.s32 $0xA980  }
0x157: {  	[tilespmem:s17], [sflag:$0x3] =	stream.indirect_vreg.gather [hbm4b:s3+s5], $0x80, v40, vm0, $0xb8;
	[tilespmem:$0x1EC00] =	vst v63  }
0x158: {  	s17 =	simm.s32 $0xB180  }
0x159: {  	[tilespmem:s17], [sflag:$0x3] =	stream.indirect_vreg.gather [hbm4b:s15+s5], $0x80, v40, vm0, $0xb8;
	[tilespmem:$0x1EC00] =	vst v63  }
0x15a: {  	_ = 	snop  }
0x15b: {  	[tilespmem:s18], [sflag:$0x3] =	stream.indirect_vreg.gather [hbm4b:s16+s5], $0x80, v40, vm0, $0xb8;
	[tilespmem:$0x1EC00] =	vst v63  }
0x15c: {  	v40 =	vld [tilespmem:$0x3130];
	_ =	sdelay $0x4  }
0x15d: {  	v63 =	vshrl.u32 v40, $0x3  }
0x15e: {  	v41 =	vmul.u32 $0x30, v63  }
0x15f: {  	v40 =	vand.u32 $0x7, v40  }
0x160: {  	v40 =	vor.u32 v40, v41  }
0x161: {  	v41 =	vperm.xlane v40, v1;
	_ =	sdelay $0x1  }
0x162: {  	v41 =	vadd.s32 v3, v41;
	_ =	sdelay $0x3  }
0x163: {  	v40 =	vperm.xlane v40, v4  }
0x164: {  	[tilespmem:s19], [sflag:$0x3] =	stream.indirect_vreg.gather [hbm4b:s3+s5], $0x80, v41, vm0, $0xb8;
	[tilespmem:$0x1EC00] =	vst v63  }
0x165: {  	v40 =	vadd.s32 v3, v40  }
0x166: {  	[tilespmem:s6], [sflag:$0x3] =	stream.indirect_vreg.gather [hbm4b:s15+s5], $0x80, v41, vm0, $0xb8;
	[tilespmem:$0x1EC00] =	vst v63  }
0x167: {  	_ = 	snop  }
0x168: {  	[tilespmem:s0], [sflag:$0x3] =	stream.indirect_vreg.gather [hbm4b:s16+s5], $0x80, v41, vm0, $0xb8;
	[tilespmem:$0x1EC00] =	vst v63  }
0x169: {  	p1 =	sge.s32 s31, s22  }
0x16a: {  	[tilespmem:s2], [sflag:$0x3] =	stream.indirect_vreg.gather [hbm4b:s3+s5], $0x80, v40, vm0, $0xb8;
	[tilespmem:$0x1EC00] =	vst v63  }
.Ltmp5:
0x16b: {  	_ = 	snop;
	(pc) =	sbr.rel @p1 .LBB2_5-.Ltmp5, $4  }
0x16c: {  	_ = 	snop  }
0x16d: {  	[tilespmem:s13], [sflag:$0x3] =	stream.indirect_vreg.gather [hbm4b:s15+s5], $0x80, v40, vm0, $0xb8;
	[tilespmem:$0x1EC00] =	vst v63  }
0x16e: {  	_ = 	snop  }
0x16f: {  	[tilespmem:s14], [sflag:$0x3] =	stream.indirect_vreg.gather [hbm4b:s16+s5], $0x80, v40, vm0, $0xb8;
	[tilespmem:$0x1EC00] =	vst v63  }
0x170: {  	s17 =	sadd.s32 $0x40, s12  }
0x171: {  	v40 =	vor.u32 s17, v0  }
0x172: {  	vm1 =	vge.s32 v40, v24;
	vm2 =	vge.s32 v40, v25  }
0x173: {  	v41 =	vsel vm1, $0x1, v22;
	v42 =	vsel vm2, $0x1, v22;
	vm1 =	vge.s32 v40, v26  }
0x174: {  	v41 =	vadd.s32 v42, v41;
	v63 =	vsel vm1, $0x1, v22;
	vm1 =	vge.s32 v40, v27  }
0x175: {  	v41 =	vadd.s32 v63, v41;
	v45 =	vsel vm1, $0x1, v22;
	vm1 =	vge.s32 v40, v28  }
0x176: {  	v41 =	vadd.s32 v45, v41;
	v46 =	vsel vm1, $0x1, v22;
	vm1 =	vge.s32 v40, v29  }
0x177: {  	v41 =	vadd.s32 v46, v41;
	v47 =	vsel vm1, $0x1, v22;
	vm1 =	vge.s32 v40, v30  }
0x178: {  	v41 =	vadd.s32 v47, v41;
	v48 =	vsel vm1, $0x1, v22;
	vm1 =	vge.s32 v40, v31  }
0x179: {  	v41 =	vadd.s32 v48, v41;
	v49 =	vsel vm1, $0x1, v22;
	vm1 =	vge.s32 v40, v32  }
0x17a: {  	v41 =	vadd.s32 v49, v41;
	v50 =	vsel vm1, $0x1, v22;
	vm1 =	vge.s32 v40, v33  }
0x17b: {  	v41 =	vadd.s32 v50, v41;
	v51 =	vsel vm1, $0x1, v22;
	vm1 =	vge.s32 v40, v35  }
0x17c: {  	v41 =	vadd.s32 v51, v41;
	v52 =	vsel vm1, $0x1, v22;
	vm1 =	vge.s32 v40, v36  }
0x17d: {  	v41 =	vadd.s32 v52, v41;
	v53 =	vsel vm1, $0x1, v22;
	vm1 =	vge.s32 v40, v37  }
0x17e: {  	v41 =	vadd.s32 v53, v41;
	v54 =	vsel vm1, $0x1, v22;
	vm1 =	vge.s32 v40, v38  }
0x17f: {  	v41 =	vadd.s32 v54, v41;
	v55 =	vsel vm1, $0x1, v22;
	vm1 =	vge.s32 v40, v39  }
0x180: {  	v41 =	vadd.s32 v55, v41;
	v56 =	vsel vm1, $0x1, v22;
	vm1 =	vge.s32 v40, v34  }
0x181: {  	v41 =	vadd.s32 v56, v41;
	v57 =	vsel vm1, $0x1, v22  }
0x182: {  	v41 =	vadd.s32 v57, v41  }
0x183: {  	v41 =	vmin.u32 v41, $0xF  }
0x184: {  	v58 =	vor.u32 $0x10, v41;
	_ =	sdelay $0x3  }
0x185: {  	v43 =	vld.idx.msk [tilespmem:v41+s1+$0x0], $0xffff  }
0x186: {  	v42 =	vld.idx.msk [tilespmem:v58+s1+$0x0], $0xffff;
	_ =	sdelay $0x1  }
0x187: {  	v41 =	vshll.u32 v41, $0x9  }
0x188: {  	v41 =	vadd.s32 v40, v41  }
0x189: {  	s8 =	sadd.s32 $0x50, s12;
	v41 =	vadd.s32 v43, v41  }
0x18a: {  	v59 =	vor.u32 s8, v0;
	vm1 =	vlt.s32 v40, v34;
	v41 =	vsub.s32 v41, v42  }
0x18b: {  	vm2 =	vge.s32 v59, v25;
	v40 =	vnsel vm1, $0x0, v41;
	vm1 =	vge.s32 v59, v24  }
0x18c: {  	v61 =	vsel vm2, $0x1, v22;
	v60 =	vsel vm1, $0x1, v22;
	vm1 =	vge.s32 v59, v26  }
0x18d: {  	v41 =	vadd.s32 v61, v60;
	v62 =	vsel vm1, $0x1, v22;
	vm1 =	vge.s32 v59, v27  }
0x18e: {  	v41 =	vadd.s32 v62, v41;
	v63 =	vsel vm1, $0x1, v22;
	vm1 =	vge.s32 v59, v28  }
0x18f: {  	v41 =	vadd.s32 v63, v41;
	v45 =	vsel vm1, $0x1, v22;
	vm1 =	vge.s32 v59, v29  }
0x190: {  	v41 =	vadd.s32 v45, v41;
	v46 =	vsel vm1, $0x1, v22;
	vm1 =	vge.s32 v59, v30  }
0x191: {  	v41 =	vadd.s32 v46, v41;
	v47 =	vsel vm1, $0x1, v22;
	vm1 =	vge.s32 v59, v31  }
0x192: {  	v41 =	vadd.s32 v47, v41;
	v48 =	vsel vm1, $0x1, v22;
	vm1 =	vge.s32 v59, v32  }
0x193: {  	v41 =	vadd.s32 v48, v41;
	v49 =	vsel vm1, $0x1, v22;
	vm1 =	vge.s32 v59, v33  }
0x194: {  	v41 =	vadd.s32 v49, v41;
	v50 =	vsel vm1, $0x1, v22;
	vm1 =	vge.s32 v59, v35  }
0x195: {  	v41 =	vadd.s32 v50, v41;
	v51 =	vsel vm1, $0x1, v22;
	vm1 =	vge.s32 v59, v36  }
0x196: {  	v41 =	vadd.s32 v51, v41;
	v52 =	vsel vm1, $0x1, v22;
	vm1 =	vge.s32 v59, v37  }
0x197: {  	v41 =	vadd.s32 v52, v41;
	v53 =	vsel vm1, $0x1, v22;
	vm1 =	vge.s32 v59, v38  }
0x198: {  	v41 =	vadd.s32 v53, v41;
	v54 =	vsel vm1, $0x1, v22;
	vm1 =	vge.s32 v59, v39  }
0x199: {  	v41 =	vadd.s32 v54, v41;
	v55 =	vsel vm1, $0x1, v22;
	vm1 =	vge.s32 v59, v34  }
0x19a: {  	v41 =	vadd.s32 v55, v41;
	v56 =	vsel vm1, $0x1, v22  }
0x19b: {  	v40 =	vld.idx.msk [tilespmem:v40+s5+$0x0], $0xffff;
	v41 =	vadd.s32 v56, v41  }
0x19c: {  	v41 =	vmin.u32 v41, $0xF  }
0x19d: {  	v57 =	vor.u32 $0x10, v41;
	_ =	sdelay $0x2  }
0x19e: {  	[tilespmem:$0xF180] =	vst v40  }
0x19f: {  	v44 =	vld.idx.msk [tilespmem:v41+s1+$0x0], $0xffff  }
0x1a0: {  	v43 =	vld.idx.msk [tilespmem:v57+s1+$0x0], $0xffff;
	_ =	sdelay $0x1  }
0x1a1: {  	v41 =	vshll.u32 v41, $0x9  }
0x1a2: {  	v41 =	vadd.s32 v59, v41  }
0x1a3: {  	s8 =	sadd.s32 $0x60, s12;
	v41 =	vadd.s32 v44, v41  }
0x1a4: {  	v42 =	vor.u32 s8, v0;
	vm1 =	vlt.s32 v59, v34;
	v41 =	vsub.s32 v41, v43  }
0x1a5: {  	vm2 =	vge.s32 v42, v25;
	v41 =	vnsel vm1, $0x0, v41;
	vm1 =	vge.s32 v42, v24  }
0x1a6: {  	v59 =	vsel vm2, $0x1, v22;
	v58 =	vsel vm1, $0x1, v22;
	vm1 =	vge.s32 v42, v26  }
0x1a7: {  	v43 =	vadd.s32 v59, v58;
	v60 =	vsel vm1, $0x1, v22;
	vm1 =	vge.s32 v42, v27  }
0x1a8: {  	v43 =	vadd.s32 v60, v43;
	v61 =	vsel vm1, $0x1, v22;
	vm1 =	vge.s32 v42, v28  }
0x1a9: {  	v43 =	vadd.s32 v61, v43;
	v62 =	vsel vm1, $0x1, v22;
	vm1 =	vge.s32 v42, v29  }
0x1aa: {  	v43 =	vadd.s32 v62, v43;
	v63 =	vsel vm1, $0x1, v22;
	vm1 =	vge.s32 v42, v30  }
0x1ab: {  	v43 =	vadd.s32 v63, v43;
	v48 =	vsel vm1, $0x1, v22;
	vm1 =	vge.s32 v42, v31  }
0x1ac: {  	v43 =	vadd.s32 v48, v43;
	v49 =	vsel vm1, $0x1, v22;
	vm1 =	vge.s32 v42, v32  }
0x1ad: {  	v43 =	vadd.s32 v49, v43;
	v50 =	vsel vm1, $0x1, v22;
	vm1 =	vge.s32 v42, v33  }
0x1ae: {  	v43 =	vadd.s32 v50, v43;
	v51 =	vsel vm1, $0x1, v22;
	vm1 =	vge.s32 v42, v35  }
0x1af: {  	v43 =	vadd.s32 v51, v43;
	v52 =	vsel vm1, $0x1, v22;
	vm1 =	vge.s32 v42, v36  }
0x1b0: {  	v43 =	vadd.s32 v52, v43;
	v53 =	vsel vm1, $0x1, v22;
	vm1 =	vge.s32 v42, v37  }
0x1b1: {  	v43 =	vadd.s32 v53, v43;
	v54 =	vsel vm1, $0x1, v22;
	vm1 =	vge.s32 v42, v38  }
0x1b2: {  	v43 =	vadd.s32 v54, v43;
	v55 =	vsel vm1, $0x1, v22;
	vm1 =	vge.s32 v42, v39  }
0x1b3: {  	v43 =	vadd.s32 v55, v43;
	v56 =	vsel vm1, $0x1, v22;
	vm1 =	vge.s32 v42, v34  }
0x1b4: {  	v43 =	vadd.s32 v56, v43;
	v57 =	vsel vm1, $0x1, v22  }
0x1b5: {  	v41 =	vld.idx.msk [tilespmem:v41+s5+$0x0], $0xffff;
	v43 =	vadd.s32 v57, v43  }
0x1b6: {  	v43 =	vmin.u32 v43, $0xF  }
0x1b7: {  	v58 =	vor.u32 $0x10, v43;
	_ =	sdelay $0x2  }
0x1b8: {  	[tilespmem:$0xF190] =	vst v41  }
0x1b9: {  	v41 =	vld.idx.msk [tilespmem:v43+s1+$0x0], $0xffff  }
0x1ba: {  	v44 =	vld.idx.msk [tilespmem:v58+s1+$0x0], $0xffff;
	_ =	sdelay $0x1  }
0x1bb: {  	v43 =	vshll.u32 v43, $0x9  }
0x1bc: {  	v43 =	vadd.s32 v42, v43  }
0x1bd: {  	s8 =	sadd.s32 $0x70, s12;
	v41 =	vadd.s32 v41, v43  }
0x1be: {  	vm1 =	vlt.s32 v42, v34;
	v43 =	vor.u32 s8, v0;
	v41 =	vsub.s32 v41, v44  }
0x1bf: {  	vm2 =	vge.s32 v43, v25;
	v41 =	vnsel vm1, $0x0, v41;
	vm1 =	vge.s32 v43, v24  }
0x1c0: {  	v60 =	vsel vm2, $0x1, v22;
	v59 =	vsel vm1, $0x1, v22;
	vm1 =	vge.s32 v43, v26  }
0x1c1: {  	v42 =	vadd.s32 v60, v59;
	v61 =	vsel vm1, $0x1, v22;
	vm1 =	vge.s32 v43, v27  }
0x1c2: {  	v42 =	vadd.s32 v61, v42;
	v62 =	vsel vm1, $0x1, v22;
	vm1 =	vge.s32 v43, v28  }
0x1c3: {  	v42 =	vadd.s32 v62, v42;
	v63 =	vsel vm1, $0x1, v22;
	vm1 =	vge.s32 v43, v29  }
0x1c4: {  	v42 =	vadd.s32 v63, v42;
	v48 =	vsel vm1, $0x1, v22;
	vm1 =	vge.s32 v43, v30  }
0x1c5: {  	v42 =	vadd.s32 v48, v42;
	v49 =	vsel vm1, $0x1, v22;
	vm1 =	vge.s32 v43, v31  }
0x1c6: {  	v42 =	vadd.s32 v49, v42;
	v50 =	vsel vm1, $0x1, v22;
	vm1 =	vge.s32 v43, v32  }
0x1c7: {  	v42 =	vadd.s32 v50, v42;
	v51 =	vsel vm1, $0x1, v22;
	vm1 =	vge.s32 v43, v33  }
0x1c8: {  	v42 =	vadd.s32 v51, v42;
	v52 =	vsel vm1, $0x1, v22;
	vm1 =	vge.s32 v43, v35  }
0x1c9: {  	v42 =	vadd.s32 v52, v42;
	v53 =	vsel vm1, $0x1, v22;
	vm1 =	vge.s32 v43, v36  }
0x1ca: {  	v42 =	vadd.s32 v53, v42;
	v54 =	vsel vm1, $0x1, v22;
	vm1 =	vge.s32 v43, v37  }
0x1cb: {  	v42 =	vadd.s32 v54, v42;
	v55 =	vsel vm1, $0x1, v22;
	vm1 =	vge.s32 v43, v38  }
0x1cc: {  	v42 =	vadd.s32 v55, v42;
	v56 =	vsel vm1, $0x1, v22;
	vm1 =	vge.s32 v43, v39  }
0x1cd: {  	v42 =	vadd.s32 v56, v42;
	v57 =	vsel vm1, $0x1, v22;
	vm1 =	vge.s32 v43, v34  }
0x1ce: {  	v42 =	vadd.s32 v57, v42;
	v58 =	vsel vm1, $0x1, v22  }
0x1cf: {  	v41 =	vld.idx.msk [tilespmem:v41+s5+$0x0], $0xffff;
	v42 =	vadd.s32 v58, v42  }
0x1d0: {  	v42 =	vmin.u32 v42, $0xF  }
0x1d1: {  	v59 =	vor.u32 $0x10, v42;
	_ =	sdelay $0x2  }
0x1d2: {  	[tilespmem:$0xF1A0] =	vst v41  }
0x1d3: {  	v41 =	vld.idx.msk [tilespmem:v42+s1+$0x0], $0xffff  }
0x1d4: {  	v44 =	vld.idx.msk [tilespmem:v59+s1+$0x0], $0xffff;
	_ =	sdelay $0x1  }
0x1d5: {  	v42 =	vshll.u32 v42, $0x9  }
0x1d6: {  	v42 =	vadd.s32 v43, v42  }
0x1d7: {  	v41 =	vadd.s32 v41, v42  }
0x1d8: {  	vm1 =	vlt.s32 v43, v34;
	v41 =	vsub.s32 v41, v44  }
0x1d9: {  	v60 =	vshrl.u32 v40, $0x3;
	v41 =	vnsel vm1, $0x0, v41  }
0x1da: {  	v42 =	vmul.u32 $0x30, v60  }
0x1db: {  	v40 =	vand.u32 $0x7, v40  }
0x1dc: {  	v40 =	vor.u32 v40, v42  }
0x1dd: {  	v42 =	vperm.xlane v40, v1  }
0x1de: {  	v41 =	vld.idx.msk [tilespmem:v41+s5+$0x0], $0xffff  }
0x1df: {  	v42 =	vadd.s32 v3, v42;
	_ =	sdelay $0x3  }
0x1e0: {  	v40 =	vperm.xlane v40, v4;
	[tilespmem:$0xF1B0] =	vst v41  }
0x1e1: {  	[tilespmem:s29], [sflag:$0x4] =	stream.indirect_vreg.gather [hbm4b:s3+s5], $0x80, v42, vm0, $0xb8;
	[tilespmem:$0x1EC00] =	vst v63  }
0x1e2: {  	s8 =	simm.s32 $0xFA00;
	v40 =	vadd.s32 v3, v40  }
0x1e3: {  	[tilespmem:s8], [sflag:$0x4] =	stream.indirect_vreg.gather [hbm4b:s15+s5], $0x80, v42, vm0, $0xb8;
	[tilespmem:$0x1EC00] =	vst v63  }
0x1e4: {  	s8 =	simm.s32 $0x10200  }
0x1e5: {  	[tilespmem:s8], [sflag:$0x4] =	stream.indirect_vreg.gather [hbm4b:s16+s5], $0x80, v42, vm0, $0xb8;
	[tilespmem:$0x1EC00] =	vst v63  }
0x1e6: {  	s8 =	simm.s32 $0x10A00  }
0x1e7: {  	[tilespmem:s8], [sflag:$0x4] =	stream.indirect_vreg.gather [hbm4b:s3+s5], $0x80, v40, vm0, $0xb8;
	[tilespmem:$0x1EC00] =	vst v63  }
0x1e8: {  	s8 =	simm.s32 $0x11200  }
0x1e9: {  	[tilespmem:s8], [sflag:$0x4] =	stream.indirect_vreg.gather [hbm4b:s15+s5], $0x80, v40, vm0, $0xb8;
	[tilespmem:$0x1EC00] =	vst v63  }
0x1ea: {  	s8 =	simm.s32 $0x11A00  }
0x1eb: {  	[tilespmem:s8], [sflag:$0x4] =	stream.indirect_vreg.gather [hbm4b:s16+s5], $0x80, v40, vm0, $0xb8;
	[tilespmem:$0x1EC00] =	vst v63  }
0x1ec: {  	v40 =	vld [tilespmem:$0xF190];
	_ =	sdelay $0x4  }
0x1ed: {  	v61 =	vshrl.u32 v40, $0x3  }
0x1ee: {  	v41 =	vmul.u32 $0x30, v61  }
0x1ef: {  	v40 =	vand.u32 $0x7, v40  }
0x1f0: {  	v40 =	vor.u32 v40, v41  }
0x1f1: {  	v41 =	vperm.xlane v40, v1;
	_ =	sdelay $0x1  }
0x1f2: {  	v41 =	vadd.s32 v3, v41;
	_ =	sdelay $0x3  }
0x1f3: {  	s8 =	simm.s32 $0x12200;
	v40 =	vperm.xlane v40, v4  }
0x1f4: {  	[tilespmem:s8], [sflag:$0x4] =	stream.indirect_vreg.gather [hbm4b:s3+s5], $0x80, v41, vm0, $0xb8;
	[tilespmem:$0x1EC00] =	vst v63  }
0x1f5: {  	v40 =	vadd.s32 v3, v40;
	s8 =	simm.s32 $0x12A00  }
0x1f6: {  	[tilespmem:s8], [sflag:$0x4] =	stream.indirect_vreg.gather [hbm4b:s15+s5], $0x80, v41, vm0, $0xb8;
	[tilespmem:$0x1EC00] =	vst v63  }
0x1f7: {  	s8 =	simm.s32 $0x13200  }
0x1f8: {  	[tilespmem:s8], [sflag:$0x4] =	stream.indirect_vreg.gather [hbm4b:s16+s5], $0x80, v41, vm0, $0xb8;
	[tilespmem:$0x1EC00] =	vst v63  }
0x1f9: {  	s8 =	simm.s32 $0x13A00  }
0x1fa: {  	[tilespmem:s8], [sflag:$0x4] =	stream.indirect_vreg.gather [hbm4b:s3+s5], $0x80, v40, vm0, $0xb8;
	[tilespmem:$0x1EC00] =	vst v63  }
0x1fb: {  	s8 =	simm.s32 $0x14200  }
0x1fc: {  	[tilespmem:s8], [sflag:$0x4] =	stream.indirect_vreg.gather [hbm4b:s15+s5], $0x80, v40, vm0, $0xb8;
	[tilespmem:$0x1EC00] =	vst v63  }
0x1fd: {  	s8 =	simm.s32 $0x14A00  }
0x1fe: {  	[tilespmem:s8], [sflag:$0x4] =	stream.indirect_vreg.gather [hbm4b:s16+s5], $0x80, v40, vm0, $0xb8;
	[tilespmem:$0x1EC00] =	vst v63  }
0x1ff: {  	v40 =	vld [tilespmem:$0xF1A0];
	_ =	sdelay $0x4  }
0x200: {  	v62 =	vshrl.u32 v40, $0x3  }
0x201: {  	v41 =	vmul.u32 $0x30, v62  }
0x202: {  	v40 =	vand.u32 $0x7, v40  }
0x203: {  	v40 =	vor.u32 v40, v41  }
0x204: {  	v41 =	vperm.xlane v40, v1;
	_ =	sdelay $0x1  }
0x205: {  	v41 =	vadd.s32 v3, v41;
	_ =	sdelay $0x3  }
0x206: {  	s8 =	simm.s32 $0x15200;
	v40 =	vperm.xlane v40, v4  }
0x207: {  	[tilespmem:s8], [sflag:$0x4] =	stream.indirect_vreg.gather [hbm4b:s3+s5], $0x80, v41, vm0, $0xb8;
	[tilespmem:$0x1EC00] =	vst v63  }
0x208: {  	v40 =	vadd.s32 v3, v40;
	s8 =	simm.s32 $0x15A00  }
0x209: {  	[tilespmem:s8], [sflag:$0x4] =	stream.indirect_vreg.gather [hbm4b:s15+s5], $0x80, v41, vm0, $0xb8;
	[tilespmem:$0x1EC00] =	vst v63  }
0x20a: {  	s8 =	simm.s32 $0x16200  }
0x20b: {  	[tilespmem:s8], [sflag:$0x4] =	stream.indirect_vreg.gather [hbm4b:s16+s5], $0x80, v41, vm0, $0xb8;
	[tilespmem:$0x1EC00] =	vst v63  }
0x20c: {  	s8 =	simm.s32 $0x16A00  }
0x20d: {  	[tilespmem:s8], [sflag:$0x4] =	stream.indirect_vreg.gather [hbm4b:s3+s5], $0x80, v40, vm0, $0xb8;
	[tilespmem:$0x1EC00] =	vst v63  }
0x20e: {  	s8 =	simm.s32 $0x17200  }
0x20f: {  	[tilespmem:s8], [sflag:$0x4] =	stream.indirect_vreg.gather [hbm4b:s15+s5], $0x80, v40, vm0, $0xb8;
	[tilespmem:$0x1EC00] =	vst v63  }
0x210: {  	s8 =	simm.s32 $0x17A00  }
0x211: {  	[tilespmem:s8], [sflag:$0x4] =	stream.indirect_vreg.gather [hbm4b:s16+s5], $0x80, v40, vm0, $0xb8;
	[tilespmem:$0x1EC00] =	vst v63  }
0x212: {  	v40 =	vld [tilespmem:$0xF1B0];
	_ =	sdelay $0x4  }
0x213: {  	v63 =	vshrl.u32 v40, $0x3  }
0x214: {  	v41 =	vmul.u32 $0x30, v63  }
0x215: {  	v40 =	vand.u32 $0x7, v40  }
0x216: {  	v40 =	vor.u32 v40, v41  }
0x217: {  	v41 =	vperm.xlane v40, v1;
	_ =	sdelay $0x1  }
0x218: {  	v41 =	vadd.s32 v3, v41;
	_ =	sdelay $0x3  }
0x219: {  	s8 =	simm.s32 $0x18200;
	v40 =	vperm.xlane v40, v4  }
0x21a: {  	[tilespmem:s8], [sflag:$0x4] =	stream.indirect_vreg.gather [hbm4b:s3+s5], $0x80, v41, vm0, $0xb8;
	[tilespmem:$0x1EC00] =	vst v63  }
0x21b: {  	v40 =	vadd.s32 v3, v40;
	s8 =	simm.s32 $0x18A00  }
0x21c: {  	[tilespmem:s8], [sflag:$0x4] =	stream.indirect_vreg.gather [hbm4b:s15+s5], $0x80, v41, vm0, $0xb8;
	[tilespmem:$0x1EC00] =	vst v63  }
0x21d: {  	s8 =	simm.s32 $0x19200  }
0x21e: {  	[tilespmem:s8], [sflag:$0x4] =	stream.indirect_vreg.gather [hbm4b:s16+s5], $0x80, v41, vm0, $0xb8;
	[tilespmem:$0x1EC00] =	vst v63  }
0x21f: {  	s8 =	simm.s32 $0x19A00  }
0x220: {  	[tilespmem:s8], [sflag:$0x4] =	stream.indirect_vreg.gather [hbm4b:s3+s5], $0x80, v40, vm0, $0xb8;
	[tilespmem:$0x1EC00] =	vst v63  }
0x221: {  	s8 =	simm.s32 $0x1A200  }
0x222: {  	[tilespmem:s8], [sflag:$0x4] =	stream.indirect_vreg.gather [hbm4b:s15+s5], $0x80, v40, vm0, $0xb8;
	[tilespmem:$0x1EC00] =	vst v63  }
0x223: {  	s12 =	sshrl.u32 s12, $0x3;
	s8 =	simm.s32 $0x1AA00  }
0x224: {  	[tilespmem:s8], [sflag:$0x4] =	stream.indirect_vreg.gather [hbm4b:s16+s5], $0x80, v40, vm0, $0xb8;
	[tilespmem:$0x1EC00] =	vst v63  }
0x225: {  	s8 =	smul.u32 $0x300, s12;
	_ =	swait.ge [sflag:s30], $0xC000  }
0x226: {  	[sflag:s30] =	ssyncset.done $0x0  }
0x227: {  	s8 =	sadd.s32 s9, s8;
	[sflag:s30] =	ssyncadd.s32 $0xFFFF4000  }
0x228: {  	[hbm4b:s8+s5] =	stream.linear.scatter [tilespmem:s20], [sflag:$0x5], $0xC000, $0x38;
	[tilespmem:$0x1EC00] =	vst v63  }
.Ltmp6:
0x229: {  	s17 =	sshrl.u32 s17, $0x3;
	(pc) =	sbr.rel .LBB2_6-.Ltmp6, $4  }
0x22a: {  	s8 =	smul.u32 $0x300, s17;
	_ =	swait.ge [sflag:s7], $0xC000  }
0x22b: {  	[sflag:s7] =	ssyncset.done $0x0  }
0x22c: {  	s8 =	sadd.s32 s9, s8;
	[sflag:s7] =	ssyncadd.s32 $0xFFFF4000  }
0x22d: {  	[hbm4b:s8+s5] =	stream.linear.scatter [tilespmem:s29], [sflag:$0x6], $0xC000, $0x38;
	[tilespmem:$0x1EC00] =	vst v63  }
.LBB2_7:
0x22e: {  	p1 =	sgt.s32 s22, $0x0;
	s4 =	simm.s32 $0x1  }
0x22f: {  	s8 =	sshra.s32 s22, $0x1F;
	s4 =	simm.s32 @!p1 $0x0  }
0x230: {  	s17 =	sand.u32 $0x1, s22;
	s4 =	sadd.s32 s4, s8  }
0x231: {  	p2 =	seq.s32 s17, $0x1;
	p6 =	sne.s32 s4, $0x1  }
0x232: {  	s31 =	sshrl.u32 s22, $0x1F;
	p1 =	por !p6, !p2  }
0x233: {  	s8 =	simm.s32 $0x1;
	s4 =	sadd.s32 s31, s22;
	p1 =	por !p1, !p1  }
0x234: {  	s4 =	sshrl.u32 s4, $0x1;
	s8 =	simm.s32 @!p1 $0x0;
	p1 =	slt.s32 s22, $0x1  }
0x235: {  	s4 =	ssub.s32 s4, s8;
	s8 =	simm.s32 @!p1 $0x5  }
0x236: {  	s4 =	sshll.u32 s4, $0x1;
	_ =	swait.ge @!p1 [sflag:s8], $0xC000  }
0x237: {  	p2 =	sne.s32 @!p1 s22, s4;
	s4 =	sshll.u32 s22, $0x6;
	s11 =	rddreg [dreg:$0x11]  }
0x238: {  	[sflag:s8] =	ssyncset.done @!p1 $0x0;
	s11 =	ssub.s32 s11, s4  }
0x239: {  	[sflag:s8] =	ssyncadd.s32 @!p1 $0xFFFF4000;
	s8 =	sshra.s32 s11, $0x4  }
0x23a: {  	p2 =	por p2, p1;
	p1 =	slt.s32 s8, $0x1  }
.Ltmp7:
0x23b: {  	_ = 	snop;
	(pc) =	sbr.rel @p1 .LBB2_12-.Ltmp7, $4  }
0x23c: {  	s12 =	simm.s32 @!p2 $0x6  }
0x23d: {  	_ =	swait.ge @!p2 [sflag:s12], $0xC000  }
0x23e: {  	[sflag:s12] =	ssyncset.done @!p2 $0x0  }
0x23f: {  	s17 =	simm.s32 $0x1E380;
	s11 =	rddreg [dreg:$0x10];
	[sflag:s12] =	ssyncadd.s32 @!p2 $0xFFFF4000  }
0x240: {  	s4 =	sadd.s32 s4, s10  }
0x241: {  	v40 =	vor.u32 s4, v0  }
0x242: {  	vm1 =	vge.s32 v40, v24;
	vm2 =	vge.s32 v40, v25  }
0x243: {  	vm3 =	vge.s32 v40, v26;
	v41 =	vsel vm1, $0x1, v22;
	v42 =	vsel vm2, $0x1, v22  }
0x244: {  	vm1 =	vge.s32 v40, v27;
	v49 =	vsel vm3, $0x1, v22;
	v41 =	vadd.s32 v42, v41  }
0x245: {  	vm2 =	vge.s32 v40, v28;
	v50 =	vsel vm1, $0x1, v22;
	v41 =	vadd.s32 v49, v41  }
0x246: {  	vm1 =	vge.s32 v40, v29;
	v51 =	vsel vm2, $0x1, v22;
	v41 =	vadd.s32 v50, v41  }
0x247: {  	vm2 =	vge.s32 v40, v30;
	v52 =	vsel vm1, $0x1, v22;
	v41 =	vadd.s32 v51, v41  }
0x248: {  	vm1 =	vge.s32 v40, v31;
	v53 =	vsel vm2, $0x1, v22;
	v41 =	vadd.s32 v52, v41  }
0x249: {  	vm2 =	vge.s32 v40, v32;
	v54 =	vsel vm1, $0x1, v22;
	v41 =	vadd.s32 v53, v41  }
0x24a: {  	vm1 =	vge.s32 v40, v33;
	v55 =	vsel vm2, $0x1, v22;
	v41 =	vadd.s32 v54, v41  }
0x24b: {  	vm2 =	vge.s32 v40, v35;
	v56 =	vsel vm1, $0x1, v22;
	v41 =	vadd.s32 v55, v41  }
0x24c: {  	vm1 =	vge.s32 v40, v36;
	v57 =	vsel vm2, $0x1, v22;
	v41 =	vadd.s32 v56, v41  }
0x24d: {  	vm2 =	vge.s32 v40, v37;
	v58 =	vsel vm1, $0x1, v22;
	v41 =	vadd.s32 v57, v41  }
0x24e: {  	vm1 =	vge.s32 v40, v38;
	v59 =	vsel vm2, $0x1, v22;
	v41 =	vadd.s32 v58, v41  }
0x24f: {  	vm2 =	vge.s32 v40, v39;
	v60 =	vsel vm1, $0x1, v22;
	v41 =	vadd.s32 v59, v41  }
0x250: {  	p2 =	sne.s32 s8, $0x1;
	vm1 =	vge.s32 v40, v34;
	v61 =	vsel vm2, $0x1, v22;
	v41 =	vadd.s32 v60, v41  }
.Ltmp8:
0x251: {  	v62 =	vsel vm1, $0x1, v22;
	v41 =	vadd.s32 v61, v41;
	(pc) =	sbr.rel @!p2 .LBB2_11-.Ltmp8, $4  }
0x252: {  	v41 =	vadd.s32 v62, v41  }
0x253: {  	v41 =	vmin.u32 v41, $0xF  }
0x254: {  	s10 =	sshrl.u32 s4, $0x3;
	v63 =	vshll.u32 v41, $0x9  }
0x255: {  	s8 =	sadd.s32 $0xFFFFFFFF, s8;
	p1 =	por $0x0, $0x0;
	s10 =	smul.u32 $0x300, s10;
	v43 =	vor.u32 $0x10, v41;
	v42 =	vadd.s32 v40, v63  }
0x256: {  	_ =	sdelay $0x3  }
0x257: {  	v41 =	vld.idx.msk [tilespmem:v41+s1+$0x0], $0xffff  }
0x258: {  	v43 =	vld.idx.msk [tilespmem:v43+s1+$0x0], $0xffff;
	_ =	sdelay $0x3  }
0x259: {  	v41 =	vadd.s32 v41, v42  }
0x25a: {  	vm1 =	vlt.s32 v40, v34;
	v41 =	vsub.s32 v41, v43  }
0x25b: {  	v40 =	vnsel vm1, $0x0, v41;
	_ =	sdelay $0x4  }
0x25c: {  	v41 =	vld.idx.msk [tilespmem:v40+s5+$0x0], $0xffff;
	_ =	sdelay $0x4  }
0x25d: {  	v40 =	vshrl.u32 v41, $0x3  }
0x25e: {  	v40 =	vmul.u32 $0x30, v40  }
0x25f: {  	v46 =	vand.u32 $0x7, v41  }
0x260: {  	v40 =	vor.u32 v46, v40  }
0x261: {  	v42 =	vperm.xlane v40, v1  }
0x262: {  	s4 =	sadd.s32 $0x10, s4  }
0x263: {  	v47 =	vperm.xlane v40, v4;
	v40 =	vor.u32 s4, v0;
	v42 =	vadd.s32 v3, v42  }
0x264: {  	vm1 =	vge.s32 v40, v24;
	vm2 =	vge.s32 v40, v25;
	vm3 =	vge.s32 v40, v26  }
0x265: {  	v43 =	vadd.s32 v3, v47;
	v44 =	vsel vm1, $0x1, v22;
	v45 =	vsel vm2, $0x1, v22  }
0x266: {  	vm1 =	vge.s32 v40, v27;
	v48 =	vsel vm3, $0x1, v22;
	v44 =	vadd.s32 v45, v44  }
0x267: {  	[tilespmem:$0x1B200] =	vst v41;
	vm2 =	vge.s32 v40, v28;
	v50 =	vsel vm1, $0x1, v22;
	v49 =	vadd.s32 v48, v44  }
0x268: {  	vm1 =	vge.s32 v40, v29;
	v51 =	vsel vm2, $0x1, v22;
	v41 =	vadd.s32 v50, v49;
	[tilespmem:s20], [sflag:$0x3] =	stream.indirect_vreg.gather [hbm4b:s3+s5], $0x80, v42, vm0, $0xb8;
	[tilespmem:$0x1EC00] =	vst v63  }
0x269: {  	vm2 =	vge.s32 v40, v30;
	v52 =	vsel vm1, $0x1, v22;
	v41 =	vadd.s32 v51, v41  }
0x26a: {  	vm1 =	vge.s32 v40, v31;
	v53 =	vsel vm2, $0x1, v22;
	v41 =	vadd.s32 v52, v41;
	[tilespmem:s23], [sflag:$0x3] =	stream.indirect_vreg.gather [hbm4b:s15+s5], $0x80, v42, vm0, $0xb8;
	[tilespmem:$0x1EC00] =	vst v63  }
0x26b: {  	vm2 =	vge.s32 v40, v32;
	v54 =	vsel vm1, $0x1, v22;
	v41 =	vadd.s32 v53, v41  }
0x26c: {  	vm1 =	vge.s32 v40, v33;
	v55 =	vsel vm2, $0x1, v22;
	v41 =	vadd.s32 v54, v41;
	[tilespmem:s24], [sflag:$0x3] =	stream.indirect_vreg.gather [hbm4b:s16+s5], $0x80, v42, vm0, $0xb8;
	[tilespmem:$0x1EC00] =	vst v63  }
0x26d: {  	vm2 =	vge.s32 v40, v35;
	v56 =	vsel vm1, $0x1, v22;
	v41 =	vadd.s32 v55, v41  }
0x26e: {  	vm1 =	vge.s32 v40, v36;
	v57 =	vsel vm2, $0x1, v22;
	v41 =	vadd.s32 v56, v41;
	[tilespmem:s25], [sflag:$0x3] =	stream.indirect_vreg.gather [hbm4b:s3+s5], $0x80, v43, vm0, $0xb8;
	[tilespmem:$0x1EC00] =	vst v63  }
0x26f: {  	vm2 =	vge.s32 v40, v37;
	v58 =	vsel vm1, $0x1, v22;
	v41 =	vadd.s32 v57, v41  }
0x270: {  	vm1 =	vge.s32 v40, v38;
	v59 =	vsel vm2, $0x1, v22;
	v41 =	vadd.s32 v58, v41;
	[tilespmem:s26], [sflag:$0x3] =	stream.indirect_vreg.gather [hbm4b:s15+s5], $0x80, v43, vm0, $0xb8;
	[tilespmem:$0x1EC00] =	vst v63  }
0x271: {  	vm2 =	vge.s32 v40, v39;
	v60 =	vsel vm1, $0x1, v22;
	v41 =	vadd.s32 v59, v41  }
0x272: {  	vm1 =	vge.s32 v40, v34;
	v61 =	vsel vm2, $0x1, v22;
	v41 =	vadd.s32 v60, v41;
	[tilespmem:s28], [sflag:$0x3] =	stream.indirect_vreg.gather [hbm4b:s16+s5], $0x80, v43, vm0, $0xb8;
	[tilespmem:$0x1EC00] =	vst v63  }
0x273: {  	p2 =	sne.s32 s8, $0x1;
	v62 =	vsel vm1, $0x1, v22;
	v41 =	vadd.s32 v61, v41;
	_ =	swait.ge [sflag:s30], $0x3000  }
.Ltmp9:
0x274: {  	v41 =	vadd.s32 v62, v41;
	[sflag:s30] =	ssyncset.done $0x0;
	(pc) =	sbr.rel @!p2 .LBB2_11-.Ltmp9, $4  }
0x275: {  	s10 =	sadd.s32 s9, s10;
	v41 =	vmin.u32 v41, $0xF;
	[sflag:s30] =	ssyncadd.s32 $0xFFFFD000  }
0x276: {  	v43 =	vor.u32 $0x10, v41;
	[hbm4b:s10+s5] =	stream.linear.scatter [tilespmem:s20], [sflag:$0x7], $0x3000, $0x38;
	[tilespmem:$0x1EC00] =	vst v63  }
0x277: {  	s8 =	sadd.s32 $0xFFFFFFFF, s8;
	s31 =	sshrl.u32 s4, $0x3;
	v63 =	vshll.u32 v41, $0x9;
	_ =	swait.ge [sflag:s21], $0x3000  }
0x278: {  	p1 =	por $0x1, $0x1;
	v42 =	vadd.s32 v40, v63;
	s10 =	smul.u32 $0x300, s31;
	[sflag:s21] =	ssyncset.done $0x0  }
.LBB2_10:
0x279: {  	p2 =	sne.s32 s8, $0x1;
	s8 =	sadd.s32 $0xFFFFFFFF, s8;
	[sflag:s21] =	ssyncadd.s32 $0xFFFFD000  }
0x27a: {  	v41 =	vld.idx.msk [tilespmem:v41+s1+$0x0], $0xffff  }
0x27b: {  	v43 =	vld.idx.msk [tilespmem:v43+s1+$0x0], $0xffff;
	_ =	sdelay $0x4  }
0x27c: {  	v41 =	vadd.s32 v41, v42  }
0x27d: {  	vm1 =	vlt.s32 v40, v34;
	v41 =	vsub.s32 v41, v43  }
0x27e: {  	v40 =	vnsel vm1, $0x0, v41;
	_ =	sdelay $0x4  }
0x27f: {  	v41 =	vld.idx.msk [tilespmem:v40+s5+$0x0], $0xffff;
	_ =	sdelay $0x5  }
0x280: {  	v40 =	vshrl.u32 v41, $0x3  }
0x281: {  	v40 =	vmul.u32 $0x30, v40  }
0x282: {  	v42 =	vand.u32 $0x7, v41  }
0x283: {  	v40 =	vor.u32 v42, v40  }
0x284: {  	v42 =	vperm.xlane v40, v1;
	v43 =	vperm.xlane v40, v4  }
0x285: {  	s4 =	sadd.s32 $0x10, s4  }
0x286: {  	s11 =	sshrl.u32 s4, $0x3;
	v40 =	vor.u32 s4, v0;
	v42 =	vadd.s32 v3, v42;
	v43 =	vadd.s32 v3, v43  }
0x287: {  	s11 =	smul.u32 $0x300, s11;
	vm1 =	vge.s32 v40, v24;
	vm2 =	vge.s32 v40, v25;
	vm3 =	vge.s32 v40, v26  }
0x288: {  	v44 =	vsel vm1, $0x1, v22;
	v45 =	vsel vm2, $0x1, v22;
	vm1 =	vge.s32 v40, v27  }
0x289: {  	vm2 =	vge.s32 v40, v28;
	v44 =	vadd.s32 v45, v44;
	v45 =	vsel vm3, $0x1, v22  }
0x28a: {  	v44 =	vadd.s32 v45, v44;
	v45 =	vsel vm1, $0x1, v22;
	vm1 =	vge.s32 v40, v29;
	[tilespmem:$0x1B200] =	vst v41  }
0x28b: {  	v41 =	vadd.s32 v45, v44;
	v44 =	vsel vm2, $0x1, v22;
	vm2 =	vge.s32 v40, v30;
	[tilespmem:s20], [sflag:$0x3] =	stream.indirect_vreg.gather [hbm4b:s3+s5], $0x80, v42, vm0, $0xb8;
	[tilespmem:$0x1EC00] =	vst v63  }
0x28c: {  	v41 =	vadd.s32 v44, v41;
	v44 =	vsel vm1, $0x1, v22;
	vm1 =	vge.s32 v40, v31  }
0x28d: {  	v41 =	vadd.s32 v44, v41;
	v44 =	vsel vm2, $0x1, v22;
	vm2 =	vge.s32 v40, v32;
	[tilespmem:s23], [sflag:$0x3] =	stream.indirect_vreg.gather [hbm4b:s15+s5], $0x80, v42, vm0, $0xb8;
	[tilespmem:$0x1EC00] =	vst v63  }
0x28e: {  	v41 =	vadd.s32 v44, v41;
	v44 =	vsel vm1, $0x1, v22;
	vm1 =	vge.s32 v40, v33  }
0x28f: {  	v41 =	vadd.s32 v44, v41;
	v44 =	vsel vm2, $0x1, v22;
	vm2 =	vge.s32 v40, v35;
	[tilespmem:s24], [sflag:$0x3] =	stream.indirect_vreg.gather [hbm4b:s16+s5], $0x80, v42, vm0, $0xb8;
	[tilespmem:$0x1EC00] =	vst v63  }
0x290: {  	v41 =	vadd.s32 v44, v41;
	v42 =	vsel vm1, $0x1, v22;
	vm1 =	vge.s32 v40, v36  }
0x291: {  	v41 =	vadd.s32 v42, v41;
	v42 =	vsel vm2, $0x1, v22;
	vm2 =	vge.s32 v40, v37;
	[tilespmem:s25], [sflag:$0x3] =	stream.indirect_vreg.gather [hbm4b:s3+s5], $0x80, v43, vm0, $0xb8;
	[tilespmem:$0x1EC00] =	vst v63  }
0x292: {  	v41 =	vadd.s32 v42, v41;
	v42 =	vsel vm1, $0x1, v22;
	vm1 =	vge.s32 v40, v38  }
0x293: {  	v41 =	vadd.s32 v42, v41;
	v42 =	vsel vm2, $0x1, v22;
	vm2 =	vge.s32 v40, v39;
	[tilespmem:s26], [sflag:$0x3] =	stream.indirect_vreg.gather [hbm4b:s15+s5], $0x80, v43, vm0, $0xb8;
	[tilespmem:$0x1EC00] =	vst v63  }
0x294: {  	v41 =	vadd.s32 v42, v41;
	v42 =	vsel vm1, $0x1, v22;
	vm1 =	vge.s32 v40, v34  }
0x295: {  	v41 =	vadd.s32 v42, v41;
	v42 =	vsel vm2, $0x1, v22;
	[tilespmem:s28], [sflag:$0x3] =	stream.indirect_vreg.gather [hbm4b:s16+s5], $0x80, v43, vm0, $0xb8;
	[tilespmem:$0x1EC00] =	vst v63  }
0x296: {  	v41 =	vadd.s32 v42, v41;
	v42 =	vsel vm1, $0x1, v22;
	_ =	swait.ge [sflag:s30], $0x3000  }
.Ltmp10:
0x297: {  	v41 =	vadd.s32 v42, v41;
	[sflag:s30] =	ssyncset.done $0x0;
	(pc) =	sbr.rel @p2 .LBB2_10-.Ltmp10, $4  }
0x298: {  	s12 =	sadd.s32 s9, s10;
	s10 =	smov.u32 s11;
	v41 =	vmin.u32 v41, $0xF;
	[sflag:s30] =	ssyncadd.s32 $0xFFFFD000  }
0x299: {  	v43 =	vor.u32 $0x10, v41;
	v42 =	vshll.u32 v41, $0x9;
	[hbm4b:s12+s5] =	stream.linear.scatter [tilespmem:s20], [sflag:$0x7], $0x3000, $0x38;
	[tilespmem:$0x1EC00] =	vst v63  }
0x29a: {  	v42 =	vadd.s32 v40, v42;
	_ =	swait.ge [sflag:s21], $0x3000  }
0x29b: {  	[sflag:s21] =	ssyncset.done $0x0  }
.Ltmp11:
0x29c: {  	_ = 	snop;
	(pc) =	sbr.rel .LBB2_11-.Ltmp11, $1  }
0x29d: {  	_ =	sdelay $0x3  }
.LBB2_13:
0x29e: {  	_ =	sfence.sel $0x180000  }
0x29f: {  	[bflag:$0x0] =	sbarrier.arrive $0xFFFF  }
0x2a0: {  	_ =	strace $0x90000047  }
0x2a1: {  	s0 =	stileid.u32;
	[bflag:$0x2] =	sbarrier.arrive $0xFFFF  }
0x2a2: {  	p0 =	sne.s32 s0, $0x0;
	s0 =	rddreg [dreg:$0x4]  }
0x2a3: {  	s0 =	sadd.s32 @!p0 $0x100000, s0  }
0x2a4: {  	[sflag:s0] =	ssyncadd.tile.s32 @!p0 $0x1;
	_ =	shalt  }
.Lfunc_end2:
_tile_overlayer_lowered:
.L_overlay_start_2:
0x2a5: {  	(tag) =	ssettag $0x2  }
0x2a6: {  	s0 =	rddreg [dreg:$0x0];
	s2 =	stileid.u32  }
0x2a7: {  	s1 =	rddreg [dreg:$0x1];
	p0 =	sne.s32 s2, $0x0  }
0x2a8: {  	s3 =	rddreg [dreg:$0x2];
	[bflag:$0x3] =	sbarrier.arrive $0xFFFF;
	s2 =	simm.s32 @!p0 $0x1C07  }
0x2a9: {  	[timem:s3], [sflag:s2] =	dma.local @!p0 [hbm:s0], s1  }
0x2aa: {  	s0 =	simm.s32 @!p0 $0x7  }
0x2ab: {  	_ =	swait.ge @!p0 [sflag:s0], s1  }
0x2ac: {  	s1 =	ssub.s32 @!p0 $0x0, s1;
	[sflag:s0] =	ssyncset.done @!p0 $0x0  }
0x2ad: {  	[sflag:s0] =	ssyncadd.s32 @!p0 s1  }
0x2ae: {  	[bflag:$0x3] =	sbarrier.arrive $0xFFFF  }
0x2af: {  	_ =	shalt  }

</sc_bundles>
